<compile_context>
chip_gen: v7x
topology: tpu7x:2x2x1
jax: 0.10.2.dev20260603
libtpu: 0.0.44.dev20260713+nightly
codegen_flags: <defaults>
</compile_context>

<pallas_src>
import functools

import jax
import jax.numpy as jnp
from jax import lax
from jax.experimental import pallas as pl
from jax.experimental.pallas import tpu as pltpu
from jax.experimental.pallas import tpu_sc as plsc

_KK = 8
_NB = 8
_SC_CORES = 2
_SC_SUBCORES = 16
_NW = _SC_CORES * _SC_SUBCORES
_CH = 128


def _knn_call(xp, xt, br, bc, meta, g_steps, R=256, C=512):
    N, F = xp.shape
    NI, NJ = N // R, xt.shape[1] // C

    def body(meta_ref, xr_ref, xt_ref, br_ref, bc_ref, out_ref, bv_ref,
             bi_ref):
        g = pl.program_id(0)

        @pl.when(meta_ref[2, g] == 1)
        def _():
            bv_ref[...] = jnp.full((R, _KK), jnp.inf, jnp.float32)
            bi_ref[...] = jnp.zeros((R, _KK), jnp.int32)

        jc = meta_ref[1, g]
        xi = xr_ref[...]
        xtj = xt_ref[...]
        dot = jnp.dot(xi, xtj, preferred_element_type=jnp.float32)
        d2r = jnp.sum(xi * xi, axis=1, keepdims=True)
        d2c = jnp.sum(xtj * xtj, axis=0, keepdims=True)
        D = (d2r + d2c) - 2.0 * dot
        D = jnp.where(br_ref[...] != bc_ref[...], jnp.inf, D)
        cols = lax.broadcasted_iota(jnp.int32, (R, C), 1) + jc * C
        workD = jnp.concatenate([bv_ref[...], D], axis=1)
        workI = jnp.concatenate([bi_ref[...], cols], axis=1)
        nv, ni = [], []
        for _ in range(_KK):
            m = jnp.min(workD, axis=1, keepdims=True)
            sel = workD == m
            mi = jnp.min(jnp.where(sel, workI, jnp.int32(2**30)), axis=1,
                         keepdims=True)
            nv.append(m)
            ni.append(mi)
            workD = jnp.where(sel, jnp.inf, workD)
        bv_ref[...] = jnp.concatenate(nv, axis=1)
        bi_ref[...] = jnp.concatenate(ni, axis=1)
        out_ref[...] = bi_ref[...]

    grid_spec = pltpu.PrefetchScalarGridSpec(
        num_scalar_prefetch=1,
        grid=(g_steps,),
        in_specs=[
            pl.BlockSpec((R, F), lambda g, m: (m[0, g], 0)),
            pl.BlockSpec((F, C), lambda g, m: (0, m[1, g])),
            pl.BlockSpec((R, 1), lambda g, m: (m[0, g], 0)),
            pl.BlockSpec((1, C), lambda g, m: (0, m[1, g])),
        ],
        out_specs=pl.BlockSpec((R, _KK), lambda g, m: (m[0, g], 0)),
        scratch_shapes=[
            pltpu.VMEM((R, _KK), jnp.float32),
            pltpu.VMEM((R, _KK), jnp.int32),
        ],
    )
    return pl.pallas_call(
        body,
        grid_spec=grid_spec,
        out_shape=jax.ShapeDtypeStruct((N, _KK), jnp.int32),
        compiler_params=pltpu.CompilerParams(
            dimension_semantics=("arbitrary",)),
    )(meta, xp, xt, br, bc)


def _node_xf(xc, A, Bm, b1, Rn=512):
    N, F = xc.shape
    H = A.shape[1]

    def body(x_ref, A_ref, B_ref, b1_ref, a_ref, c_ref):
        xv = x_ref[...]
        a_ref[...] = jnp.dot(xv, A_ref[...],
                             preferred_element_type=jnp.float32) + b1_ref[...]
        c_ref[...] = jnp.dot(xv, B_ref[...], preferred_element_type=jnp.float32)

    return pl.pallas_call(
        body,
        grid=(N // Rn,),
        in_specs=[
            pl.BlockSpec((Rn, F), lambda i: (i, 0)),
            pl.BlockSpec((F, H), lambda i: (0, 0)),
            pl.BlockSpec((F, H), lambda i: (0, 0)),
            pl.BlockSpec((1, H), lambda i: (0, 0)),
        ],
        out_specs=[
            pl.BlockSpec((Rn, H), lambda i: (i, 0)),
            pl.BlockSpec((Rn, H), lambda i: (i, 0)),
        ],
        out_shape=[
            jax.ShapeDtypeStruct((N, H), jnp.float32),
            jax.ShapeDtypeStruct((N, H), jnp.float32),
        ],
    )(xc, A, Bm, b1)


def _sc_gather(table, idx3):
    V, H = table.shape
    NW, nch, CH = idx3.shape
    E = NW * nch * CH
    epw = nch * CH
    mesh = plsc.VectorSubcoreMesh(core_axis_name="c", subcore_axis_name="s")

    @functools.partial(
        pl.kernel,
        mesh=mesh,
        out_type=jax.ShapeDtypeStruct((E, H), jnp.float32),
        scratch_types=[
            pltpu.VMEM((nch, CH), jnp.int32),
            pltpu.VMEM((CH, H), jnp.float32),
            pltpu.SemaphoreType.DMA,
        ],
    )
    def gk(tab_hbm, idx_hbm, out_hbm, idx_v, rows_v, sem):
        wid = lax.axis_index("s") * _SC_CORES + lax.axis_index("c")
        base = wid * epw
        pltpu.sync_copy(idx_hbm.at[wid], idx_v)

        def chunk(jc, carry):
            pltpu.async_copy(tab_hbm.at[idx_v.at[jc]], rows_v, sem).wait()
            pltpu.sync_copy(rows_v, out_hbm.at[pl.ds(base + jc * CH, CH)])
            return carry

        lax.fori_loop(0, nch, chunk, 0)

    return gk(table, idx3)


def _edge_mlp(g, a, W2, b2, Rm=256):
    E, H = g.shape
    N = a.shape[0]

    def body(g_ref, a_ref, W2_ref, b2_ref, out_ref):
        av = a_ref[...]
        gv = g_ref[...]
        arep = jnp.reshape(jnp.broadcast_to(av[:, None, :], (Rm, _KK, H)),
                           (Rm * _KK, H))
        h1 = jnp.maximum(arep + gv, 0.0)
        h2 = jnp.dot(h1, W2_ref[...],
                     preferred_element_type=jnp.float32) + b2_ref[...]
        h2 = jnp.maximum(h2, 0.0)
        out_ref[...] = jnp.mean(jnp.reshape(h2, (Rm, _KK, H)), axis=1)

    return pl.pallas_call(
        body,
        grid=(N // Rm,),
        in_specs=[
            pl.BlockSpec((Rm * _KK, H), lambda i: (i, 0)),
            pl.BlockSpec((Rm, H), lambda i: (i, 0)),
            pl.BlockSpec((H, H), lambda i: (0, 0)),
            pl.BlockSpec((1, H), lambda i: (0, 0)),
        ],
        out_specs=pl.BlockSpec((Rm, H), lambda i: (i, 0)),
        out_shape=jax.ShapeDtypeStruct((N, H), jnp.float32),
    )(g, a, W2, b2)


def _head(x1, x2, x3, bc, W1, b1, W2, b2):
    N, H = x1.shape
    O = W2.shape[1]

    def body(x1_ref, x2_ref, x3_ref, bc_ref, W1_ref, b1_ref, W2_ref, b2_ref,
             out_ref):
        oh = (lax.broadcasted_iota(jnp.int32, (_NB, N), 0)
              == bc_ref[...]).astype(jnp.float32)
        counts = jnp.sum(oh, axis=1, keepdims=True)
        s1 = jnp.dot(oh, x1_ref[...], preferred_element_type=jnp.float32)
        s2 = jnp.dot(oh, x2_ref[...], preferred_element_type=jnp.float32)
        s3 = jnp.dot(oh, x3_ref[...], preferred_element_type=jnp.float32)
        sums = jnp.concatenate([s1, s2, s3], axis=1)
        pooled = sums / jnp.maximum(counts, 1.0)
        hh = jnp.maximum(
            jnp.dot(pooled, W1_ref[...],
                    preferred_element_type=jnp.float32) + b1_ref[...], 0.0)
        out_ref[...] = jnp.dot(hh, W2_ref[...],
                               preferred_element_type=jnp.float32) + b2_ref[...]

    return pl.pallas_call(
        body,
        out_shape=jax.ShapeDtypeStruct((_NB, O), jnp.float32),
    )(x1, x2, x3, bc, W1, b1, W2, b2)


def kernel(x, batch, c1_W1, c1_b1, c1_W2, c1_b2, c2_W1, c2_b1, c2_W2, c2_b2,
           c3_W1, c3_b1, c3_W2, c3_b2, mlp_W1, mlp_b1, mlp_W2, mlp_b2):
    N = x.shape[0]
    batch = batch.astype(jnp.int32)
    br = batch.reshape(N, 1)
    bc = batch.reshape(1, N)
    xp = jnp.concatenate(
        [x.astype(jnp.float32), jnp.zeros((N, 5), jnp.float32)], axis=1)

    R, C = 256, 512
    NI, NJ = N // R, N // C
    NSPLIT = 2
    NH = N // NSPLIT
    NIH = NI // NSPLIT
    ids = jnp.arange(_NB, dtype=jnp.int32)
    seg_start = jnp.searchsorted(batch, ids, side="left").astype(jnp.int32)
    seg_end = jnp.searchsorted(batch, ids, side="right").astype(jnp.int32)
    lo_tile = seg_start[batch[::R]] // C
    hi_tile = (seg_end[batch[R - 1::R]] + C - 1) // C
    nt_all = hi_tile - lo_tile

    def mk_tables(lo, nt):
        cum = jnp.concatenate(
            [jnp.zeros((1,), jnp.int32), jnp.cumsum(nt).astype(jnp.int32)])
        gidx = jnp.arange(NIH * NJ, dtype=jnp.int32)
        blk = jnp.minimum(
            jnp.searchsorted(cum, gidx, side="right").astype(jnp.int32) - 1,
            NIH - 1)
        tile = jnp.clip(lo[blk] + (gidx - cum[blk]), 0, NJ - 1)
        first = (gidx == cum[blk]).astype(jnp.int32)
        return jnp.stack([blk, tile, first]), cum[-1]

    metas = [mk_tables(lo_tile[h * NIH:(h + 1) * NIH],
                       nt_all[h * NIH:(h + 1) * NIH]) for h in range(NSPLIT)]

    def layer(xc, W1, b1, W2, b2, Fin):
        A = W1[:Fin] - W1[Fin:]
        Bm = W1[Fin:]
        F = xc.shape[1]
        if Fin < F:
            pad = jnp.zeros((F - Fin, W1.shape[1]), jnp.float32)
            A = jnp.concatenate([A, pad], axis=0)
            Bm = jnp.concatenate([Bm, pad], axis=0)
        a, c = _node_xf(xc, A, Bm, b1.reshape(1, -1))
        xt = xc.T
        nch = (NH * _KK) // (_NW * _CH)
        halves = []
        idxs = []
        for h in range(NSPLIT):
            meta_h, g_steps_h = metas[h]
            idxs.append(_knn_call(
                xc[h * NH:(h + 1) * NH], xt, br[h * NH:(h + 1) * NH], bc,
                meta_h, g_steps_h, R=R, C=C))
        for h in range(NSPLIT):
            g = _sc_gather(c, idxs[h].reshape(_NW, nch, _CH))
            halves.append(_edge_mlp(g, a[h * NH:(h + 1) * NH], W2,
                                    b2.reshape(1, -1)))
        return jnp.concatenate(halves, axis=0)

    x1 = layer(xp, c1_W1, c1_b1, c1_W2, c1_b2, 3)
    x2 = layer(x1, c2_W1, c2_b1, c2_W2, c2_b2, 128)
    x3 = layer(x2, c3_W1, c3_b1, c3_W2, c3_b2, 128)
    return _head(x1, x2, x3, bc, mlp_W1, mlp_b1.reshape(1, -1),
                 mlp_W2, mlp_b2.reshape(1, -1))

# --- scband reference (transcript-rebuilt; emitter-appended) ---
"""Pipeline reference for scband-simple-gnn-53274774340236 (READ-ONLY COPY).

The authoritative reference and input builder live on the scoring server;
editing this copy changes nothing except your own understanding.
"""

import jax, jax.numpy as jnp
import numpy as np

N = 8192
B = 8
K = 8
H = 128

def _knn_idx(x, batch, k):
    d2 = jnp.sum(x * x, axis=1)
    dist = d2[:, None] + d2[None, :] - 2.0 * (x @ x.T)
    mask = batch[:, None] != batch[None, :]
    dist = jnp.where(mask, jnp.inf, dist)
    _, idx = jax.lax.top_k(-dist, k)
    return idx

def _edge_conv(x, batch, k, W1, b1, W2, b2):
    idx = _knn_idx(x, batch, k)
    x_j = x[idx]
    x_i = jnp.broadcast_to(x[:, None, :], x_j.shape)
    m = jnp.concatenate([x_i, x_j - x_i], axis=-1)
    h = jax.nn.relu(m @ W1 + b1)
    h = jax.nn.relu(h @ W2 + b2)
    return jnp.mean(h, axis=1)

def _init_linear(key, fan_in, fan_out):
    k1, k2 = jax.random.split(key)
    lim = 1.0 / np.sqrt(fan_in)
    W = jax.random.uniform(k1, (fan_in, fan_out), minval=-lim, maxval=lim, dtype=jnp.float32)
    b = jax.random.uniform(k2, (fan_out,), minval=-lim, maxval=lim, dtype=jnp.float32)
    return W, b

def setup_inputs(seed: int = 0):
    key = jax.random.key(seed)
    ks = jax.random.split(key, 10)
    x = jax.random.normal(ks[0], (N, 3), dtype=jnp.float32)
    batch = jnp.sort(jax.random.randint(ks[1], (N,), 0, B)).astype(jnp.int32)
    c1_W1, c1_b1 = _init_linear(ks[2], 2 * 3, H)
    c1_W2, c1_b2 = _init_linear(ks[3], H, H)
    c2_W1, c2_b1 = _init_linear(ks[4], 2 * H, H)
    c2_W2, c2_b2 = _init_linear(ks[5], H, H)
    c3_W1, c3_b1 = _init_linear(ks[6], 2 * H, H)
    c3_W2, c3_b2 = _init_linear(ks[7], H, H)
    mlp_W1, mlp_b1 = _init_linear(ks[8], 3 * H, H)
    mlp_W2, mlp_b2 = _init_linear(ks[9], H, 2)
    return {"x": x, "batch": batch,
            "c1_W1": c1_W1, "c1_b1": c1_b1, "c1_W2": c1_W2, "c1_b2": c1_b2,
            "c2_W1": c2_W1, "c2_b1": c2_b1, "c2_W2": c2_W2, "c2_b2": c2_b2,
            "c3_W1": c3_W1, "c3_b1": c3_b1, "c3_W2": c3_W2, "c3_b2": c3_b2,
            "mlp_W1": mlp_W1, "mlp_b1": mlp_b1, "mlp_W2": mlp_W2, "mlp_b2": mlp_b2}

def reference(x, batch, c1_W1, c1_b1, c1_W2, c1_b2, c2_W1, c2_b1, c2_W2, c2_b2, c3_W1, c3_b1, c3_W2, c3_b2, mlp_W1, mlp_b1, mlp_W2, mlp_b2):
    x1 = _edge_conv(x, batch, K, c1_W1, c1_b1, c1_W2, c1_b2)
    x2 = _edge_conv(x1, batch, K, c2_W1, c2_b1, c2_W2, c2_b2)
    x3 = _edge_conv(x2, batch, K, c3_W1, c3_b1, c3_W2, c3_b2)
    h = jnp.concatenate([x1, x2, x3], axis=1)
    sums = jax.ops.segment_sum(h, batch, num_segments=B)
    counts = jax.ops.segment_sum(jnp.ones((h.shape[0],), dtype=h.dtype), batch, num_segments=B)
    pooled = sums / jnp.maximum(counts, 1.0)[:, None]
    out = jax.nn.relu(pooled @ mlp_W1 + mlp_b1) @ mlp_W2 + mlp_b2
    return out

if __name__ == "__main__":
    import jax
    _d = setup_inputs()
    print(jax.jit(kernel)(*tuple(_d.values())))

</pallas_src>

<mosaic_0001>
#map = affine_map<(d0, d1) -> (0, 0)>
#map1 = affine_map<(d0, d1) -> (0, 0, 0)>
module attributes {stable_mosaic.version = 14 : i64} {
  func.func @gk(%arg0: i32, %arg1: i32, %arg2: memref<8192x128xf32, #tpu.memory_space<hbm>>, %arg3: memref<32x8x128xi32, #tpu.memory_space<hbm>>, %arg4: memref<32768x128xf32, #tpu.memory_space<hbm>>, %arg5: memref<8x128xi32, #tpu.memory_space<vmem>>, %arg6: memref<128x128xf32, #tpu.memory_space<vmem>>, %arg7: memref<!tpu.dma_semaphore, #tpu.memory_space<semaphore_mem>>) attributes {dimension_semantics = [#tpu.dimension_semantics<core_parallel>, #tpu.dimension_semantics<subcore_parallel>], iteration_bounds = array<i64: 2, 16>, scalar_prefetch = 0 : i64, scratch_operands = 3 : i64, tpu.core_type = #tpu.core_type<sc_vector_subcore>, window_params = [{transform_indices = #map}, {transform_indices = #map1}, {transform_indices = #map}]} {
    %mul3A = arith.constant 2 : i32
    %mul3A_0 = arith.muli %arg1, %mul3A : i32
    %add3A = arith.addi %mul3A_0, %arg0 : i32
    %mul3A_1 = arith.constant 1024 : i32
    %mul3A_2 = arith.muli %add3A, %mul3A_1 : i32
    "tpu.region"() ({
      %run_scoped3A = tpu.sem_alloc : memref<!tpu.dma_semaphore, #tpu.memory_space<semaphore_mem>>
      %dma_start3A = arith.constant 0 : i32
      %dma_start3A_8 = arith.constant 0 : i32
      %dma_start3A_9 = tpu.memref_slice %arg3[%add3A, %dma_start3A, %dma_start3A_8] : memref<32x8x128xi32, #tpu.memory_space<hbm>> -> memref<1x8x128xi32, #tpu.memory_space<hbm>>
      %dma_start3A_10 = tpu.memref_squeeze %dma_start3A_9 : memref<1x8x128xi32, #tpu.memory_space<hbm>> -> memref<8x128xi32, #tpu.memory_space<hbm>>
      %dma_start3A_11 = arith.constant 0 : i32
      %dma_start3A_12 = arith.constant 0 : i32
      %dma_start3A_13 = tpu.memref_slice %arg3[%add3A, %dma_start3A_11, %dma_start3A_12] : memref<32x8x128xi32, #tpu.memory_space<hbm>> -> memref<1x8x128xi32, #tpu.memory_space<hbm>>
      %dma_start3A_14 = tpu.memref_squeeze %dma_start3A_13 : memref<1x8x128xi32, #tpu.memory_space<hbm>> -> memref<8x128xi32, #tpu.memory_space<hbm>>
      tpu.enqueue_dma source(%dma_start3A_14 : memref<8x128xi32, #tpu.memory_space<hbm>>) target(%arg5 : memref<8x128xi32, #tpu.memory_space<vmem>>) target_semaphore(%run_scoped3A : memref<!tpu.dma_semaphore, #tpu.memory_space<semaphore_mem>>)
      %dma_wait3A = arith.constant 0 : i32
      %dma_wait3A_15 = arith.constant 0 : i32
      %dma_wait3A_16 = tpu.memref_slice %arg3[%add3A, %dma_wait3A, %dma_wait3A_15] : memref<32x8x128xi32, #tpu.memory_space<hbm>> -> memref<1x8x128xi32, #tpu.memory_space<hbm>>
      %dma_wait3A_17 = tpu.memref_squeeze %dma_wait3A_16 : memref<1x8x128xi32, #tpu.memory_space<hbm>> -> memref<8x128xi32, #tpu.memory_space<hbm>>
      %dma_wait3A_18 = arith.constant 0 : i32
      %dma_wait3A_19 = arith.constant 0 : i32
      %dma_wait3A_20 = tpu.memref_slice %arg3[%add3A, %dma_wait3A_18, %dma_wait3A_19] : memref<32x8x128xi32, #tpu.memory_space<hbm>> -> memref<1x8x128xi32, #tpu.memory_space<hbm>>
      %dma_wait3A_21 = tpu.memref_squeeze %dma_wait3A_20 : memref<1x8x128xi32, #tpu.memory_space<hbm>> -> memref<8x128xi32, #tpu.memory_space<hbm>>
      tpu.wait_dma2 semaphore(%run_scoped3A : memref<!tpu.dma_semaphore, #tpu.memory_space<semaphore_mem>>) src(%dma_wait3A_21 : memref<8x128xi32, #tpu.memory_space<hbm>>) dst(%arg5 : memref<8x128xi32, #tpu.memory_space<vmem>>)
      tpu.yield
    }) : () -> ()
    %scan3A = arith.constant 0 : i32
    %scan3A_3 = arith.constant 0 : i32
    %scan3A_4 = arith.constant 8 : i32
    %scan3A_5 = arith.addi %scan3A_3, %scan3A_4 : i32
    %scan3A_6 = arith.constant 1 : i32
    scf.for %scan3A_8 = %scan3A_3 to %scan3A_5 step %scan3A_6  : i32 {
      %dma_start3A = arith.constant 0 : i32
      %dma_start3A_9 = tpu.memref_slice %arg5[%scan3A_8, %dma_start3A] : memref<8x128xi32, #tpu.memory_space<vmem>> -> memref<1x128xi32, #tpu.memory_space<vmem>>
      %dma_start3A_10 = tpu.memref_squeeze %dma_start3A_9 : memref<1x128xi32, #tpu.memory_space<vmem>> -> memref<128xi32, #tpu.memory_space<vmem>>
      %dma_start3A_11 = arith.constant 0 : i32
      %dma_start3A_12 = arith.constant 0 : i32
      %dma_start3A_13 = tpu.memref_slice %arg2[%dma_start3A_11, %dma_start3A_12] : memref<8192x128xf32, #tpu.memory_space<hbm>> -> memref<8192x128xf32, #tpu.memory_space<hbm>>
      tpu.enqueue_indirect_dma source(%dma_start3A_13 : memref<8192x128xf32, #tpu.memory_space<hbm>>) target(%arg6 : memref<128x128xf32, #tpu.memory_space<vmem>>) offsets(%dma_start3A_10 : memref<128xi32, #tpu.memory_space<vmem>>) semaphore(%arg7 : memref<!tpu.dma_semaphore, #tpu.memory_space<semaphore_mem>>)
      %dma_wait3A = arith.constant 0 : i32
      %dma_wait3A_14 = tpu.memref_slice %arg5[%scan3A_8, %dma_wait3A] : memref<8x128xi32, #tpu.memory_space<vmem>> -> memref<1x128xi32, #tpu.memory_space<vmem>>
      %dma_wait3A_15 = tpu.memref_squeeze %dma_wait3A_14 : memref<1x128xi32, #tpu.memory_space<vmem>> -> memref<128xi32, #tpu.memory_space<vmem>>
      %dma_wait3A_16 = arith.constant 0 : i32
      %dma_wait3A_17 = arith.constant 0 : i32
      %dma_wait3A_18 = tpu.memref_slice %arg2[%dma_wait3A_16, %dma_wait3A_17] : memref<8192x128xf32, #tpu.memory_space<hbm>> -> memref<8192x128xf32, #tpu.memory_space<hbm>>
      tpu.wait_indirect_dma semaphore(%arg7 : memref<!tpu.dma_semaphore, #tpu.memory_space<semaphore_mem>>) src(%dma_wait3A_18 : memref<8192x128xf32, #tpu.memory_space<hbm>>) dst(%arg6 : memref<128x128xf32, #tpu.memory_space<vmem>>)
      %mul3A_19 = arith.constant 128 : i32
      %mul3A_20 = arith.muli %scan3A_8, %mul3A_19 : i32
      %add3A_21 = arith.addi %mul3A_2, %mul3A_20 : i32
      "tpu.region"() ({
        %run_scoped3A = tpu.sem_alloc : memref<!tpu.dma_semaphore, #tpu.memory_space<semaphore_mem>>
        %dma_start3A_22 = arith.constant 0 : i32
        %dma_start3A_23 = tpu.memref_slice %arg4[%add3A_21, %dma_start3A_22] : memref<32768x128xf32, #tpu.memory_space<hbm>> -> memref<128x128xf32, #tpu.memory_space<hbm>>
        %dma_start3A_24 = arith.constant 0 : i32
        %dma_start3A_25 = tpu.memref_slice %arg4[%add3A_21, %dma_start3A_24] : memref<32768x128xf32, #tpu.memory_space<hbm>> -> memref<128x128xf32, #tpu.memory_space<hbm>>
        tpu.enqueue_dma source(%arg6 : memref<128x128xf32, #tpu.memory_space<vmem>>) target(%dma_start3A_25 : memref<128x128xf32, #tpu.memory_space<hbm>>) target_semaphore(%run_scoped3A : memref<!tpu.dma_semaphore, #tpu.memory_space<semaphore_mem>>)
        %dma_wait3A_26 = arith.constant 0 : i32
        %dma_wait3A_27 = tpu.memref_slice %arg4[%add3A_21, %dma_wait3A_26] : memref<32768x128xf32, #tpu.memory_space<hbm>> -> memref<128x128xf32, #tpu.memory_space<hbm>>
        %dma_wait3A_28 = arith.constant 0 : i32
        %dma_wait3A_29 = tpu.memref_slice %arg4[%add3A_21, %dma_wait3A_28] : memref<32768x128xf32, #tpu.memory_space<hbm>> -> memref<128x128xf32, #tpu.memory_space<hbm>>
        tpu.wait_dma2 semaphore(%run_scoped3A : memref<!tpu.dma_semaphore, #tpu.memory_space<semaphore_mem>>) src(%arg6 : memref<128x128xf32, #tpu.memory_space<vmem>>) dst(%dma_wait3A_29 : memref<128x128xf32, #tpu.memory_space<hbm>>)
        tpu.yield
      }) : () -> ()
    }
    %scan3A_7 = arith.constant 8 : i32
    return
  }
}

#map = affine_map<(d0, d1) -> (0, 0)>
#map1 = affine_map<(d0, d1) -> (0, 0, 0)>
module attributes {stable_mosaic.version = 14 : i64} {
  func.func @gk(%arg0: i32, %arg1: i32, %arg2: memref<8192x128xf32, #tpu.memory_space<hbm>>, %arg3: memref<32x8x128xi32, #tpu.memory_space<hbm>>, %arg4: memref<32768x128xf32, #tpu.memory_space<hbm>>, %arg5: memref<8x128xi32, #tpu.memory_space<vmem>>, %arg6: memref<128x128xf32, #tpu.memory_space<vmem>>, %arg7: memref<!tpu.dma_semaphore, #tpu.memory_space<semaphore_mem>>) attributes {dimension_semantics = [#tpu.dimension_semantics<core_parallel>, #tpu.dimension_semantics<subcore_parallel>], iteration_bounds = array<i64: 2, 16>, scalar_prefetch = 0 : i64, scratch_operands = 3 : i64, tpu.core_type = #tpu.core_type<sc_vector_subcore>, window_params = [{transform_indices = #map}, {transform_indices = #map1}, {transform_indices = #map}]} {
    %mul3A = arith.constant 2 : i32
    %mul3A_0 = arith.muli %arg1, %mul3A : i32
    %add3A = arith.addi %mul3A_0, %arg0 : i32
    %mul3A_1 = arith.constant 1024 : i32
    %mul3A_2 = arith.muli %add3A, %mul3A_1 : i32
    "tpu.region"() ({
      %run_scoped3A = tpu.sem_alloc : memref<!tpu.dma_semaphore, #tpu.memory_space<semaphore_mem>>
      %dma_start3A = arith.constant 0 : i32
      %dma_start3A_8 = arith.constant 0 : i32
      %dma_start3A_9 = tpu.memref_slice %arg3[%add3A, %dma_start3A, %dma_start3A_8] : memref<32x8x128xi32, #tpu.memory_space<hbm>> -> memref<1x8x128xi32, #tpu.memory_space<hbm>>
      %dma_start3A_10 = tpu.memref_squeeze %dma_start3A_9 : memref<1x8x128xi32, #tpu.memory_space<hbm>> -> memref<8x128xi32, #tpu.memory_space<hbm>>
      %dma_start3A_11 = arith.constant 0 : i32
      %dma_start3A_12 = arith.constant 0 : i32
      %dma_start3A_13 = tpu.memref_slice %arg3[%add3A, %dma_start3A_11, %dma_start3A_12] : memref<32x8x128xi32, #tpu.memory_space<hbm>> -> memref<1x8x128xi32, #tpu.memory_space<hbm>>
      %dma_start3A_14 = tpu.memref_squeeze %dma_start3A_13 : memref<1x8x128xi32, #tpu.memory_space<hbm>> -> memref<8x128xi32, #tpu.memory_space<hbm>>
      tpu.enqueue_dma source(%dma_start3A_14 : memref<8x128xi32, #tpu.memory_space<hbm>>) target(%arg5 : memref<8x128xi32, #tpu.memory_space<vmem>>) target_semaphore(%run_scoped3A : memref<!tpu.dma_semaphore, #tpu.memory_space<semaphore_mem>>)
      %dma_wait3A = arith.constant 0 : i32
      %dma_wait3A_15 = arith.constant 0 : i32
      %dma_wait3A_16 = tpu.memref_slice %arg3[%add3A, %dma_wait3A, %dma_wait3A_15] : memref<32x8x128xi32, #tpu.memory_space<hbm>> -> memref<1x8x128xi32, #tpu.memory_space<hbm>>
      %dma_wait3A_17 = tpu.memref_squeeze %dma_wait3A_16 : memref<1x8x128xi32, #tpu.memory_space<hbm>> -> memref<8x128xi32, #tpu.memory_space<hbm>>
      %dma_wait3A_18 = arith.constant 0 : i32
      %dma_wait3A_19 = arith.constant 0 : i32
      %dma_wait3A_20 = tpu.memref_slice %arg3[%add3A, %dma_wait3A_18, %dma_wait3A_19] : memref<32x8x128xi32, #tpu.memory_space<hbm>> -> memref<1x8x128xi32, #tpu.memory_space<hbm>>
      %dma_wait3A_21 = tpu.memref_squeeze %dma_wait3A_20 : memref<1x8x128xi32, #tpu.memory_space<hbm>> -> memref<8x128xi32, #tpu.memory_space<hbm>>
      tpu.wait_dma2 semaphore(%run_scoped3A : memref<!tpu.dma_semaphore, #tpu.memory_space<semaphore_mem>>) src(%dma_wait3A_21 : memref<8x128xi32, #tpu.memory_space<hbm>>) dst(%arg5 : memref<8x128xi32, #tpu.memory_space<vmem>>)
      tpu.yield
    }) : () -> ()
    %scan3A = arith.constant 0 : i32
    %scan3A_3 = arith.constant 0 : i32
    %scan3A_4 = arith.constant 8 : i32
    %scan3A_5 = arith.addi %scan3A_3, %scan3A_4 : i32
    %scan3A_6 = arith.constant 1 : i32
    scf.for %scan3A_8 = %scan3A_3 to %scan3A_5 step %scan3A_6  : i32 {
      %dma_start3A = arith.constant 0 : i32
      %dma_start3A_9 = tpu.memref_slice %arg5[%scan3A_8, %dma_start3A] : memref<8x128xi32, #tpu.memory_space<vmem>> -> memref<1x128xi32, #tpu.memory_space<vmem>>
      %dma_start3A_10 = tpu.memref_squeeze %dma_start3A_9 : memref<1x128xi32, #tpu.memory_space<vmem>> -> memref<128xi32, #tpu.memory_space<vmem>>
      %dma_start3A_11 = arith.constant 0 : i32
      %dma_start3A_12 = arith.constant 0 : i32
      %dma_start3A_13 = tpu.memref_slice %arg2[%dma_start3A_11, %dma_start3A_12] : memref<8192x128xf32, #tpu.memory_space<hbm>> -> memref<8192x128xf32, #tpu.memory_space<hbm>>
      tpu.enqueue_indirect_dma source(%dma_start3A_13 : memref<8192x128xf32, #tpu.memory_space<hbm>>) target(%arg6 : memref<128x128xf32, #tpu.memory_space<vmem>>) offsets(%dma_start3A_10 : memref<128xi32, #tpu.memory_space<vmem>>) semaphore(%arg7 : memref<!tpu.dma_semaphore, #tpu.memory_space<semaphore_mem>>)
      %dma_wait3A = arith.constant 0 : i32
      %dma_wait3A_14 = tpu.memref_slice %arg5[%scan3A_8, %dma_wait3A] : memref<8x128xi32, #tpu.memory_space<vmem>> -> memref<1x128xi32, #tpu.memory_space<vmem>>
      %dma_wait3A_15 = tpu.memref_squeeze %dma_wait3A_14 : memref<1x128xi32, #tpu.memory_space<vmem>> -> memref<128xi32, #tpu.memory_space<vmem>>
      %dma_wait3A_16 = arith.constant 0 : i32
      %dma_wait3A_17 = arith.constant 0 : i32
      %dma_wait3A_18 = tpu.memref_slice %arg2[%dma_wait3A_16, %dma_wait3A_17] : memref<8192x128xf32, #tpu.memory_space<hbm>> -> memref<8192x128xf32, #tpu.memory_space<hbm>>
      tpu.wait_indirect_dma semaphore(%arg7 : memref<!tpu.dma_semaphore, #tpu.memory_space<semaphore_mem>>) src(%dma_wait3A_18 : memref<8192x128xf32, #tpu.memory_space<hbm>>) dst(%arg6 : memref<128x128xf32, #tpu.memory_space<vmem>>)
      %mul3A_19 = arith.constant 128 : i32
      %mul3A_20 = arith.muli %scan3A_8, %mul3A_19 : i32
      %add3A_21 = arith.addi %mul3A_2, %mul3A_20 : i32
      "tpu.region"() ({
        %run_scoped3A = tpu.sem_alloc : memref<!tpu.dma_semaphore, #tpu.memory_space<semaphore_mem>>
        %dma_start3A_22 = arith.constant 0 : i32
        %dma_start3A_23 = tpu.memref_slice %arg4[%add3A_21, %dma_start3A_22] : memref<32768x128xf32, #tpu.memory_space<hbm>> -> memref<128x128xf32, #tpu.memory_space<hbm>>
        %dma_start3A_24 = arith.constant 0 : i32
        %dma_start3A_25 = tpu.memref_slice %arg4[%add3A_21, %dma_start3A_24] : memref<32768x128xf32, #tpu.memory_space<hbm>> -> memref<128x128xf32, #tpu.memory_space<hbm>>
        tpu.enqueue_dma source(%arg6 : memref<128x128xf32, #tpu.memory_space<vmem>>) target(%dma_start3A_25 : memref<128x128xf32, #tpu.memory_space<hbm>>) target_semaphore(%run_scoped3A : memref<!tpu.dma_semaphore, #tpu.memory_space<semaphore_mem>>)
        %dma_wait3A_26 = arith.constant 0 : i32
        %dma_wait3A_27 = tpu.memref_slice %arg4[%add3A_21, %dma_wait3A_26] : memref<32768x128xf32, #tpu.memory_space<hbm>> -> memref<128x128xf32, #tpu.memory_space<hbm>>
        %dma_wait3A_28 = arith.constant 0 : i32
        %dma_wait3A_29 = tpu.memref_slice %arg4[%add3A_21, %dma_wait3A_28] : memref<32768x128xf32, #tpu.memory_space<hbm>> -> memref<128x128xf32, #tpu.memory_space<hbm>>
        tpu.wait_dma2 semaphore(%run_scoped3A : memref<!tpu.dma_semaphore, #tpu.memory_space<semaphore_mem>>) src(%arg6 : memref<128x128xf32, #tpu.memory_space<vmem>>) dst(%dma_wait3A_29 : memref<128x128xf32, #tpu.memory_space<hbm>>)
        tpu.yield
      }) : () -> ()
    }
    %scan3A_7 = arith.constant 8 : i32
    return
  }
}

#map = affine_map<(d0, d1) -> (0, 0)>
#map1 = affine_map<(d0, d1) -> (0, 0, 0)>
module attributes {stable_mosaic.version = 14 : i64} {
  func.func @gk(%arg0: i32, %arg1: i32, %arg2: memref<8192x128xf32, #tpu.memory_space<hbm>>, %arg3: memref<32x8x128xi32, #tpu.memory_space<hbm>>, %arg4: memref<32768x128xf32, #tpu.memory_space<hbm>>, %arg5: memref<8x128xi32, #tpu.memory_space<vmem>>, %arg6: memref<128x128xf32, #tpu.memory_space<vmem>>, %arg7: memref<!tpu.dma_semaphore, #tpu.memory_space<semaphore_mem>>) attributes {dimension_semantics = [#tpu.dimension_semantics<core_parallel>, #tpu.dimension_semantics<subcore_parallel>], iteration_bounds = array<i64: 2, 16>, scalar_prefetch = 0 : i64, scratch_operands = 3 : i64, tpu.core_type = #tpu.core_type<sc_vector_subcore>, window_params = [{transform_indices = #map}, {transform_indices = #map1}, {transform_indices = #map}]} {
    %mul3A = arith.constant 2 : i32
    %mul3A_0 = arith.muli %arg1, %mul3A : i32
    %add3A = arith.addi %mul3A_0, %arg0 : i32
    %mul3A_1 = arith.constant 1024 : i32
    %mul3A_2 = arith.muli %add3A, %mul3A_1 : i32
    "tpu.region"() ({
      %run_scoped3A = tpu.sem_alloc : memref<!tpu.dma_semaphore, #tpu.memory_space<semaphore_mem>>
      %dma_start3A = arith.constant 0 : i32
      %dma_start3A_8 = arith.constant 0 : i32
      %dma_start3A_9 = tpu.memref_slice %arg3[%add3A, %dma_start3A, %dma_start3A_8] : memref<32x8x128xi32, #tpu.memory_space<hbm>> -> memref<1x8x128xi32, #tpu.memory_space<hbm>>
      %dma_start3A_10 = tpu.memref_squeeze %dma_start3A_9 : memref<1x8x128xi32, #tpu.memory_space<hbm>> -> memref<8x128xi32, #tpu.memory_space<hbm>>
      %dma_start3A_11 = arith.constant 0 : i32
      %dma_start3A_12 = arith.constant 0 : i32
      %dma_start3A_13 = tpu.memref_slice %arg3[%add3A, %dma_start3A_11, %dma_start3A_12] : memref<32x8x128xi32, #tpu.memory_space<hbm>> -> memref<1x8x128xi32, #tpu.memory_space<hbm>>
      %dma_start3A_14 = tpu.memref_squeeze %dma_start3A_13 : memref<1x8x128xi32, #tpu.memory_space<hbm>> -> memref<8x128xi32, #tpu.memory_space<hbm>>
      tpu.enqueue_dma source(%dma_start3A_14 : memref<8x128xi32, #tpu.memory_space<hbm>>) target(%arg5 : memref<8x128xi32, #tpu.memory_space<vmem>>) target_semaphore(%run_scoped3A : memref<!tpu.dma_semaphore, #tpu.memory_space<semaphore_mem>>)
      %dma_wait3A = arith.constant 0 : i32
      %dma_wait3A_15 = arith.constant 0 : i32
      %dma_wait3A_16 = tpu.memref_slice %arg3[%add3A, %dma_wait3A, %dma_wait3A_15] : memref<32x8x128xi32, #tpu.memory_space<hbm>> -> memref<1x8x128xi32, #tpu.memory_space<hbm>>
      %dma_wait3A_17 = tpu.memref_squeeze %dma_wait3A_16 : memref<1x8x128xi32, #tpu.memory_space<hbm>> -> memref<8x128xi32, #tpu.memory_space<hbm>>
      %dma_wait3A_18 = arith.constant 0 : i32
      %dma_wait3A_19 = arith.constant 0 : i32
      %dma_wait3A_20 = tpu.memref_slice %arg3[%add3A, %dma_wait3A_18, %dma_wait3A_19] : memref<32x8x128xi32, #tpu.memory_space<hbm>> -> memref<1x8x128xi32, #tpu.memory_space<hbm>>
      %dma_wait3A_21 = tpu.memref_squeeze %dma_wait3A_20 : memref<1x8x128xi32, #tpu.memory_space<hbm>> -> memref<8x128xi32, #tpu.memory_space<hbm>>
      tpu.wait_dma2 semaphore(%run_scoped3A : memref<!tpu.dma_semaphore, #tpu.memory_space<semaphore_mem>>) src(%dma_wait3A_21 : memref<8x128xi32, #tpu.memory_space<hbm>>) dst(%arg5 : memref<8x128xi32, #tpu.memory_space<vmem>>)
      tpu.yield
    }) : () -> ()
    %scan3A = arith.constant 0 : i32
    %scan3A_3 = arith.constant 0 : i32
    %scan3A_4 = arith.constant 8 : i32
    %scan3A_5 = arith.addi %scan3A_3, %scan3A_4 : i32
    %scan3A_6 = arith.constant 1 : i32
    scf.for %scan3A_8 = %scan3A_3 to %scan3A_5 step %scan3A_6  : i32 {
      %dma_start3A = arith.constant 0 : i32
      %dma_start3A_9 = tpu.memref_slice %arg5[%scan3A_8, %dma_start3A] : memref<8x128xi32, #tpu.memory_space<vmem>> -> memref<1x128xi32, #tpu.memory_space<vmem>>
      %dma_start3A_10 = tpu.memref_squeeze %dma_start3A_9 : memref<1x128xi32, #tpu.memory_space<vmem>> -> memref<128xi32, #tpu.memory_space<vmem>>
      %dma_start3A_11 = arith.constant 0 : i32
      %dma_start3A_12 = arith.constant 0 : i32
      %dma_start3A_13 = tpu.memref_slice %arg2[%dma_start3A_11, %dma_start3A_12] : memref<8192x128xf32, #tpu.memory_space<hbm>> -> memref<8192x128xf32, #tpu.memory_space<hbm>>
      tpu.enqueue_indirect_dma source(%dma_start3A_13 : memref<8192x128xf32, #tpu.memory_space<hbm>>) target(%arg6 : memref<128x128xf32, #tpu.memory_space<vmem>>) offsets(%dma_start3A_10 : memref<128xi32, #tpu.memory_space<vmem>>) semaphore(%arg7 : memref<!tpu.dma_semaphore, #tpu.memory_space<semaphore_mem>>)
      %dma_wait3A = arith.constant 0 : i32
      %dma_wait3A_14 = tpu.memref_slice %arg5[%scan3A_8, %dma_wait3A] : memref<8x128xi32, #tpu.memory_space<vmem>> -> memref<1x128xi32, #tpu.memory_space<vmem>>
      %dma_wait3A_15 = tpu.memref_squeeze %dma_wait3A_14 : memref<1x128xi32, #tpu.memory_space<vmem>> -> memref<128xi32, #tpu.memory_space<vmem>>
      %dma_wait3A_16 = arith.constant 0 : i32
      %dma_wait3A_17 = arith.constant 0 : i32
      %dma_wait3A_18 = tpu.memref_slice %arg2[%dma_wait3A_16, %dma_wait3A_17] : memref<8192x128xf32, #tpu.memory_space<hbm>> -> memref<8192x128xf32, #tpu.memory_space<hbm>>
      tpu.wait_indirect_dma semaphore(%arg7 : memref<!tpu.dma_semaphore, #tpu.memory_space<semaphore_mem>>) src(%dma_wait3A_18 : memref<8192x128xf32, #tpu.memory_space<hbm>>) dst(%arg6 : memref<128x128xf32, #tpu.memory_space<vmem>>)
      %mul3A_19 = arith.constant 128 : i32
      %mul3A_20 = arith.muli %scan3A_8, %mul3A_19 : i32
      %add3A_21 = arith.addi %mul3A_2, %mul3A_20 : i32
      "tpu.region"() ({
        %run_scoped3A = tpu.sem_alloc : memref<!tpu.dma_semaphore, #tpu.memory_space<semaphore_mem>>
        %dma_start3A_22 = arith.constant 0 : i32
        %dma_start3A_23 = tpu.memref_slice %arg4[%add3A_21, %dma_start3A_22] : memref<32768x128xf32, #tpu.memory_space<hbm>> -> memref<128x128xf32, #tpu.memory_space<hbm>>
        %dma_start3A_24 = arith.constant 0 : i32
        %dma_start3A_25 = tpu.memref_slice %arg4[%add3A_21, %dma_start3A_24] : memref<32768x128xf32, #tpu.memory_space<hbm>> -> memref<128x128xf32, #tpu.memory_space<hbm>>
        tpu.enqueue_dma source(%arg6 : memref<128x128xf32, #tpu.memory_space<vmem>>) target(%dma_start3A_25 : memref<128x128xf32, #tpu.memory_space<hbm>>) target_semaphore(%run_scoped3A : memref<!tpu.dma_semaphore, #tpu.memory_space<semaphore_mem>>)
        %dma_wait3A_26 = arith.constant 0 : i32
        %dma_wait3A_27 = tpu.memref_slice %arg4[%add3A_21, %dma_wait3A_26] : memref<32768x128xf32, #tpu.memory_space<hbm>> -> memref<128x128xf32, #tpu.memory_space<hbm>>
        %dma_wait3A_28 = arith.constant 0 : i32
        %dma_wait3A_29 = tpu.memref_slice %arg4[%add3A_21, %dma_wait3A_28] : memref<32768x128xf32, #tpu.memory_space<hbm>> -> memref<128x128xf32, #tpu.memory_space<hbm>>
        tpu.wait_dma2 semaphore(%run_scoped3A : memref<!tpu.dma_semaphore, #tpu.memory_space<semaphore_mem>>) src(%arg6 : memref<128x128xf32, #tpu.memory_space<vmem>>) dst(%dma_wait3A_29 : memref<128x128xf32, #tpu.memory_space<hbm>>)
        tpu.yield
      }) : () -> ()
    }
    %scan3A_7 = arith.constant 8 : i32
    return
  }
}

#map = affine_map<(d0, d1) -> (0, 0)>
#map1 = affine_map<(d0, d1) -> (0, 0, 0)>
module attributes {stable_mosaic.version = 14 : i64} {
  func.func @gk(%arg0: i32, %arg1: i32, %arg2: memref<8192x128xf32, #tpu.memory_space<hbm>>, %arg3: memref<32x8x128xi32, #tpu.memory_space<hbm>>, %arg4: memref<32768x128xf32, #tpu.memory_space<hbm>>, %arg5: memref<8x128xi32, #tpu.memory_space<vmem>>, %arg6: memref<128x128xf32, #tpu.memory_space<vmem>>, %arg7: memref<!tpu.dma_semaphore, #tpu.memory_space<semaphore_mem>>) attributes {dimension_semantics = [#tpu.dimension_semantics<core_parallel>, #tpu.dimension_semantics<subcore_parallel>], iteration_bounds = array<i64: 2, 16>, scalar_prefetch = 0 : i64, scratch_operands = 3 : i64, tpu.core_type = #tpu.core_type<sc_vector_subcore>, window_params = [{transform_indices = #map}, {transform_indices = #map1}, {transform_indices = #map}]} {
    %mul3A = arith.constant 2 : i32
    %mul3A_0 = arith.muli %arg1, %mul3A : i32
    %add3A = arith.addi %mul3A_0, %arg0 : i32
    %mul3A_1 = arith.constant 1024 : i32
    %mul3A_2 = arith.muli %add3A, %mul3A_1 : i32
    "tpu.region"() ({
      %run_scoped3A = tpu.sem_alloc : memref<!tpu.dma_semaphore, #tpu.memory_space<semaphore_mem>>
      %dma_start3A = arith.constant 0 : i32
      %dma_start3A_8 = arith.constant 0 : i32
      %dma_start3A_9 = tpu.memref_slice %arg3[%add3A, %dma_start3A, %dma_start3A_8] : memref<32x8x128xi32, #tpu.memory_space<hbm>> -> memref<1x8x128xi32, #tpu.memory_space<hbm>>
      %dma_start3A_10 = tpu.memref_squeeze %dma_start3A_9 : memref<1x8x128xi32, #tpu.memory_space<hbm>> -> memref<8x128xi32, #tpu.memory_space<hbm>>
      %dma_start3A_11 = arith.constant 0 : i32
      %dma_start3A_12 = arith.constant 0 : i32
      %dma_start3A_13 = tpu.memref_slice %arg3[%add3A, %dma_start3A_11, %dma_start3A_12] : memref<32x8x128xi32, #tpu.memory_space<hbm>> -> memref<1x8x128xi32, #tpu.memory_space<hbm>>
      %dma_start3A_14 = tpu.memref_squeeze %dma_start3A_13 : memref<1x8x128xi32, #tpu.memory_space<hbm>> -> memref<8x128xi32, #tpu.memory_space<hbm>>
      tpu.enqueue_dma source(%dma_start3A_14 : memref<8x128xi32, #tpu.memory_space<hbm>>) target(%arg5 : memref<8x128xi32, #tpu.memory_space<vmem>>) target_semaphore(%run_scoped3A : memref<!tpu.dma_semaphore, #tpu.memory_space<semaphore_mem>>)
      %dma_wait3A = arith.constant 0 : i32
      %dma_wait3A_15 = arith.constant 0 : i32
      %dma_wait3A_16 = tpu.memref_slice %arg3[%add3A, %dma_wait3A, %dma_wait3A_15] : memref<32x8x128xi32, #tpu.memory_space<hbm>> -> memref<1x8x128xi32, #tpu.memory_space<hbm>>
      %dma_wait3A_17 = tpu.memref_squeeze %dma_wait3A_16 : memref<1x8x128xi32, #tpu.memory_space<hbm>> -> memref<8x128xi32, #tpu.memory_space<hbm>>
      %dma_wait3A_18 = arith.constant 0 : i32
      %dma_wait3A_19 = arith.constant 0 : i32
      %dma_wait3A_20 = tpu.memref_slice %arg3[%add3A, %dma_wait3A_18, %dma_wait3A_19] : memref<32x8x128xi32, #tpu.memory_space<hbm>> -> memref<1x8x128xi32, #tpu.memory_space<hbm>>
      %dma_wait3A_21 = tpu.memref_squeeze %dma_wait3A_20 : memref<1x8x128xi32, #tpu.memory_space<hbm>> -> memref<8x128xi32, #tpu.memory_space<hbm>>
      tpu.wait_dma2 semaphore(%run_scoped3A : memref<!tpu.dma_semaphore, #tpu.memory_space<semaphore_mem>>) src(%dma_wait3A_21 : memref<8x128xi32, #tpu.memory_space<hbm>>) dst(%arg5 : memref<8x128xi32, #tpu.memory_space<vmem>>)
      tpu.yield
    }) : () -> ()
    %scan3A = arith.constant 0 : i32
    %scan3A_3 = arith.constant 0 : i32
    %scan3A_4 = arith.constant 8 : i32
    %scan3A_5 = arith.addi %scan3A_3, %scan3A_4 : i32
    %scan3A_6 = arith.constant 1 : i32
    scf.for %scan3A_8 = %scan3A_3 to %scan3A_5 step %scan3A_6  : i32 {
      %dma_start3A = arith.constant 0 : i32
      %dma_start3A_9 = tpu.memref_slice %arg5[%scan3A_8, %dma_start3A] : memref<8x128xi32, #tpu.memory_space<vmem>> -> memref<1x128xi32, #tpu.memory_space<vmem>>
      %dma_start3A_10 = tpu.memref_squeeze %dma_start3A_9 : memref<1x128xi32, #tpu.memory_space<vmem>> -> memref<128xi32, #tpu.memory_space<vmem>>
      %dma_start3A_11 = arith.constant 0 : i32
      %dma_start3A_12 = arith.constant 0 : i32
      %dma_start3A_13 = tpu.memref_slice %arg2[%dma_start3A_11, %dma_start3A_12] : memref<8192x128xf32, #tpu.memory_space<hbm>> -> memref<8192x128xf32, #tpu.memory_space<hbm>>
      tpu.enqueue_indirect_dma source(%dma_start3A_13 : memref<8192x128xf32, #tpu.memory_space<hbm>>) target(%arg6 : memref<128x128xf32, #tpu.memory_space<vmem>>) offsets(%dma_start3A_10 : memref<128xi32, #tpu.memory_space<vmem>>) semaphore(%arg7 : memref<!tpu.dma_semaphore, #tpu.memory_space<semaphore_mem>>)
      %dma_wait3A = arith.constant 0 : i32
      %dma_wait3A_14 = tpu.memref_slice %arg5[%scan3A_8, %dma_wait3A] : memref<8x128xi32, #tpu.memory_space<vmem>> -> memref<1x128xi32, #tpu.memory_space<vmem>>
      %dma_wait3A_15 = tpu.memref_squeeze %dma_wait3A_14 : memref<1x128xi32, #tpu.memory_space<vmem>> -> memref<128xi32, #tpu.memory_space<vmem>>
      %dma_wait3A_16 = arith.constant 0 : i32
      %dma_wait3A_17 = arith.constant 0 : i32
      %dma_wait3A_18 = tpu.memref_slice %arg2[%dma_wait3A_16, %dma_wait3A_17] : memref<8192x128xf32, #tpu.memory_space<hbm>> -> memref<8192x128xf32, #tpu.memory_space<hbm>>
      tpu.wait_indirect_dma semaphore(%arg7 : memref<!tpu.dma_semaphore, #tpu.memory_space<semaphore_mem>>) src(%dma_wait3A_18 : memref<8192x128xf32, #tpu.memory_space<hbm>>) dst(%arg6 : memref<128x128xf32, #tpu.memory_space<vmem>>)
      %mul3A_19 = arith.constant 128 : i32
      %mul3A_20 = arith.muli %scan3A_8, %mul3A_19 : i32
      %add3A_21 = arith.addi %mul3A_2, %mul3A_20 : i32
      "tpu.region"() ({
        %run_scoped3A = tpu.sem_alloc : memref<!tpu.dma_semaphore, #tpu.memory_space<semaphore_mem>>
        %dma_start3A_22 = arith.constant 0 : i32
        %dma_start3A_23 = tpu.memref_slice %arg4[%add3A_21, %dma_start3A_22] : memref<32768x128xf32, #tpu.memory_space<hbm>> -> memref<128x128xf32, #tpu.memory_space<hbm>>
        %dma_start3A_24 = arith.constant 0 : i32
        %dma_start3A_25 = tpu.memref_slice %arg4[%add3A_21, %dma_start3A_24] : memref<32768x128xf32, #tpu.memory_space<hbm>> -> memref<128x128xf32, #tpu.memory_space<hbm>>
        tpu.enqueue_dma source(%arg6 : memref<128x128xf32, #tpu.memory_space<vmem>>) target(%dma_start3A_25 : memref<128x128xf32, #tpu.memory_space<hbm>>) target_semaphore(%run_scoped3A : memref<!tpu.dma_semaphore, #tpu.memory_space<semaphore_mem>>)
        %dma_wait3A_26 = arith.constant 0 : i32
        %dma_wait3A_27 = tpu.memref_slice %arg4[%add3A_21, %dma_wait3A_26] : memref<32768x128xf32, #tpu.memory_space<hbm>> -> memref<128x128xf32, #tpu.memory_space<hbm>>
        %dma_wait3A_28 = arith.constant 0 : i32
        %dma_wait3A_29 = tpu.memref_slice %arg4[%add3A_21, %dma_wait3A_28] : memref<32768x128xf32, #tpu.memory_space<hbm>> -> memref<128x128xf32, #tpu.memory_space<hbm>>
        tpu.wait_dma2 semaphore(%run_scoped3A : memref<!tpu.dma_semaphore, #tpu.memory_space<semaphore_mem>>) src(%arg6 : memref<128x128xf32, #tpu.memory_space<vmem>>) dst(%dma_wait3A_29 : memref<128x128xf32, #tpu.memory_space<hbm>>)
        tpu.yield
      }) : () -> ()
    }
    %scan3A_7 = arith.constant 8 : i32
    return
  }
}

#map = affine_map<(d0, d1) -> (0, 0)>
#map1 = affine_map<(d0, d1) -> (0, 0, 0)>
module attributes {stable_mosaic.version = 14 : i64} {
  func.func @gk(%arg0: i32, %arg1: i32, %arg2: memref<8192x128xf32, #tpu.memory_space<hbm>>, %arg3: memref<32x8x128xi32, #tpu.memory_space<hbm>>, %arg4: memref<32768x128xf32, #tpu.memory_space<hbm>>, %arg5: memref<8x128xi32, #tpu.memory_space<vmem>>, %arg6: memref<128x128xf32, #tpu.memory_space<vmem>>, %arg7: memref<!tpu.dma_semaphore, #tpu.memory_space<semaphore_mem>>) attributes {dimension_semantics = [#tpu.dimension_semantics<core_parallel>, #tpu.dimension_semantics<subcore_parallel>], iteration_bounds = array<i64: 2, 16>, scalar_prefetch = 0 : i64, scratch_operands = 3 : i64, tpu.core_type = #tpu.core_type<sc_vector_subcore>, window_params = [{transform_indices = #map}, {transform_indices = #map1}, {transform_indices = #map}]} {
    %mul3A = arith.constant 2 : i32
    %mul3A_0 = arith.muli %arg1, %mul3A : i32
    %add3A = arith.addi %mul3A_0, %arg0 : i32
    %mul3A_1 = arith.constant 1024 : i32
    %mul3A_2 = arith.muli %add3A, %mul3A_1 : i32
    "tpu.region"() ({
      %run_scoped3A = tpu.sem_alloc : memref<!tpu.dma_semaphore, #tpu.memory_space<semaphore_mem>>
      %dma_start3A = arith.constant 0 : i32
      %dma_start3A_8 = arith.constant 0 : i32
      %dma_start3A_9 = tpu.memref_slice %arg3[%add3A, %dma_start3A, %dma_start3A_8] : memref<32x8x128xi32, #tpu.memory_space<hbm>> -> memref<1x8x128xi32, #tpu.memory_space<hbm>>
      %dma_start3A_10 = tpu.memref_squeeze %dma_start3A_9 : memref<1x8x128xi32, #tpu.memory_space<hbm>> -> memref<8x128xi32, #tpu.memory_space<hbm>>
      %dma_start3A_11 = arith.constant 0 : i32
      %dma_start3A_12 = arith.constant 0 : i32
      %dma_start3A_13 = tpu.memref_slice %arg3[%add3A, %dma_start3A_11, %dma_start3A_12] : memref<32x8x128xi32, #tpu.memory_space<hbm>> -> memref<1x8x128xi32, #tpu.memory_space<hbm>>
      %dma_start3A_14 = tpu.memref_squeeze %dma_start3A_13 : memref<1x8x128xi32, #tpu.memory_space<hbm>> -> memref<8x128xi32, #tpu.memory_space<hbm>>
      tpu.enqueue_dma source(%dma_start3A_14 : memref<8x128xi32, #tpu.memory_space<hbm>>) target(%arg5 : memref<8x128xi32, #tpu.memory_space<vmem>>) target_semaphore(%run_scoped3A : memref<!tpu.dma_semaphore, #tpu.memory_space<semaphore_mem>>)
      %dma_wait3A = arith.constant 0 : i32
      %dma_wait3A_15 = arith.constant 0 : i32
      %dma_wait3A_16 = tpu.memref_slice %arg3[%add3A, %dma_wait3A, %dma_wait3A_15] : memref<32x8x128xi32, #tpu.memory_space<hbm>> -> memref<1x8x128xi32, #tpu.memory_space<hbm>>
      %dma_wait3A_17 = tpu.memref_squeeze %dma_wait3A_16 : memref<1x8x128xi32, #tpu.memory_space<hbm>> -> memref<8x128xi32, #tpu.memory_space<hbm>>
      %dma_wait3A_18 = arith.constant 0 : i32
      %dma_wait3A_19 = arith.constant 0 : i32
      %dma_wait3A_20 = tpu.memref_slice %arg3[%add3A, %dma_wait3A_18, %dma_wait3A_19] : memref<32x8x128xi32, #tpu.memory_space<hbm>> -> memref<1x8x128xi32, #tpu.memory_space<hbm>>
      %dma_wait3A_21 = tpu.memref_squeeze %dma_wait3A_20 : memref<1x8x128xi32, #tpu.memory_space<hbm>> -> memref<8x128xi32, #tpu.memory_space<hbm>>
      tpu.wait_dma2 semaphore(%run_scoped3A : memref<!tpu.dma_semaphore, #tpu.memory_space<semaphore_mem>>) src(%dma_wait3A_21 : memref<8x128xi32, #tpu.memory_space<hbm>>) dst(%arg5 : memref<8x128xi32, #tpu.memory_space<vmem>>)
      tpu.yield
    }) : () -> ()
    %scan3A = arith.constant 0 : i32
    %scan3A_3 = arith.constant 0 : i32
    %scan3A_4 = arith.constant 8 : i32
    %scan3A_5 = arith.addi %scan3A_3, %scan3A_4 : i32
    %scan3A_6 = arith.constant 1 : i32
    scf.for %scan3A_8 = %scan3A_3 to %scan3A_5 step %scan3A_6  : i32 {
      %dma_start3A = arith.constant 0 : i32
      %dma_start3A_9 = tpu.memref_slice %arg5[%scan3A_8, %dma_start3A] : memref<8x128xi32, #tpu.memory_space<vmem>> -> memref<1x128xi32, #tpu.memory_space<vmem>>
      %dma_start3A_10 = tpu.memref_squeeze %dma_start3A_9 : memref<1x128xi32, #tpu.memory_space<vmem>> -> memref<128xi32, #tpu.memory_space<vmem>>
      %dma_start3A_11 = arith.constant 0 : i32
      %dma_start3A_12 = arith.constant 0 : i32
      %dma_start3A_13 = tpu.memref_slice %arg2[%dma_start3A_11, %dma_start3A_12] : memref<8192x128xf32, #tpu.memory_space<hbm>> -> memref<8192x128xf32, #tpu.memory_space<hbm>>
      tpu.enqueue_indirect_dma source(%dma_start3A_13 : memref<8192x128xf32, #tpu.memory_space<hbm>>) target(%arg6 : memref<128x128xf32, #tpu.memory_space<vmem>>) offsets(%dma_start3A_10 : memref<128xi32, #tpu.memory_space<vmem>>) semaphore(%arg7 : memref<!tpu.dma_semaphore, #tpu.memory_space<semaphore_mem>>)
      %dma_wait3A = arith.constant 0 : i32
      %dma_wait3A_14 = tpu.memref_slice %arg5[%scan3A_8, %dma_wait3A] : memref<8x128xi32, #tpu.memory_space<vmem>> -> memref<1x128xi32, #tpu.memory_space<vmem>>
      %dma_wait3A_15 = tpu.memref_squeeze %dma_wait3A_14 : memref<1x128xi32, #tpu.memory_space<vmem>> -> memref<128xi32, #tpu.memory_space<vmem>>
      %dma_wait3A_16 = arith.constant 0 : i32
      %dma_wait3A_17 = arith.constant 0 : i32
      %dma_wait3A_18 = tpu.memref_slice %arg2[%dma_wait3A_16, %dma_wait3A_17] : memref<8192x128xf32, #tpu.memory_space<hbm>> -> memref<8192x128xf32, #tpu.memory_space<hbm>>
      tpu.wait_indirect_dma semaphore(%arg7 : memref<!tpu.dma_semaphore, #tpu.memory_space<semaphore_mem>>) src(%dma_wait3A_18 : memref<8192x128xf32, #tpu.memory_space<hbm>>) dst(%arg6 : memref<128x128xf32, #tpu.memory_space<vmem>>)
      %mul3A_19 = arith.constant 128 : i32
      %mul3A_20 = arith.muli %scan3A_8, %mul3A_19 : i32
      %add3A_21 = arith.addi %mul3A_2, %mul3A_20 : i32
      "tpu.region"() ({
        %run_scoped3A = tpu.sem_alloc : memref<!tpu.dma_semaphore, #tpu.memory_space<semaphore_mem>>
        %dma_start3A_22 = arith.constant 0 : i32
        %dma_start3A_23 = tpu.memref_slice %arg4[%add3A_21, %dma_start3A_22] : memref<32768x128xf32, #tpu.memory_space<hbm>> -> memref<128x128xf32, #tpu.memory_space<hbm>>
        %dma_start3A_24 = arith.constant 0 : i32
        %dma_start3A_25 = tpu.memref_slice %arg4[%add3A_21, %dma_start3A_24] : memref<32768x128xf32, #tpu.memory_space<hbm>> -> memref<128x128xf32, #tpu.memory_space<hbm>>
        tpu.enqueue_dma source(%arg6 : memref<128x128xf32, #tpu.memory_space<vmem>>) target(%dma_start3A_25 : memref<128x128xf32, #tpu.memory_space<hbm>>) target_semaphore(%run_scoped3A : memref<!tpu.dma_semaphore, #tpu.memory_space<semaphore_mem>>)
        %dma_wait3A_26 = arith.constant 0 : i32
        %dma_wait3A_27 = tpu.memref_slice %arg4[%add3A_21, %dma_wait3A_26] : memref<32768x128xf32, #tpu.memory_space<hbm>> -> memref<128x128xf32, #tpu.memory_space<hbm>>
        %dma_wait3A_28 = arith.constant 0 : i32
        %dma_wait3A_29 = tpu.memref_slice %arg4[%add3A_21, %dma_wait3A_28] : memref<32768x128xf32, #tpu.memory_space<hbm>> -> memref<128x128xf32, #tpu.memory_space<hbm>>
        tpu.wait_dma2 semaphore(%run_scoped3A : memref<!tpu.dma_semaphore, #tpu.memory_space<semaphore_mem>>) src(%arg6 : memref<128x128xf32, #tpu.memory_space<vmem>>) dst(%dma_wait3A_29 : memref<128x128xf32, #tpu.memory_space<hbm>>)
        tpu.yield
      }) : () -> ()
    }
    %scan3A_7 = arith.constant 8 : i32
    return
  }
}

#map = affine_map<(d0, d1) -> (0, 0)>
#map1 = affine_map<(d0, d1) -> (0, 0, 0)>
module attributes {stable_mosaic.version = 14 : i64} {
  func.func @gk(%arg0: i32, %arg1: i32, %arg2: memref<8192x128xf32, #tpu.memory_space<hbm>>, %arg3: memref<32x8x128xi32, #tpu.memory_space<hbm>>, %arg4: memref<32768x128xf32, #tpu.memory_space<hbm>>, %arg5: memref<8x128xi32, #tpu.memory_space<vmem>>, %arg6: memref<128x128xf32, #tpu.memory_space<vmem>>, %arg7: memref<!tpu.dma_semaphore, #tpu.memory_space<semaphore_mem>>) attributes {dimension_semantics = [#tpu.dimension_semantics<core_parallel>, #tpu.dimension_semantics<subcore_parallel>], iteration_bounds = array<i64: 2, 16>, scalar_prefetch = 0 : i64, scratch_operands = 3 : i64, tpu.core_type = #tpu.core_type<sc_vector_subcore>, window_params = [{transform_indices = #map}, {transform_indices = #map1}, {transform_indices = #map}]} {
    %mul3A = arith.constant 2 : i32
    %mul3A_0 = arith.muli %arg1, %mul3A : i32
    %add3A = arith.addi %mul3A_0, %arg0 : i32
    %mul3A_1 = arith.constant 1024 : i32
    %mul3A_2 = arith.muli %add3A, %mul3A_1 : i32
    "tpu.region"() ({
      %run_scoped3A = tpu.sem_alloc : memref<!tpu.dma_semaphore, #tpu.memory_space<semaphore_mem>>
      %dma_start3A = arith.constant 0 : i32
      %dma_start3A_8 = arith.constant 0 : i32
      %dma_start3A_9 = tpu.memref_slice %arg3[%add3A, %dma_start3A, %dma_start3A_8] : memref<32x8x128xi32, #tpu.memory_space<hbm>> -> memref<1x8x128xi32, #tpu.memory_space<hbm>>
      %dma_start3A_10 = tpu.memref_squeeze %dma_start3A_9 : memref<1x8x128xi32, #tpu.memory_space<hbm>> -> memref<8x128xi32, #tpu.memory_space<hbm>>
      %dma_start3A_11 = arith.constant 0 : i32
      %dma_start3A_12 = arith.constant 0 : i32
      %dma_start3A_13 = tpu.memref_slice %arg3[%add3A, %dma_start3A_11, %dma_start3A_12] : memref<32x8x128xi32, #tpu.memory_space<hbm>> -> memref<1x8x128xi32, #tpu.memory_space<hbm>>
      %dma_start3A_14 = tpu.memref_squeeze %dma_start3A_13 : memref<1x8x128xi32, #tpu.memory_space<hbm>> -> memref<8x128xi32, #tpu.memory_space<hbm>>
      tpu.enqueue_dma source(%dma_start3A_14 : memref<8x128xi32, #tpu.memory_space<hbm>>) target(%arg5 : memref<8x128xi32, #tpu.memory_space<vmem>>) target_semaphore(%run_scoped3A : memref<!tpu.dma_semaphore, #tpu.memory_space<semaphore_mem>>)
      %dma_wait3A = arith.constant 0 : i32
      %dma_wait3A_15 = arith.constant 0 : i32
      %dma_wait3A_16 = tpu.memref_slice %arg3[%add3A, %dma_wait3A, %dma_wait3A_15] : memref<32x8x128xi32, #tpu.memory_space<hbm>> -> memref<1x8x128xi32, #tpu.memory_space<hbm>>
      %dma_wait3A_17 = tpu.memref_squeeze %dma_wait3A_16 : memref<1x8x128xi32, #tpu.memory_space<hbm>> -> memref<8x128xi32, #tpu.memory_space<hbm>>
      %dma_wait3A_18 = arith.constant 0 : i32
      %dma_wait3A_19 = arith.constant 0 : i32
      %dma_wait3A_20 = tpu.memref_slice %arg3[%add3A, %dma_wait3A_18, %dma_wait3A_19] : memref<32x8x128xi32, #tpu.memory_space<hbm>> -> memref<1x8x128xi32, #tpu.memory_space<hbm>>
      %dma_wait3A_21 = tpu.memref_squeeze %dma_wait3A_20 : memref<1x8x128xi32, #tpu.memory_space<hbm>> -> memref<8x128xi32, #tpu.memory_space<hbm>>
      tpu.wait_dma2 semaphore(%run_scoped3A : memref<!tpu.dma_semaphore, #tpu.memory_space<semaphore_mem>>) src(%dma_wait3A_21 : memref<8x128xi32, #tpu.memory_space<hbm>>) dst(%arg5 : memref<8x128xi32, #tpu.memory_space<vmem>>)
      tpu.yield
    }) : () -> ()
    %scan3A = arith.constant 0 : i32
    %scan3A_3 = arith.constant 0 : i32
    %scan3A_4 = arith.constant 8 : i32
    %scan3A_5 = arith.addi %scan3A_3, %scan3A_4 : i32
    %scan3A_6 = arith.constant 1 : i32
    scf.for %scan3A_8 = %scan3A_3 to %scan3A_5 step %scan3A_6  : i32 {
      %dma_start3A = arith.constant 0 : i32
      %dma_start3A_9 = tpu.memref_slice %arg5[%scan3A_8, %dma_start3A] : memref<8x128xi32, #tpu.memory_space<vmem>> -> memref<1x128xi32, #tpu.memory_space<vmem>>
      %dma_start3A_10 = tpu.memref_squeeze %dma_start3A_9 : memref<1x128xi32, #tpu.memory_space<vmem>> -> memref<128xi32, #tpu.memory_space<vmem>>
      %dma_start3A_11 = arith.constant 0 : i32
      %dma_start3A_12 = arith.constant 0 : i32
      %dma_start3A_13 = tpu.memref_slice %arg2[%dma_start3A_11, %dma_start3A_12] : memref<8192x128xf32, #tpu.memory_space<hbm>> -> memref<8192x128xf32, #tpu.memory_space<hbm>>
      tpu.enqueue_indirect_dma source(%dma_start3A_13 : memref<8192x128xf32, #tpu.memory_space<hbm>>) target(%arg6 : memref<128x128xf32, #tpu.memory_space<vmem>>) offsets(%dma_start3A_10 : memref<128xi32, #tpu.memory_space<vmem>>) semaphore(%arg7 : memref<!tpu.dma_semaphore, #tpu.memory_space<semaphore_mem>>)
      %dma_wait3A = arith.constant 0 : i32
      %dma_wait3A_14 = tpu.memref_slice %arg5[%scan3A_8, %dma_wait3A] : memref<8x128xi32, #tpu.memory_space<vmem>> -> memref<1x128xi32, #tpu.memory_space<vmem>>
      %dma_wait3A_15 = tpu.memref_squeeze %dma_wait3A_14 : memref<1x128xi32, #tpu.memory_space<vmem>> -> memref<128xi32, #tpu.memory_space<vmem>>
      %dma_wait3A_16 = arith.constant 0 : i32
      %dma_wait3A_17 = arith.constant 0 : i32
      %dma_wait3A_18 = tpu.memref_slice %arg2[%dma_wait3A_16, %dma_wait3A_17] : memref<8192x128xf32, #tpu.memory_space<hbm>> -> memref<8192x128xf32, #tpu.memory_space<hbm>>
      tpu.wait_indirect_dma semaphore(%arg7 : memref<!tpu.dma_semaphore, #tpu.memory_space<semaphore_mem>>) src(%dma_wait3A_18 : memref<8192x128xf32, #tpu.memory_space<hbm>>) dst(%arg6 : memref<128x128xf32, #tpu.memory_space<vmem>>)
      %mul3A_19 = arith.constant 128 : i32
      %mul3A_20 = arith.muli %scan3A_8, %mul3A_19 : i32
      %add3A_21 = arith.addi %mul3A_2, %mul3A_20 : i32
      "tpu.region"() ({
        %run_scoped3A = tpu.sem_alloc : memref<!tpu.dma_semaphore, #tpu.memory_space<semaphore_mem>>
        %dma_start3A_22 = arith.constant 0 : i32
        %dma_start3A_23 = tpu.memref_slice %arg4[%add3A_21, %dma_start3A_22] : memref<32768x128xf32, #tpu.memory_space<hbm>> -> memref<128x128xf32, #tpu.memory_space<hbm>>
        %dma_start3A_24 = arith.constant 0 : i32
        %dma_start3A_25 = tpu.memref_slice %arg4[%add3A_21, %dma_start3A_24] : memref<32768x128xf32, #tpu.memory_space<hbm>> -> memref<128x128xf32, #tpu.memory_space<hbm>>
        tpu.enqueue_dma source(%arg6 : memref<128x128xf32, #tpu.memory_space<vmem>>) target(%dma_start3A_25 : memref<128x128xf32, #tpu.memory_space<hbm>>) target_semaphore(%run_scoped3A : memref<!tpu.dma_semaphore, #tpu.memory_space<semaphore_mem>>)
        %dma_wait3A_26 = arith.constant 0 : i32
        %dma_wait3A_27 = tpu.memref_slice %arg4[%add3A_21, %dma_wait3A_26] : memref<32768x128xf32, #tpu.memory_space<hbm>> -> memref<128x128xf32, #tpu.memory_space<hbm>>
        %dma_wait3A_28 = arith.constant 0 : i32
        %dma_wait3A_29 = tpu.memref_slice %arg4[%add3A_21, %dma_wait3A_28] : memref<32768x128xf32, #tpu.memory_space<hbm>> -> memref<128x128xf32, #tpu.memory_space<hbm>>
        tpu.wait_dma2 semaphore(%run_scoped3A : memref<!tpu.dma_semaphore, #tpu.memory_space<semaphore_mem>>) src(%arg6 : memref<128x128xf32, #tpu.memory_space<vmem>>) dst(%dma_wait3A_29 : memref<128x128xf32, #tpu.memory_space<hbm>>)
        tpu.yield
      }) : () -> ()
    }
    %scan3A_7 = arith.constant 8 : i32
    return
  }
}

module attributes {stable_mosaic.version = 14 : i64} {
  func.func @body(%arg0: i32, %arg1: memref<3x256xi32, #tpu.memory_space<smem>>, %arg2: memref<256x8xf32, #tpu.memory_space<vmem>>, %arg3: memref<8x512xf32, #tpu.memory_space<vmem>>, %arg4: memref<256x1xi32, #tpu.memory_space<vmem>>, %arg5: memref<1x512xi32, #tpu.memory_space<vmem>>, %arg6: memref<256x8xi32, #tpu.memory_space<vmem>>, %arg7: memref<256x8xf32, #tpu.memory_space<vmem>>, %arg8: memref<256x8xi32, #tpu.memory_space<vmem>>) attributes {dimension_semantics = [#tpu.dimension_semantics<arbitrary>], iteration_bounds = array<i64: -9223372036854775808>, scalar_prefetch = 1 : i64, scratch_operands = 2 : i64, tpu.core_type = #tpu.core_type<tc>, window_params = [{transform_indices = @transform_0, window_bounds = array<i64: 256, 8>}, {transform_indices = @transform_1, window_bounds = array<i64: 8, 512>}, {transform_indices = @transform_2, window_bounds = array<i64: 256, 1>}, {transform_indices = @transform_3, window_bounds = array<i64: 1, 512>}, {transform_indices = @transform_4, window_bounds = array<i64: 256, 8>}]} {
    %get3A = arith.constant 2 : index
    %get3A_0 = arith.index_cast %arg0 : i32 to index
    %get3A_1 = memref.load %arg1[%get3A, %get3A_0] : memref<3x256xi32, #tpu.memory_space<smem>>
    %eq3A = arith.constant 1 : i32
    %eq3A_2 = arith.cmpi eq, %get3A_1, %eq3A : i32
    %convert_element_type3A = arith.extui %eq3A_2 : i1 to i32
    %cond3A = arith.constant 0 : i32
    %cond3A_3 = arith.cmpi ne, %convert_element_type3A, %cond3A : i32
    scf.if %cond3A_3 {
      %broadcast_in_dim3A_165 = arith.constant 0x7F800000 : f32
      %broadcast_in_dim3A_166 = vector.broadcast %broadcast_in_dim3A_165 : f32 to vector<256x8xf32>
      %swap3A_167 = arith.constant 0 : index
      %swap3A_168 = arith.constant 0 : index
      %swap3A_169 = vector.load %arg7[%swap3A_167, %swap3A_168] : memref<256x8xf32, #tpu.memory_space<vmem>>, vector<256x8xf32>
      tpu.vector_store %arg7[%swap3A_167, %swap3A_168], %broadcast_in_dim3A_166 {strides = array<i32>} : memref<256x8xf32, #tpu.memory_space<vmem>>, vector<256x8xf32>,
      %broadcast_in_dim3A_170 = arith.constant 0 : i32
      %broadcast_in_dim3A_171 = vector.broadcast %broadcast_in_dim3A_170 : i32 to vector<256x8xi32>
      %swap3A_172 = arith.constant 0 : index
      %swap3A_173 = arith.constant 0 : index
      %swap3A_174 = vector.load %arg8[%swap3A_172, %swap3A_173] : memref<256x8xi32, #tpu.memory_space<vmem>>, vector<256x8xi32>
      tpu.vector_store %arg8[%swap3A_172, %swap3A_173], %broadcast_in_dim3A_171 {strides = array<i32>} : memref<256x8xi32, #tpu.memory_space<vmem>>, vector<256x8xi32>,
    } else {
    }
    %get3A_4 = arith.constant 1 : index
    %get3A_5 = arith.index_cast %arg0 : i32 to index
    %get3A_6 = memref.load %arg1[%get3A_4, %get3A_5] : memref<3x256xi32, #tpu.memory_space<smem>>
    %get3A_7 = arith.constant 0 : index
    %get3A_8 = arith.constant 0 : index
    %get3A_9 = vector.load %arg2[%get3A_7, %get3A_8] : memref<256x8xf32, #tpu.memory_space<vmem>>, vector<256x8xf32>
    %get3A_10 = arith.constant 0 : index
    %get3A_11 = arith.constant 0 : index
    %get3A_12 = vector.load %arg3[%get3A_10, %get3A_11] : memref<8x512xf32, #tpu.memory_space<vmem>>, vector<8x512xf32>
    %dot_general3A = arith.constant dense<0.000000e+00> : vector<256x512xf32>
    %dot_general3A_13 = tpu.matmul %get3A_9, %get3A_12, %dot_general3A {dimension_numbers = #tpu.dot_dimension_numbers<[1], [0], [0], [1], [0, 0, 1, 1], [], []>, transpose_lhs_hint = false} : vector<256x8xf32>, vector<8x512xf32>, vector<256x512xf32> -> vector<256x512xf32>
    %mul3A = arith.mulf %get3A_9, %get3A_9 : vector<256x8xf32>
    %reduce_sum3A = arith.constant dense<0.000000e+00> : vector<256xf32>
    %reduce_sum3A_14 = vector.multi_reduction <add>, %mul3A, %reduce_sum3A [1] : vector<256x8xf32> to vector<256xf32>
    %broadcast_in_dim3A = vector.shape_cast %reduce_sum3A_14 : vector<256xf32> to vector<256x1xf32>
    %mul3A_15 = arith.mulf %get3A_12, %get3A_12 : vector<8x512xf32>
    %reduce_sum3A_16 = arith.constant dense<0.000000e+00> : vector<512xf32>
    %reduce_sum3A_17 = vector.multi_reduction <add>, %mul3A_15, %reduce_sum3A_16 [0] : vector<8x512xf32> to vector<512xf32>
    %broadcast_in_dim3A_18 = vector.shape_cast %reduce_sum3A_17 : vector<512xf32> to vector<1x512xf32>
    %add3A = vector.broadcast %broadcast_in_dim3A : vector<256x1xf32> to vector<256x512xf32>
    %add3A_19 = vector.broadcast %broadcast_in_dim3A_18 : vector<1x512xf32> to vector<256x512xf32>
    %add3A_20 = arith.addf %add3A, %add3A_19 : vector<256x512xf32>
    %mul3A_21 = arith.constant 2.000000e+00 : f32
    %mul3A_22 = vector.broadcast %mul3A_21 : f32 to vector<256x512xf32>
    %mul3A_23 = arith.mulf %mul3A_22, %dot_general3A_13 : vector<256x512xf32>
    %sub3A = arith.subf %add3A_20, %mul3A_23 : vector<256x512xf32>
    %get3A_24 = arith.constant 0 : index
    %get3A_25 = arith.constant 0 : index
    %get3A_26 = vector.load %arg4[%get3A_24, %get3A_25] : memref<256x1xi32, #tpu.memory_space<vmem>>, vector<256x1xi32>
    %get3A_27 = arith.constant 0 : index
    %get3A_28 = arith.constant 0 : index
    %get3A_29 = vector.load %arg5[%get3A_27, %get3A_28] : memref<1x512xi32, #tpu.memory_space<vmem>>, vector<1x512xi32>
    %ne3A = vector.broadcast %get3A_26 : vector<256x1xi32> to vector<256x512xi32>
    %ne3A_30 = vector.broadcast %get3A_29 : vector<1x512xi32> to vector<256x512xi32>
    %ne3A_31 = arith.cmpi ne, %ne3A, %ne3A_30 : vector<256x512xi32>
    %jit3A = arith.constant 0x7F800000 : f32
    %broadcast_in_dim3A_32 = vector.broadcast %jit3A : f32 to vector<256x512xf32>
    %select_n3A = arith.select %ne3A_31, %broadcast_in_dim3A_32, %sub3A : vector<256x512xi1>, vector<256x512xf32>
    %iota3A = tpu.iota {dimensions = array<i32: 1>} : vector<256x512xi32>
    %mul3A_33 = arith.constant 512 : i32
    %mul3A_34 = arith.muli %get3A_6, %mul3A_33 : i32
    %add3A_35 = vector.broadcast %mul3A_34 : i32 to vector<256x512xi32>
    %add3A_36 = arith.addi %iota3A, %add3A_35 : vector<256x512xi32>
    %get3A_37 = arith.constant 0 : index
    %get3A_38 = arith.constant 0 : index
    %get3A_39 = vector.load %arg7[%get3A_37, %get3A_38] : memref<256x8xf32, #tpu.memory_space<vmem>>, vector<256x8xf32>
    %concatenate3A = tpu.concatenate %get3A_39, %select_n3A in 1 : vector<256x8xf32>, vector<256x512xf32> -> vector<256x520xf32>
    %get3A_40 = arith.constant 0 : index
    %get3A_41 = arith.constant 0 : index
    %get3A_42 = vector.load %arg8[%get3A_40, %get3A_41] : memref<256x8xi32, #tpu.memory_space<vmem>>, vector<256x8xi32>
    %concatenate3A_43 = tpu.concatenate %get3A_42, %add3A_36 in 1 : vector<256x8xi32>, vector<256x512xi32> -> vector<256x520xi32>
    %reduce_min3A = arith.constant dense<0x7F800000> : vector<256xf32>
    %reduce_min3A_44 = vector.multi_reduction <minimumf>, %concatenate3A, %reduce_min3A [1] : vector<256x520xf32> to vector<256xf32>
    %broadcast_in_dim3A_45 = vector.shape_cast %reduce_min3A_44 : vector<256xf32> to vector<256x1xf32>
    %eq3A_46 = vector.broadcast %broadcast_in_dim3A_45 : vector<256x1xf32> to vector<256x520xf32>
    %eq3A_47 = arith.cmpf oeq, %concatenate3A, %eq3A_46 : vector<256x520xf32>
    %jit3A_48 = arith.constant 1073741824 : i32
    %broadcast_in_dim3A_49 = vector.broadcast %jit3A_48 : i32 to vector<256x520xi32>
    %select_n3A_50 = arith.select %eq3A_47, %concatenate3A_43, %broadcast_in_dim3A_49 : vector<256x520xi1>, vector<256x520xi32>
    %reduce_min3A_51 = arith.constant dense<2147483647> : vector<256xi32>
    %reduce_min3A_52 = vector.multi_reduction <minsi>, %select_n3A_50, %reduce_min3A_51 [1] : vector<256x520xi32> to vector<256xi32>
    %broadcast_in_dim3A_53 = vector.shape_cast %reduce_min3A_52 : vector<256xi32> to vector<256x1xi32>
    %jit3A_54 = arith.constant 0x7F800000 : f32
    %broadcast_in_dim3A_55 = vector.broadcast %jit3A_54 : f32 to vector<256x520xf32>
    %select_n3A_56 = arith.select %eq3A_47, %broadcast_in_dim3A_55, %concatenate3A : vector<256x520xi1>, vector<256x520xf32>
    %reduce_min3A_57 = arith.constant dense<0x7F800000> : vector<256xf32>
    %reduce_min3A_58 = vector.multi_reduction <minimumf>, %select_n3A_56, %reduce_min3A_57 [1] : vector<256x520xf32> to vector<256xf32>
    %broadcast_in_dim3A_59 = vector.shape_cast %reduce_min3A_58 : vector<256xf32> to vector<256x1xf32>
    %eq3A_60 = vector.broadcast %broadcast_in_dim3A_59 : vector<256x1xf32> to vector<256x520xf32>
    %eq3A_61 = arith.cmpf oeq, %select_n3A_56, %eq3A_60 : vector<256x520xf32>
    %jit3A_62 = arith.constant 1073741824 : i32
    %broadcast_in_dim3A_63 = vector.broadcast %jit3A_62 : i32 to vector<256x520xi32>
    %select_n3A_64 = arith.select %eq3A_61, %concatenate3A_43, %broadcast_in_dim3A_63 : vector<256x520xi1>, vector<256x520xi32>
    %reduce_min3A_65 = arith.constant dense<2147483647> : vector<256xi32>
    %reduce_min3A_66 = vector.multi_reduction <minsi>, %select_n3A_64, %reduce_min3A_65 [1] : vector<256x520xi32> to vector<256xi32>
    %broadcast_in_dim3A_67 = vector.shape_cast %reduce_min3A_66 : vector<256xi32> to vector<256x1xi32>
    %jit3A_68 = arith.constant 0x7F800000 : f32
    %broadcast_in_dim3A_69 = vector.broadcast %jit3A_68 : f32 to vector<256x520xf32>
    %select_n3A_70 = arith.select %eq3A_61, %broadcast_in_dim3A_69, %select_n3A_56 : vector<256x520xi1>, vector<256x520xf32>
    %reduce_min3A_71 = arith.constant dense<0x7F800000> : vector<256xf32>
    %reduce_min3A_72 = vector.multi_reduction <minimumf>, %select_n3A_70, %reduce_min3A_71 [1] : vector<256x520xf32> to vector<256xf32>
    %broadcast_in_dim3A_73 = vector.shape_cast %reduce_min3A_72 : vector<256xf32> to vector<256x1xf32>
    %eq3A_74 = vector.broadcast %broadcast_in_dim3A_73 : vector<256x1xf32> to vector<256x520xf32>
    %eq3A_75 = arith.cmpf oeq, %select_n3A_70, %eq3A_74 : vector<256x520xf32>
    %jit3A_76 = arith.constant 1073741824 : i32
    %broadcast_in_dim3A_77 = vector.broadcast %jit3A_76 : i32 to vector<256x520xi32>
    %select_n3A_78 = arith.select %eq3A_75, %concatenate3A_43, %broadcast_in_dim3A_77 : vector<256x520xi1>, vector<256x520xi32>
    %reduce_min3A_79 = arith.constant dense<2147483647> : vector<256xi32>
    %reduce_min3A_80 = vector.multi_reduction <minsi>, %select_n3A_78, %reduce_min3A_79 [1] : vector<256x520xi32> to vector<256xi32>
    %broadcast_in_dim3A_81 = vector.shape_cast %reduce_min3A_80 : vector<256xi32> to vector<256x1xi32>
    %jit3A_82 = arith.constant 0x7F800000 : f32
    %broadcast_in_dim3A_83 = vector.broadcast %jit3A_82 : f32 to vector<256x520xf32>
    %select_n3A_84 = arith.select %eq3A_75, %broadcast_in_dim3A_83, %select_n3A_70 : vector<256x520xi1>, vector<256x520xf32>
    %reduce_min3A_85 = arith.constant dense<0x7F800000> : vector<256xf32>
    %reduce_min3A_86 = vector.multi_reduction <minimumf>, %select_n3A_84, %reduce_min3A_85 [1] : vector<256x520xf32> to vector<256xf32>
    %broadcast_in_dim3A_87 = vector.shape_cast %reduce_min3A_86 : vector<256xf32> to vector<256x1xf32>
    %eq3A_88 = vector.broadcast %broadcast_in_dim3A_87 : vector<256x1xf32> to vector<256x520xf32>
    %eq3A_89 = arith.cmpf oeq, %select_n3A_84, %eq3A_88 : vector<256x520xf32>
    %jit3A_90 = arith.constant 1073741824 : i32
    %broadcast_in_dim3A_91 = vector.broadcast %jit3A_90 : i32 to vector<256x520xi32>
    %select_n3A_92 = arith.select %eq3A_89, %concatenate3A_43, %broadcast_in_dim3A_91 : vector<256x520xi1>, vector<256x520xi32>
    %reduce_min3A_93 = arith.constant dense<2147483647> : vector<256xi32>
    %reduce_min3A_94 = vector.multi_reduction <minsi>, %select_n3A_92, %reduce_min3A_93 [1] : vector<256x520xi32> to vector<256xi32>
    %broadcast_in_dim3A_95 = vector.shape_cast %reduce_min3A_94 : vector<256xi32> to vector<256x1xi32>
    %jit3A_96 = arith.constant 0x7F800000 : f32
    %broadcast_in_dim3A_97 = vector.broadcast %jit3A_96 : f32 to vector<256x520xf32>
    %select_n3A_98 = arith.select %eq3A_89, %broadcast_in_dim3A_97, %select_n3A_84 : vector<256x520xi1>, vector<256x520xf32>
    %reduce_min3A_99 = arith.constant dense<0x7F800000> : vector<256xf32>
    %reduce_min3A_100 = vector.multi_reduction <minimumf>, %select_n3A_98, %reduce_min3A_99 [1] : vector<256x520xf32> to vector<256xf32>
    %broadcast_in_dim3A_101 = vector.shape_cast %reduce_min3A_100 : vector<256xf32> to vector<256x1xf32>
    %eq3A_102 = vector.broadcast %broadcast_in_dim3A_101 : vector<256x1xf32> to vector<256x520xf32>
    %eq3A_103 = arith.cmpf oeq, %select_n3A_98, %eq3A_102 : vector<256x520xf32>
    %jit3A_104 = arith.constant 1073741824 : i32
    %broadcast_in_dim3A_105 = vector.broadcast %jit3A_104 : i32 to vector<256x520xi32>
    %select_n3A_106 = arith.select %eq3A_103, %concatenate3A_43, %broadcast_in_dim3A_105 : vector<256x520xi1>, vector<256x520xi32>
    %reduce_min3A_107 = arith.constant dense<2147483647> : vector<256xi32>
    %reduce_min3A_108 = vector.multi_reduction <minsi>, %select_n3A_106, %reduce_min3A_107 [1] : vector<256x520xi32> to vector<256xi32>
    %broadcast_in_dim3A_109 = vector.shape_cast %reduce_min3A_108 : vector<256xi32> to vector<256x1xi32>
    %jit3A_110 = arith.constant 0x7F800000 : f32
    %broadcast_in_dim3A_111 = vector.broadcast %jit3A_110 : f32 to vector<256x520xf32>
    %select_n3A_112 = arith.select %eq3A_103, %broadcast_in_dim3A_111, %select_n3A_98 : vector<256x520xi1>, vector<256x520xf32>
    %reduce_min3A_113 = arith.constant dense<0x7F800000> : vector<256xf32>
    %reduce_min3A_114 = vector.multi_reduction <minimumf>, %select_n3A_112, %reduce_min3A_113 [1] : vector<256x520xf32> to vector<256xf32>
    %broadcast_in_dim3A_115 = vector.shape_cast %reduce_min3A_114 : vector<256xf32> to vector<256x1xf32>
    %eq3A_116 = vector.broadcast %broadcast_in_dim3A_115 : vector<256x1xf32> to vector<256x520xf32>
    %eq3A_117 = arith.cmpf oeq, %select_n3A_112, %eq3A_116 : vector<256x520xf32>
    %jit3A_118 = arith.constant 1073741824 : i32
    %broadcast_in_dim3A_119 = vector.broadcast %jit3A_118 : i32 to vector<256x520xi32>
    %select_n3A_120 = arith.select %eq3A_117, %concatenate3A_43, %broadcast_in_dim3A_119 : vector<256x520xi1>, vector<256x520xi32>
    %reduce_min3A_121 = arith.constant dense<2147483647> : vector<256xi32>
    %reduce_min3A_122 = vector.multi_reduction <minsi>, %select_n3A_120, %reduce_min3A_121 [1] : vector<256x520xi32> to vector<256xi32>
    %broadcast_in_dim3A_123 = vector.shape_cast %reduce_min3A_122 : vector<256xi32> to vector<256x1xi32>
    %jit3A_124 = arith.constant 0x7F800000 : f32
    %broadcast_in_dim3A_125 = vector.broadcast %jit3A_124 : f32 to vector<256x520xf32>
    %select_n3A_126 = arith.select %eq3A_117, %broadcast_in_dim3A_125, %select_n3A_112 : vector<256x520xi1>, vector<256x520xf32>
    %reduce_min3A_127 = arith.constant dense<0x7F800000> : vector<256xf32>
    %reduce_min3A_128 = vector.multi_reduction <minimumf>, %select_n3A_126, %reduce_min3A_127 [1] : vector<256x520xf32> to vector<256xf32>
    %broadcast_in_dim3A_129 = vector.shape_cast %reduce_min3A_128 : vector<256xf32> to vector<256x1xf32>
    %eq3A_130 = vector.broadcast %broadcast_in_dim3A_129 : vector<256x1xf32> to vector<256x520xf32>
    %eq3A_131 = arith.cmpf oeq, %select_n3A_126, %eq3A_130 : vector<256x520xf32>
    %jit3A_132 = arith.constant 1073741824 : i32
    %broadcast_in_dim3A_133 = vector.broadcast %jit3A_132 : i32 to vector<256x520xi32>
    %select_n3A_134 = arith.select %eq3A_131, %concatenate3A_43, %broadcast_in_dim3A_133 : vector<256x520xi1>, vector<256x520xi32>
    %reduce_min3A_135 = arith.constant dense<2147483647> : vector<256xi32>
    %reduce_min3A_136 = vector.multi_reduction <minsi>, %select_n3A_134, %reduce_min3A_135 [1] : vector<256x520xi32> to vector<256xi32>
    %broadcast_in_dim3A_137 = vector.shape_cast %reduce_min3A_136 : vector<256xi32> to vector<256x1xi32>
    %jit3A_138 = arith.constant 0x7F800000 : f32
    %broadcast_in_dim3A_139 = vector.broadcast %jit3A_138 : f32 to vector<256x520xf32>
    %select_n3A_140 = arith.select %eq3A_131, %broadcast_in_dim3A_139, %select_n3A_126 : vector<256x520xi1>, vector<256x520xf32>
    %reduce_min3A_141 = arith.constant dense<0x7F800000> : vector<256xf32>
    %reduce_min3A_142 = vector.multi_reduction <minimumf>, %select_n3A_140, %reduce_min3A_141 [1] : vector<256x520xf32> to vector<256xf32>
    %broadcast_in_dim3A_143 = vector.shape_cast %reduce_min3A_142 : vector<256xf32> to vector<256x1xf32>
    %eq3A_144 = vector.broadcast %broadcast_in_dim3A_143 : vector<256x1xf32> to vector<256x520xf32>
    %eq3A_145 = arith.cmpf oeq, %select_n3A_140, %eq3A_144 : vector<256x520xf32>
    %jit3A_146 = arith.constant 1073741824 : i32
    %broadcast_in_dim3A_147 = vector.broadcast %jit3A_146 : i32 to vector<256x520xi32>
    %select_n3A_148 = arith.select %eq3A_145, %concatenate3A_43, %broadcast_in_dim3A_147 : vector<256x520xi1>, vector<256x520xi32>
    %reduce_min3A_149 = arith.constant dense<2147483647> : vector<256xi32>
    %reduce_min3A_150 = vector.multi_reduction <minsi>, %select_n3A_148, %reduce_min3A_149 [1] : vector<256x520xi32> to vector<256xi32>
    %broadcast_in_dim3A_151 = vector.shape_cast %reduce_min3A_150 : vector<256xi32> to vector<256x1xi32>
    %concatenate3A_152 = tpu.concatenate %broadcast_in_dim3A_45, %broadcast_in_dim3A_59, %broadcast_in_dim3A_73, %broadcast_in_dim3A_87, %broadcast_in_dim3A_101, %broadcast_in_dim3A_115, %broadcast_in_dim3A_129, %broadcast_in_dim3A_143 in 1 : vector<256x1xf32>, vector<256x1xf32>, vector<256x1xf32>, vector<256x1xf32>, vector<256x1xf32>, vector<256x1xf32>, vector<256x1xf32>, vector<256x1xf32> -> vector<256x8xf32>
    %swap3A = arith.constant 0 : index
    %swap3A_153 = arith.constant 0 : index
    %swap3A_154 = vector.load %arg7[%swap3A, %swap3A_153] : memref<256x8xf32, #tpu.memory_space<vmem>>, vector<256x8xf32>
    tpu.vector_store %arg7[%swap3A, %swap3A_153], %concatenate3A_152 {strides = array<i32>} : memref<256x8xf32, #tpu.memory_space<vmem>>, vector<256x8xf32>,
    %concatenate3A_155 = tpu.concatenate %broadcast_in_dim3A_53, %broadcast_in_dim3A_67, %broadcast_in_dim3A_81, %broadcast_in_dim3A_95, %broadcast_in_dim3A_109, %broadcast_in_dim3A_123, %broadcast_in_dim3A_137, %broadcast_in_dim3A_151 in 1 : vector<256x1xi32>, vector<256x1xi32>, vector<256x1xi32>, vector<256x1xi32>, vector<256x1xi32>, vector<256x1xi32>, vector<256x1xi32>, vector<256x1xi32> -> vector<256x8xi32>
    %swap3A_156 = arith.constant 0 : index
    %swap3A_157 = arith.constant 0 : index
    %swap3A_158 = vector.load %arg8[%swap3A_156, %swap3A_157] : memref<256x8xi32, #tpu.memory_space<vmem>>, vector<256x8xi32>
    tpu.vector_store %arg8[%swap3A_156, %swap3A_157], %concatenate3A_155 {strides = array<i32>} : memref<256x8xi32, #tpu.memory_space<vmem>>, vector<256x8xi32>,
    %get3A_159 = arith.constant 0 : index
    %get3A_160 = arith.constant 0 : index
    %get3A_161 = vector.load %arg8[%get3A_159, %get3A_160] : memref<256x8xi32, #tpu.memory_space<vmem>>, vector<256x8xi32>
    %swap3A_162 = arith.constant 0 : index
    %swap3A_163 = arith.constant 0 : index
    %swap3A_164 = vector.load %arg6[%swap3A_162, %swap3A_163] : memref<256x8xi32, #tpu.memory_space<vmem>>, vector<256x8xi32>
    tpu.vector_store %arg6[%swap3A_162, %swap3A_163], %get3A_161 {strides = array<i32>} : memref<256x8xi32, #tpu.memory_space<vmem>>, vector<256x8xi32>,
    return
  }
  func.func @transform_0(%arg0: i32, %arg1: memref<3x256xi32, #tpu.memory_space<smem>>) -> (i32, i32) {
    %get3A = arith.constant 0 : index
    %get3A_0 = arith.index_cast %arg0 : i32 to index
    %get3A_1 = memref.load %arg1[%get3A, %get3A_0] : memref<3x256xi32, #tpu.memory_space<smem>>
    %c0_i32 = arith.constant 0 : i32
    %c0_i32_2 = arith.constant 0 : i32
    return %get3A_1, %c0_i32 : i32, i32
  }
  func.func @transform_1(%arg0: i32, %arg1: memref<3x256xi32, #tpu.memory_space<smem>>) -> (i32, i32) {
    %get3A = arith.constant 1 : index
    %get3A_0 = arith.index_cast %arg0 : i32 to index
    %get3A_1 = memref.load %arg1[%get3A, %get3A_0] : memref<3x256xi32, #tpu.memory_space<smem>>
    %c0_i32 = arith.constant 0 : i32
    %c0_i32_2 = arith.constant 0 : i32
    return %c0_i32, %get3A_1 : i32, i32
  }
  func.func @transform_2(%arg0: i32, %arg1: memref<3x256xi32, #tpu.memory_space<smem>>) -> (i32, i32) {
    %get3A = arith.constant 0 : index
    %get3A_0 = arith.index_cast %arg0 : i32 to index
    %get3A_1 = memref.load %arg1[%get3A, %get3A_0] : memref<3x256xi32, #tpu.memory_space<smem>>
    %c0_i32 = arith.constant 0 : i32
    %c0_i32_2 = arith.constant 0 : i32
    return %get3A_1, %c0_i32 : i32, i32
  }
  func.func @transform_3(%arg0: i32, %arg1: memref<3x256xi32, #tpu.memory_space<smem>>) -> (i32, i32) {
    %get3A = arith.constant 1 : index
    %get3A_0 = arith.index_cast %arg0 : i32 to index
    %get3A_1 = memref.load %arg1[%get3A, %get3A_0] : memref<3x256xi32, #tpu.memory_space<smem>>
    %c0_i32 = arith.constant 0 : i32
    %c0_i32_2 = arith.constant 0 : i32
    return %c0_i32, %get3A_1 : i32, i32
  }
  func.func @transform_4(%arg0: i32, %arg1: memref<3x256xi32, #tpu.memory_space<smem>>) -> (i32, i32) {
    %get3A = arith.constant 0 : index
    %get3A_0 = arith.index_cast %arg0 : i32 to index
    %get3A_1 = memref.load %arg1[%get3A, %get3A_0] : memref<3x256xi32, #tpu.memory_space<smem>>
    %c0_i32 = arith.constant 0 : i32
    %c0_i32_2 = arith.constant 0 : i32
    return %get3A_1, %c0_i32 : i32, i32
  }
}

module attributes {stable_mosaic.version = 14 : i64} {
  func.func @body(%arg0: i32, %arg1: memref<512x8xf32, #tpu.memory_space<vmem>>, %arg2: memref<8x128xf32, #tpu.memory_space<vmem>>, %arg3: memref<8x128xf32, #tpu.memory_space<vmem>>, %arg4: memref<1x128xf32, #tpu.memory_space<vmem>>, %arg5: memref<512x128xf32, #tpu.memory_space<vmem>>, %arg6: memref<512x128xf32, #tpu.memory_space<vmem>>) attributes {dimension_semantics = [#tpu.dimension_semantics<arbitrary>], iteration_bounds = array<i64: 16>, scalar_prefetch = 0 : i64, scratch_operands = 0 : i64, tpu.core_type = #tpu.core_type<tc>, window_params = [{transform_indices = @transform_0, window_bounds = array<i64: 512, 8>}, {pipeline_mode = #tpu.pipeline_mode<synchronous>, transform_indices = @transform_1, window_bounds = array<i64: 8, 128>}, {pipeline_mode = #tpu.pipeline_mode<synchronous>, transform_indices = @transform_2, window_bounds = array<i64: 8, 128>}, {pipeline_mode = #tpu.pipeline_mode<synchronous>, transform_indices = @transform_3, window_bounds = array<i64: 1, 128>}, {transform_indices = @transform_4, window_bounds = array<i64: 512, 128>}, {transform_indices = @transform_5, window_bounds = array<i64: 512, 128>}]} {
    %get3A = arith.constant 0 : index
    %get3A_0 = arith.constant 0 : index
    %get3A_1 = vector.load %arg1[%get3A, %get3A_0] : memref<512x8xf32, #tpu.memory_space<vmem>>, vector<512x8xf32>
    %get3A_2 = arith.constant 0 : index
    %get3A_3 = arith.constant 0 : index
    %get3A_4 = vector.load %arg2[%get3A_2, %get3A_3] : memref<8x128xf32, #tpu.memory_space<vmem>>, vector<8x128xf32>
    %dot_general3A = arith.constant dense<0.000000e+00> : vector<512x128xf32>
    %dot_general3A_5 = tpu.matmul %get3A_1, %get3A_4, %dot_general3A {dimension_numbers = #tpu.dot_dimension_numbers<[1], [0], [0], [1], [0, 0, 1, 1], [], []>, transpose_lhs_hint = false} : vector<512x8xf32>, vector<8x128xf32>, vector<512x128xf32> -> vector<512x128xf32>
    %get3A_6 = arith.constant 0 : index
    %get3A_7 = arith.constant 0 : index
    %get3A_8 = vector.load %arg4[%get3A_6, %get3A_7] : memref<1x128xf32, #tpu.memory_space<vmem>>, vector<1x128xf32>
    %add3A = vector.broadcast %get3A_8 : vector<1x128xf32> to vector<512x128xf32>
    %add3A_9 = arith.addf %dot_general3A_5, %add3A : vector<512x128xf32>
    %swap3A = arith.constant 0 : index
    %swap3A_10 = arith.constant 0 : index
    %swap3A_11 = vector.load %arg5[%swap3A, %swap3A_10] : memref<512x128xf32, #tpu.memory_space<vmem>>, vector<512x128xf32>
    tpu.vector_store %arg5[%swap3A, %swap3A_10], %add3A_9 {strides = array<i32>} : memref<512x128xf32, #tpu.memory_space<vmem>>, vector<512x128xf32>,
    %get3A_12 = arith.constant 0 : index
    %get3A_13 = arith.constant 0 : index
    %get3A_14 = vector.load %arg3[%get3A_12, %get3A_13] : memref<8x128xf32, #tpu.memory_space<vmem>>, vector<8x128xf32>
    %dot_general3A_15 = arith.constant dense<0.000000e+00> : vector<512x128xf32>
    %dot_general3A_16 = tpu.matmul %get3A_1, %get3A_14, %dot_general3A_15 {dimension_numbers = #tpu.dot_dimension_numbers<[1], [0], [0], [1], [0, 0, 1, 1], [], []>, transpose_lhs_hint = false} : vector<512x8xf32>, vector<8x128xf32>, vector<512x128xf32> -> vector<512x128xf32>
    %swap3A_17 = arith.constant 0 : index
    %swap3A_18 = arith.constant 0 : index
    %swap3A_19 = vector.load %arg6[%swap3A_17, %swap3A_18] : memref<512x128xf32, #tpu.memory_space<vmem>>, vector<512x128xf32>
    tpu.vector_store %arg6[%swap3A_17, %swap3A_18], %dot_general3A_16 {strides = array<i32>} : memref<512x128xf32, #tpu.memory_space<vmem>>, vector<512x128xf32>,
    return
  }
  func.func @transform_0(%arg0: i32) -> (i32, i32) {
    %c0_i32 = arith.constant 0 : i32
    %c0_i32_0 = arith.constant 0 : i32
    return %arg0, %c0_i32 : i32, i32
  }
  func.func @transform_1(%arg0: i32) -> (i32, i32) {
    %c0_i32 = arith.constant 0 : i32
    %c0_i32_0 = arith.constant 0 : i32
    %c0_i32_1 = arith.constant 0 : i32
    return %c0_i32, %c0_i32_0 : i32, i32
  }
  func.func @transform_2(%arg0: i32) -> (i32, i32) {
    %c0_i32 = arith.constant 0 : i32
    %c0_i32_0 = arith.constant 0 : i32
    %c0_i32_1 = arith.constant 0 : i32
    return %c0_i32, %c0_i32_0 : i32, i32
  }
  func.func @transform_3(%arg0: i32) -> (i32, i32) {
    %c0_i32 = arith.constant 0 : i32
    %c0_i32_0 = arith.constant 0 : i32
    %c0_i32_1 = arith.constant 0 : i32
    return %c0_i32, %c0_i32_0 : i32, i32
  }
  func.func @transform_4(%arg0: i32) -> (i32, i32) {
    %c0_i32 = arith.constant 0 : i32
    %c0_i32_0 = arith.constant 0 : i32
    return %arg0, %c0_i32 : i32, i32
  }
  func.func @transform_5(%arg0: i32) -> (i32, i32) {
    %c0_i32 = arith.constant 0 : i32
    %c0_i32_0 = arith.constant 0 : i32
    return %arg0, %c0_i32 : i32, i32
  }
}

module attributes {stable_mosaic.version = 14 : i64} {
  func.func @body(%arg0: i32, %arg1: memref<2048x128xf32, #tpu.memory_space<vmem>>, %arg2: memref<256x128xf32, #tpu.memory_space<vmem>>, %arg3: memref<128x128xf32, #tpu.memory_space<vmem>>, %arg4: memref<1x128xf32, #tpu.memory_space<vmem>>, %arg5: memref<256x128xf32, #tpu.memory_space<vmem>>) attributes {dimension_semantics = [#tpu.dimension_semantics<arbitrary>], iteration_bounds = array<i64: 16>, scalar_prefetch = 0 : i64, scratch_operands = 0 : i64, tpu.core_type = #tpu.core_type<tc>, window_params = [{transform_indices = @transform_0, window_bounds = array<i64: 2048, 128>}, {transform_indices = @transform_1, window_bounds = array<i64: 256, 128>}, {pipeline_mode = #tpu.pipeline_mode<synchronous>, transform_indices = @transform_2, window_bounds = array<i64: 128, 128>}, {pipeline_mode = #tpu.pipeline_mode<synchronous>, transform_indices = @transform_3, window_bounds = array<i64: 1, 128>}, {transform_indices = @transform_4, window_bounds = array<i64: 256, 128>}]} {
    %get3A = arith.constant 0 : index
    %get3A_0 = arith.constant 0 : index
    %get3A_1 = vector.load %arg2[%get3A, %get3A_0] : memref<256x128xf32, #tpu.memory_space<vmem>>, vector<256x128xf32>
    %get3A_2 = arith.constant 0 : index
    %get3A_3 = arith.constant 0 : index
    %get3A_4 = vector.load %arg1[%get3A_2, %get3A_3] : memref<2048x128xf32, #tpu.memory_space<vmem>>, vector<2048x128xf32>
    %broadcast_in_dim3A = vector.shape_cast %get3A_1 : vector<256x128xf32> to vector<256x1x128xf32>
    %broadcast_in_dim3A_5 = vector.shape_cast %broadcast_in_dim3A : vector<256x1x128xf32> to vector<256x1x128xf32>
    %broadcast_in_dim3A_6 = vector.broadcast %broadcast_in_dim3A_5 : vector<256x1x128xf32> to vector<256x8x128xf32>
    %reshape3A = vector.shape_cast %broadcast_in_dim3A_6 : vector<256x8x128xf32> to vector<2048x128xf32>
    %add3A = arith.addf %reshape3A, %get3A_4 : vector<2048x128xf32>
    %max3A = arith.constant 0.000000e+00 : f32
    %max3A_7 = vector.broadcast %max3A : f32 to vector<2048x128xf32>
    %max3A_8 = arith.maximumf %add3A, %max3A_7 : vector<2048x128xf32>
    %get3A_9 = arith.constant 0 : index
    %get3A_10 = arith.constant 0 : index
    %get3A_11 = vector.load %arg3[%get3A_9, %get3A_10] : memref<128x128xf32, #tpu.memory_space<vmem>>, vector<128x128xf32>
    %dot_general3A = arith.constant dense<0.000000e+00> : vector<2048x128xf32>
    %dot_general3A_12 = tpu.matmul %max3A_8, %get3A_11, %dot_general3A {dimension_numbers = #tpu.dot_dimension_numbers<[1], [0], [0], [1], [0, 0, 1, 1], [], []>, transpose_lhs_hint = false} : vector<2048x128xf32>, vector<128x128xf32>, vector<2048x128xf32> -> vector<2048x128xf32>
    %get3A_13 = arith.constant 0 : index
    %get3A_14 = arith.constant 0 : index
    %get3A_15 = vector.load %arg4[%get3A_13, %get3A_14] : memref<1x128xf32, #tpu.memory_space<vmem>>, vector<1x128xf32>
    %add3A_16 = vector.broadcast %get3A_15 : vector<1x128xf32> to vector<2048x128xf32>
    %add3A_17 = arith.addf %dot_general3A_12, %add3A_16 : vector<2048x128xf32>
    %max3A_18 = arith.constant 0.000000e+00 : f32
    %max3A_19 = vector.broadcast %max3A_18 : f32 to vector<2048x128xf32>
    %max3A_20 = arith.maximumf %add3A_17, %max3A_19 : vector<2048x128xf32>
    %reshape3A_21 = vector.shape_cast %max3A_20 : vector<2048x128xf32> to vector<256x8x128xf32>
    %reduce_sum3A = arith.constant dense<0.000000e+00> : vector<256x128xf32>
    %reduce_sum3A_22 = vector.multi_reduction <add>, %reshape3A_21, %reduce_sum3A [1] : vector<256x8x128xf32> to vector<256x128xf32>
    %div3A = arith.constant 8.000000e+00 : f32
    %div3A_23 = vector.broadcast %div3A : f32 to vector<256x128xf32>
    %div3A_24 = arith.divf %reduce_sum3A_22, %div3A_23 : vector<256x128xf32>
    %swap3A = arith.constant 0 : index
    %swap3A_25 = arith.constant 0 : index
    %swap3A_26 = vector.load %arg5[%swap3A, %swap3A_25] : memref<256x128xf32, #tpu.memory_space<vmem>>, vector<256x128xf32>
    tpu.vector_store %arg5[%swap3A, %swap3A_25], %div3A_24 {strides = array<i32>} : memref<256x128xf32, #tpu.memory_space<vmem>>, vector<256x128xf32>,
    return
  }
  func.func @transform_0(%arg0: i32) -> (i32, i32) {
    %c0_i32 = arith.constant 0 : i32
    %c0_i32_0 = arith.constant 0 : i32
    return %arg0, %c0_i32 : i32, i32
  }
  func.func @transform_1(%arg0: i32) -> (i32, i32) {
    %c0_i32 = arith.constant 0 : i32
    %c0_i32_0 = arith.constant 0 : i32
    return %arg0, %c0_i32 : i32, i32
  }
  func.func @transform_2(%arg0: i32) -> (i32, i32) {
    %c0_i32 = arith.constant 0 : i32
    %c0_i32_0 = arith.constant 0 : i32
    %c0_i32_1 = arith.constant 0 : i32
    return %c0_i32, %c0_i32_0 : i32, i32
  }
  func.func @transform_3(%arg0: i32) -> (i32, i32) {
    %c0_i32 = arith.constant 0 : i32
    %c0_i32_0 = arith.constant 0 : i32
    %c0_i32_1 = arith.constant 0 : i32
    return %c0_i32, %c0_i32_0 : i32, i32
  }
  func.func @transform_4(%arg0: i32) -> (i32, i32) {
    %c0_i32 = arith.constant 0 : i32
    %c0_i32_0 = arith.constant 0 : i32
    return %arg0, %c0_i32 : i32, i32
  }
}

module attributes {stable_mosaic.version = 14 : i64} {
  func.func @body(%arg0: i32, %arg1: memref<3x256xi32, #tpu.memory_space<smem>>, %arg2: memref<256x128xf32, #tpu.memory_space<vmem>>, %arg3: memref<128x512xf32, #tpu.memory_space<vmem>>, %arg4: memref<256x1xi32, #tpu.memory_space<vmem>>, %arg5: memref<1x512xi32, #tpu.memory_space<vmem>>, %arg6: memref<256x8xi32, #tpu.memory_space<vmem>>, %arg7: memref<256x8xf32, #tpu.memory_space<vmem>>, %arg8: memref<256x8xi32, #tpu.memory_space<vmem>>) attributes {dimension_semantics = [#tpu.dimension_semantics<arbitrary>], iteration_bounds = array<i64: -9223372036854775808>, scalar_prefetch = 1 : i64, scratch_operands = 2 : i64, tpu.core_type = #tpu.core_type<tc>, window_params = [{transform_indices = @transform_0, window_bounds = array<i64: 256, 128>}, {transform_indices = @transform_1, window_bounds = array<i64: 128, 512>}, {transform_indices = @transform_2, window_bounds = array<i64: 256, 1>}, {transform_indices = @transform_3, window_bounds = array<i64: 1, 512>}, {transform_indices = @transform_4, window_bounds = array<i64: 256, 8>}]} {
    %get3A = arith.constant 2 : index
    %get3A_0 = arith.index_cast %arg0 : i32 to index
    %get3A_1 = memref.load %arg1[%get3A, %get3A_0] : memref<3x256xi32, #tpu.memory_space<smem>>
    %eq3A = arith.constant 1 : i32
    %eq3A_2 = arith.cmpi eq, %get3A_1, %eq3A : i32
    %convert_element_type3A = arith.extui %eq3A_2 : i1 to i32
    %cond3A = arith.constant 0 : i32
    %cond3A_3 = arith.cmpi ne, %convert_element_type3A, %cond3A : i32
    scf.if %cond3A_3 {
      %broadcast_in_dim3A_165 = arith.constant 0x7F800000 : f32
      %broadcast_in_dim3A_166 = vector.broadcast %broadcast_in_dim3A_165 : f32 to vector<256x8xf32>
      %swap3A_167 = arith.constant 0 : index
      %swap3A_168 = arith.constant 0 : index
      %swap3A_169 = vector.load %arg7[%swap3A_167, %swap3A_168] : memref<256x8xf32, #tpu.memory_space<vmem>>, vector<256x8xf32>
      tpu.vector_store %arg7[%swap3A_167, %swap3A_168], %broadcast_in_dim3A_166 {strides = array<i32>} : memref<256x8xf32, #tpu.memory_space<vmem>>, vector<256x8xf32>,
      %broadcast_in_dim3A_170 = arith.constant 0 : i32
      %broadcast_in_dim3A_171 = vector.broadcast %broadcast_in_dim3A_170 : i32 to vector<256x8xi32>
      %swap3A_172 = arith.constant 0 : index
      %swap3A_173 = arith.constant 0 : index
      %swap3A_174 = vector.load %arg8[%swap3A_172, %swap3A_173] : memref<256x8xi32, #tpu.memory_space<vmem>>, vector<256x8xi32>
      tpu.vector_store %arg8[%swap3A_172, %swap3A_173], %broadcast_in_dim3A_171 {strides = array<i32>} : memref<256x8xi32, #tpu.memory_space<vmem>>, vector<256x8xi32>,
    } else {
    }
    %get3A_4 = arith.constant 1 : index
    %get3A_5 = arith.index_cast %arg0 : i32 to index
    %get3A_6 = memref.load %arg1[%get3A_4, %get3A_5] : memref<3x256xi32, #tpu.memory_space<smem>>
    %get3A_7 = arith.constant 0 : index
    %get3A_8 = arith.constant 0 : index
    %get3A_9 = vector.load %arg2[%get3A_7, %get3A_8] : memref<256x128xf32, #tpu.memory_space<vmem>>, vector<256x128xf32>
    %get3A_10 = arith.constant 0 : index
    %get3A_11 = arith.constant 0 : index
    %get3A_12 = vector.load %arg3[%get3A_10, %get3A_11] : memref<128x512xf32, #tpu.memory_space<vmem>>, vector<128x512xf32>
    %dot_general3A = arith.constant dense<0.000000e+00> : vector<256x512xf32>
    %dot_general3A_13 = tpu.matmul %get3A_9, %get3A_12, %dot_general3A {dimension_numbers = #tpu.dot_dimension_numbers<[1], [0], [0], [1], [0, 0, 1, 1], [], []>, transpose_lhs_hint = false} : vector<256x128xf32>, vector<128x512xf32>, vector<256x512xf32> -> vector<256x512xf32>
    %mul3A = arith.mulf %get3A_9, %get3A_9 : vector<256x128xf32>
    %reduce_sum3A = arith.constant dense<0.000000e+00> : vector<256xf32>
    %reduce_sum3A_14 = vector.multi_reduction <add>, %mul3A, %reduce_sum3A [1] : vector<256x128xf32> to vector<256xf32>
    %broadcast_in_dim3A = vector.shape_cast %reduce_sum3A_14 : vector<256xf32> to vector<256x1xf32>
    %mul3A_15 = arith.mulf %get3A_12, %get3A_12 : vector<128x512xf32>
    %reduce_sum3A_16 = arith.constant dense<0.000000e+00> : vector<512xf32>
    %reduce_sum3A_17 = vector.multi_reduction <add>, %mul3A_15, %reduce_sum3A_16 [0] : vector<128x512xf32> to vector<512xf32>
    %broadcast_in_dim3A_18 = vector.shape_cast %reduce_sum3A_17 : vector<512xf32> to vector<1x512xf32>
    %add3A = vector.broadcast %broadcast_in_dim3A : vector<256x1xf32> to vector<256x512xf32>
    %add3A_19 = vector.broadcast %broadcast_in_dim3A_18 : vector<1x512xf32> to vector<256x512xf32>
    %add3A_20 = arith.addf %add3A, %add3A_19 : vector<256x512xf32>
    %mul3A_21 = arith.constant 2.000000e+00 : f32
    %mul3A_22 = vector.broadcast %mul3A_21 : f32 to vector<256x512xf32>
    %mul3A_23 = arith.mulf %mul3A_22, %dot_general3A_13 : vector<256x512xf32>
    %sub3A = arith.subf %add3A_20, %mul3A_23 : vector<256x512xf32>
    %get3A_24 = arith.constant 0 : index
    %get3A_25 = arith.constant 0 : index
    %get3A_26 = vector.load %arg4[%get3A_24, %get3A_25] : memref<256x1xi32, #tpu.memory_space<vmem>>, vector<256x1xi32>
    %get3A_27 = arith.constant 0 : index
    %get3A_28 = arith.constant 0 : index
    %get3A_29 = vector.load %arg5[%get3A_27, %get3A_28] : memref<1x512xi32, #tpu.memory_space<vmem>>, vector<1x512xi32>
    %ne3A = vector.broadcast %get3A_26 : vector<256x1xi32> to vector<256x512xi32>
    %ne3A_30 = vector.broadcast %get3A_29 : vector<1x512xi32> to vector<256x512xi32>
    %ne3A_31 = arith.cmpi ne, %ne3A, %ne3A_30 : vector<256x512xi32>
    %jit3A = arith.constant 0x7F800000 : f32
    %broadcast_in_dim3A_32 = vector.broadcast %jit3A : f32 to vector<256x512xf32>
    %select_n3A = arith.select %ne3A_31, %broadcast_in_dim3A_32, %sub3A : vector<256x512xi1>, vector<256x512xf32>
    %iota3A = tpu.iota {dimensions = array<i32: 1>} : vector<256x512xi32>
    %mul3A_33 = arith.constant 512 : i32
    %mul3A_34 = arith.muli %get3A_6, %mul3A_33 : i32
    %add3A_35 = vector.broadcast %mul3A_34 : i32 to vector<256x512xi32>
    %add3A_36 = arith.addi %iota3A, %add3A_35 : vector<256x512xi32>
    %get3A_37 = arith.constant 0 : index
    %get3A_38 = arith.constant 0 : index
    %get3A_39 = vector.load %arg7[%get3A_37, %get3A_38] : memref<256x8xf32, #tpu.memory_space<vmem>>, vector<256x8xf32>
    %concatenate3A = tpu.concatenate %get3A_39, %select_n3A in 1 : vector<256x8xf32>, vector<256x512xf32> -> vector<256x520xf32>
    %get3A_40 = arith.constant 0 : index
    %get3A_41 = arith.constant 0 : index
    %get3A_42 = vector.load %arg8[%get3A_40, %get3A_41] : memref<256x8xi32, #tpu.memory_space<vmem>>, vector<256x8xi32>
    %concatenate3A_43 = tpu.concatenate %get3A_42, %add3A_36 in 1 : vector<256x8xi32>, vector<256x512xi32> -> vector<256x520xi32>
    %reduce_min3A = arith.constant dense<0x7F800000> : vector<256xf32>
    %reduce_min3A_44 = vector.multi_reduction <minimumf>, %concatenate3A, %reduce_min3A [1] : vector<256x520xf32> to vector<256xf32>
    %broadcast_in_dim3A_45 = vector.shape_cast %reduce_min3A_44 : vector<256xf32> to vector<256x1xf32>
    %eq3A_46 = vector.broadcast %broadcast_in_dim3A_45 : vector<256x1xf32> to vector<256x520xf32>
    %eq3A_47 = arith.cmpf oeq, %concatenate3A, %eq3A_46 : vector<256x520xf32>
    %jit3A_48 = arith.constant 1073741824 : i32
    %broadcast_in_dim3A_49 = vector.broadcast %jit3A_48 : i32 to vector<256x520xi32>
    %select_n3A_50 = arith.select %eq3A_47, %concatenate3A_43, %broadcast_in_dim3A_49 : vector<256x520xi1>, vector<256x520xi32>
    %reduce_min3A_51 = arith.constant dense<2147483647> : vector<256xi32>
    %reduce_min3A_52 = vector.multi_reduction <minsi>, %select_n3A_50, %reduce_min3A_51 [1] : vector<256x520xi32> to vector<256xi32>
    %broadcast_in_dim3A_53 = vector.shape_cast %reduce_min3A_52 : vector<256xi32> to vector<256x1xi32>
    %jit3A_54 = arith.constant 0x7F800000 : f32
    %broadcast_in_dim3A_55 = vector.broadcast %jit3A_54 : f32 to vector<256x520xf32>
    %select_n3A_56 = arith.select %eq3A_47, %broadcast_in_dim3A_55, %concatenate3A : vector<256x520xi1>, vector<256x520xf32>
    %reduce_min3A_57 = arith.constant dense<0x7F800000> : vector<256xf32>
    %reduce_min3A_58 = vector.multi_reduction <minimumf>, %select_n3A_56, %reduce_min3A_57 [1] : vector<256x520xf32> to vector<256xf32>
    %broadcast_in_dim3A_59 = vector.shape_cast %reduce_min3A_58 : vector<256xf32> to vector<256x1xf32>
    %eq3A_60 = vector.broadcast %broadcast_in_dim3A_59 : vector<256x1xf32> to vector<256x520xf32>
    %eq3A_61 = arith.cmpf oeq, %select_n3A_56, %eq3A_60 : vector<256x520xf32>
    %jit3A_62 = arith.constant 1073741824 : i32
    %broadcast_in_dim3A_63 = vector.broadcast %jit3A_62 : i32 to vector<256x520xi32>
    %select_n3A_64 = arith.select %eq3A_61, %concatenate3A_43, %broadcast_in_dim3A_63 : vector<256x520xi1>, vector<256x520xi32>
    %reduce_min3A_65 = arith.constant dense<2147483647> : vector<256xi32>
    %reduce_min3A_66 = vector.multi_reduction <minsi>, %select_n3A_64, %reduce_min3A_65 [1] : vector<256x520xi32> to vector<256xi32>
    %broadcast_in_dim3A_67 = vector.shape_cast %reduce_min3A_66 : vector<256xi32> to vector<256x1xi32>
    %jit3A_68 = arith.constant 0x7F800000 : f32
    %broadcast_in_dim3A_69 = vector.broadcast %jit3A_68 : f32 to vector<256x520xf32>
    %select_n3A_70 = arith.select %eq3A_61, %broadcast_in_dim3A_69, %select_n3A_56 : vector<256x520xi1>, vector<256x520xf32>
    %reduce_min3A_71 = arith.constant dense<0x7F800000> : vector<256xf32>
    %reduce_min3A_72 = vector.multi_reduction <minimumf>, %select_n3A_70, %reduce_min3A_71 [1] : vector<256x520xf32> to vector<256xf32>
    %broadcast_in_dim3A_73 = vector.shape_cast %reduce_min3A_72 : vector<256xf32> to vector<256x1xf32>
    %eq3A_74 = vector.broadcast %broadcast_in_dim3A_73 : vector<256x1xf32> to vector<256x520xf32>
    %eq3A_75 = arith.cmpf oeq, %select_n3A_70, %eq3A_74 : vector<256x520xf32>
    %jit3A_76 = arith.constant 1073741824 : i32
    %broadcast_in_dim3A_77 = vector.broadcast %jit3A_76 : i32 to vector<256x520xi32>
    %select_n3A_78 = arith.select %eq3A_75, %concatenate3A_43, %broadcast_in_dim3A_77 : vector<256x520xi1>, vector<256x520xi32>
    %reduce_min3A_79 = arith.constant dense<2147483647> : vector<256xi32>
    %reduce_min3A_80 = vector.multi_reduction <minsi>, %select_n3A_78, %reduce_min3A_79 [1] : vector<256x520xi32> to vector<256xi32>
    %broadcast_in_dim3A_81 = vector.shape_cast %reduce_min3A_80 : vector<256xi32> to vector<256x1xi32>
    %jit3A_82 = arith.constant 0x7F800000 : f32
    %broadcast_in_dim3A_83 = vector.broadcast %jit3A_82 : f32 to vector<256x520xf32>
    %select_n3A_84 = arith.select %eq3A_75, %broadcast_in_dim3A_83, %select_n3A_70 : vector<256x520xi1>, vector<256x520xf32>
    %reduce_min3A_85 = arith.constant dense<0x7F800000> : vector<256xf32>
    %reduce_min3A_86 = vector.multi_reduction <minimumf>, %select_n3A_84, %reduce_min3A_85 [1] : vector<256x520xf32> to vector<256xf32>
    %broadcast_in_dim3A_87 = vector.shape_cast %reduce_min3A_86 : vector<256xf32> to vector<256x1xf32>
    %eq3A_88 = vector.broadcast %broadcast_in_dim3A_87 : vector<256x1xf32> to vector<256x520xf32>
    %eq3A_89 = arith.cmpf oeq, %select_n3A_84, %eq3A_88 : vector<256x520xf32>
    %jit3A_90 = arith.constant 1073741824 : i32
    %broadcast_in_dim3A_91 = vector.broadcast %jit3A_90 : i32 to vector<256x520xi32>
    %select_n3A_92 = arith.select %eq3A_89, %concatenate3A_43, %broadcast_in_dim3A_91 : vector<256x520xi1>, vector<256x520xi32>
    %reduce_min3A_93 = arith.constant dense<2147483647> : vector<256xi32>
    %reduce_min3A_94 = vector.multi_reduction <minsi>, %select_n3A_92, %reduce_min3A_93 [1] : vector<256x520xi32> to vector<256xi32>
    %broadcast_in_dim3A_95 = vector.shape_cast %reduce_min3A_94 : vector<256xi32> to vector<256x1xi32>
    %jit3A_96 = arith.constant 0x7F800000 : f32
    %broadcast_in_dim3A_97 = vector.broadcast %jit3A_96 : f32 to vector<256x520xf32>
    %select_n3A_98 = arith.select %eq3A_89, %broadcast_in_dim3A_97, %select_n3A_84 : vector<256x520xi1>, vector<256x520xf32>
    %reduce_min3A_99 = arith.constant dense<0x7F800000> : vector<256xf32>
    %reduce_min3A_100 = vector.multi_reduction <minimumf>, %select_n3A_98, %reduce_min3A_99 [1] : vector<256x520xf32> to vector<256xf32>
    %broadcast_in_dim3A_101 = vector.shape_cast %reduce_min3A_100 : vector<256xf32> to vector<256x1xf32>
    %eq3A_102 = vector.broadcast %broadcast_in_dim3A_101 : vector<256x1xf32> to vector<256x520xf32>
    %eq3A_103 = arith.cmpf oeq, %select_n3A_98, %eq3A_102 : vector<256x520xf32>
    %jit3A_104 = arith.constant 1073741824 : i32
    %broadcast_in_dim3A_105 = vector.broadcast %jit3A_104 : i32 to vector<256x520xi32>
    %select_n3A_106 = arith.select %eq3A_103, %concatenate3A_43, %broadcast_in_dim3A_105 : vector<256x520xi1>, vector<256x520xi32>
    %reduce_min3A_107 = arith.constant dense<2147483647> : vector<256xi32>
    %reduce_min3A_108 = vector.multi_reduction <minsi>, %select_n3A_106, %reduce_min3A_107 [1] : vector<256x520xi32> to vector<256xi32>
    %broadcast_in_dim3A_109 = vector.shape_cast %reduce_min3A_108 : vector<256xi32> to vector<256x1xi32>
    %jit3A_110 = arith.constant 0x7F800000 : f32
    %broadcast_in_dim3A_111 = vector.broadcast %jit3A_110 : f32 to vector<256x520xf32>
    %select_n3A_112 = arith.select %eq3A_103, %broadcast_in_dim3A_111, %select_n3A_98 : vector<256x520xi1>, vector<256x520xf32>
    %reduce_min3A_113 = arith.constant dense<0x7F800000> : vector<256xf32>
    %reduce_min3A_114 = vector.multi_reduction <minimumf>, %select_n3A_112, %reduce_min3A_113 [1] : vector<256x520xf32> to vector<256xf32>
    %broadcast_in_dim3A_115 = vector.shape_cast %reduce_min3A_114 : vector<256xf32> to vector<256x1xf32>
    %eq3A_116 = vector.broadcast %broadcast_in_dim3A_115 : vector<256x1xf32> to vector<256x520xf32>
    %eq3A_117 = arith.cmpf oeq, %select_n3A_112, %eq3A_116 : vector<256x520xf32>
    %jit3A_118 = arith.constant 1073741824 : i32
    %broadcast_in_dim3A_119 = vector.broadcast %jit3A_118 : i32 to vector<256x520xi32>
    %select_n3A_120 = arith.select %eq3A_117, %concatenate3A_43, %broadcast_in_dim3A_119 : vector<256x520xi1>, vector<256x520xi32>
    %reduce_min3A_121 = arith.constant dense<2147483647> : vector<256xi32>
    %reduce_min3A_122 = vector.multi_reduction <minsi>, %select_n3A_120, %reduce_min3A_121 [1] : vector<256x520xi32> to vector<256xi32>
    %broadcast_in_dim3A_123 = vector.shape_cast %reduce_min3A_122 : vector<256xi32> to vector<256x1xi32>
    %jit3A_124 = arith.constant 0x7F800000 : f32
    %broadcast_in_dim3A_125 = vector.broadcast %jit3A_124 : f32 to vector<256x520xf32>
    %select_n3A_126 = arith.select %eq3A_117, %broadcast_in_dim3A_125, %select_n3A_112 : vector<256x520xi1>, vector<256x520xf32>
    %reduce_min3A_127 = arith.constant dense<0x7F800000> : vector<256xf32>
    %reduce_min3A_128 = vector.multi_reduction <minimumf>, %select_n3A_126, %reduce_min3A_127 [1] : vector<256x520xf32> to vector<256xf32>
    %broadcast_in_dim3A_129 = vector.shape_cast %reduce_min3A_128 : vector<256xf32> to vector<256x1xf32>
    %eq3A_130 = vector.broadcast %broadcast_in_dim3A_129 : vector<256x1xf32> to vector<256x520xf32>
    %eq3A_131 = arith.cmpf oeq, %select_n3A_126, %eq3A_130 : vector<256x520xf32>
    %jit3A_132 = arith.constant 1073741824 : i32
    %broadcast_in_dim3A_133 = vector.broadcast %jit3A_132 : i32 to vector<256x520xi32>
    %select_n3A_134 = arith.select %eq3A_131, %concatenate3A_43, %broadcast_in_dim3A_133 : vector<256x520xi1>, vector<256x520xi32>
    %reduce_min3A_135 = arith.constant dense<2147483647> : vector<256xi32>
    %reduce_min3A_136 = vector.multi_reduction <minsi>, %select_n3A_134, %reduce_min3A_135 [1] : vector<256x520xi32> to vector<256xi32>
    %broadcast_in_dim3A_137 = vector.shape_cast %reduce_min3A_136 : vector<256xi32> to vector<256x1xi32>
    %jit3A_138 = arith.constant 0x7F800000 : f32
    %broadcast_in_dim3A_139 = vector.broadcast %jit3A_138 : f32 to vector<256x520xf32>
    %select_n3A_140 = arith.select %eq3A_131, %broadcast_in_dim3A_139, %select_n3A_126 : vector<256x520xi1>, vector<256x520xf32>
    %reduce_min3A_141 = arith.constant dense<0x7F800000> : vector<256xf32>
    %reduce_min3A_142 = vector.multi_reduction <minimumf>, %select_n3A_140, %reduce_min3A_141 [1] : vector<256x520xf32> to vector<256xf32>
    %broadcast_in_dim3A_143 = vector.shape_cast %reduce_min3A_142 : vector<256xf32> to vector<256x1xf32>
    %eq3A_144 = vector.broadcast %broadcast_in_dim3A_143 : vector<256x1xf32> to vector<256x520xf32>
    %eq3A_145 = arith.cmpf oeq, %select_n3A_140, %eq3A_144 : vector<256x520xf32>
    %jit3A_146 = arith.constant 1073741824 : i32
    %broadcast_in_dim3A_147 = vector.broadcast %jit3A_146 : i32 to vector<256x520xi32>
    %select_n3A_148 = arith.select %eq3A_145, %concatenate3A_43, %broadcast_in_dim3A_147 : vector<256x520xi1>, vector<256x520xi32>
    %reduce_min3A_149 = arith.constant dense<2147483647> : vector<256xi32>
    %reduce_min3A_150 = vector.multi_reduction <minsi>, %select_n3A_148, %reduce_min3A_149 [1] : vector<256x520xi32> to vector<256xi32>
    %broadcast_in_dim3A_151 = vector.shape_cast %reduce_min3A_150 : vector<256xi32> to vector<256x1xi32>
    %concatenate3A_152 = tpu.concatenate %broadcast_in_dim3A_45, %broadcast_in_dim3A_59, %broadcast_in_dim3A_73, %broadcast_in_dim3A_87, %broadcast_in_dim3A_101, %broadcast_in_dim3A_115, %broadcast_in_dim3A_129, %broadcast_in_dim3A_143 in 1 : vector<256x1xf32>, vector<256x1xf32>, vector<256x1xf32>, vector<256x1xf32>, vector<256x1xf32>, vector<256x1xf32>, vector<256x1xf32>, vector<256x1xf32> -> vector<256x8xf32>
    %swap3A = arith.constant 0 : index
    %swap3A_153 = arith.constant 0 : index
    %swap3A_154 = vector.load %arg7[%swap3A, %swap3A_153] : memref<256x8xf32, #tpu.memory_space<vmem>>, vector<256x8xf32>
    tpu.vector_store %arg7[%swap3A, %swap3A_153], %concatenate3A_152 {strides = array<i32>} : memref<256x8xf32, #tpu.memory_space<vmem>>, vector<256x8xf32>,
    %concatenate3A_155 = tpu.concatenate %broadcast_in_dim3A_53, %broadcast_in_dim3A_67, %broadcast_in_dim3A_81, %broadcast_in_dim3A_95, %broadcast_in_dim3A_109, %broadcast_in_dim3A_123, %broadcast_in_dim3A_137, %broadcast_in_dim3A_151 in 1 : vector<256x1xi32>, vector<256x1xi32>, vector<256x1xi32>, vector<256x1xi32>, vector<256x1xi32>, vector<256x1xi32>, vector<256x1xi32>, vector<256x1xi32> -> vector<256x8xi32>
    %swap3A_156 = arith.constant 0 : index
    %swap3A_157 = arith.constant 0 : index
    %swap3A_158 = vector.load %arg8[%swap3A_156, %swap3A_157] : memref<256x8xi32, #tpu.memory_space<vmem>>, vector<256x8xi32>
    tpu.vector_store %arg8[%swap3A_156, %swap3A_157], %concatenate3A_155 {strides = array<i32>} : memref<256x8xi32, #tpu.memory_space<vmem>>, vector<256x8xi32>,
    %get3A_159 = arith.constant 0 : index
    %get3A_160 = arith.constant 0 : index
    %get3A_161 = vector.load %arg8[%get3A_159, %get3A_160] : memref<256x8xi32, #tpu.memory_space<vmem>>, vector<256x8xi32>
    %swap3A_162 = arith.constant 0 : index
    %swap3A_163 = arith.constant 0 : index
    %swap3A_164 = vector.load %arg6[%swap3A_162, %swap3A_163] : memref<256x8xi32, #tpu.memory_space<vmem>>, vector<256x8xi32>
    tpu.vector_store %arg6[%swap3A_162, %swap3A_163], %get3A_161 {strides = array<i32>} : memref<256x8xi32, #tpu.memory_space<vmem>>, vector<256x8xi32>,
    return
  }
  func.func @transform_0(%arg0: i32, %arg1: memref<3x256xi32, #tpu.memory_space<smem>>) -> (i32, i32) {
    %get3A = arith.constant 0 : index
    %get3A_0 = arith.index_cast %arg0 : i32 to index
    %get3A_1 = memref.load %arg1[%get3A, %get3A_0] : memref<3x256xi32, #tpu.memory_space<smem>>
    %c0_i32 = arith.constant 0 : i32
    %c0_i32_2 = arith.constant 0 : i32
    return %get3A_1, %c0_i32 : i32, i32
  }
  func.func @transform_1(%arg0: i32, %arg1: memref<3x256xi32, #tpu.memory_space<smem>>) -> (i32, i32) {
    %get3A = arith.constant 1 : index
    %get3A_0 = arith.index_cast %arg0 : i32 to index
    %get3A_1 = memref.load %arg1[%get3A, %get3A_0] : memref<3x256xi32, #tpu.memory_space<smem>>
    %c0_i32 = arith.constant 0 : i32
    %c0_i32_2 = arith.constant 0 : i32
    return %c0_i32, %get3A_1 : i32, i32
  }
  func.func @transform_2(%arg0: i32, %arg1: memref<3x256xi32, #tpu.memory_space<smem>>) -> (i32, i32) {
    %get3A = arith.constant 0 : index
    %get3A_0 = arith.index_cast %arg0 : i32 to index
    %get3A_1 = memref.load %arg1[%get3A, %get3A_0] : memref<3x256xi32, #tpu.memory_space<smem>>
    %c0_i32 = arith.constant 0 : i32
    %c0_i32_2 = arith.constant 0 : i32
    return %get3A_1, %c0_i32 : i32, i32
  }
  func.func @transform_3(%arg0: i32, %arg1: memref<3x256xi32, #tpu.memory_space<smem>>) -> (i32, i32) {
    %get3A = arith.constant 1 : index
    %get3A_0 = arith.index_cast %arg0 : i32 to index
    %get3A_1 = memref.load %arg1[%get3A, %get3A_0] : memref<3x256xi32, #tpu.memory_space<smem>>
    %c0_i32 = arith.constant 0 : i32
    %c0_i32_2 = arith.constant 0 : i32
    return %c0_i32, %get3A_1 : i32, i32
  }
  func.func @transform_4(%arg0: i32, %arg1: memref<3x256xi32, #tpu.memory_space<smem>>) -> (i32, i32) {
    %get3A = arith.constant 0 : index
    %get3A_0 = arith.index_cast %arg0 : i32 to index
    %get3A_1 = memref.load %arg1[%get3A, %get3A_0] : memref<3x256xi32, #tpu.memory_space<smem>>
    %c0_i32 = arith.constant 0 : i32
    %c0_i32_2 = arith.constant 0 : i32
    return %get3A_1, %c0_i32 : i32, i32
  }
}

module attributes {stable_mosaic.version = 14 : i64} {
  func.func @body(%arg0: i32, %arg1: memref<512x128xf32, #tpu.memory_space<vmem>>, %arg2: memref<128x128xf32, #tpu.memory_space<vmem>>, %arg3: memref<128x128xf32, #tpu.memory_space<vmem>>, %arg4: memref<1x128xf32, #tpu.memory_space<vmem>>, %arg5: memref<512x128xf32, #tpu.memory_space<vmem>>, %arg6: memref<512x128xf32, #tpu.memory_space<vmem>>) attributes {dimension_semantics = [#tpu.dimension_semantics<arbitrary>], iteration_bounds = array<i64: 16>, scalar_prefetch = 0 : i64, scratch_operands = 0 : i64, tpu.core_type = #tpu.core_type<tc>, window_params = [{transform_indices = @transform_0, window_bounds = array<i64: 512, 128>}, {pipeline_mode = #tpu.pipeline_mode<synchronous>, transform_indices = @transform_1, window_bounds = array<i64: 128, 128>}, {pipeline_mode = #tpu.pipeline_mode<synchronous>, transform_indices = @transform_2, window_bounds = array<i64: 128, 128>}, {pipeline_mode = #tpu.pipeline_mode<synchronous>, transform_indices = @transform_3, window_bounds = array<i64: 1, 128>}, {transform_indices = @transform_4, window_bounds = array<i64: 512, 128>}, {transform_indices = @transform_5, window_bounds = array<i64: 512, 128>}]} {
    %get3A = arith.constant 0 : index
    %get3A_0 = arith.constant 0 : index
    %get3A_1 = vector.load %arg1[%get3A, %get3A_0] : memref<512x128xf32, #tpu.memory_space<vmem>>, vector<512x128xf32>
    %get3A_2 = arith.constant 0 : index
    %get3A_3 = arith.constant 0 : index
    %get3A_4 = vector.load %arg2[%get3A_2, %get3A_3] : memref<128x128xf32, #tpu.memory_space<vmem>>, vector<128x128xf32>
    %dot_general3A = arith.constant dense<0.000000e+00> : vector<512x128xf32>
    %dot_general3A_5 = tpu.matmul %get3A_1, %get3A_4, %dot_general3A {dimension_numbers = #tpu.dot_dimension_numbers<[1], [0], [0], [1], [0, 0, 1, 1], [], []>, transpose_lhs_hint = false} : vector<512x128xf32>, vector<128x128xf32>, vector<512x128xf32> -> vector<512x128xf32>
    %get3A_6 = arith.constant 0 : index
    %get3A_7 = arith.constant 0 : index
    %get3A_8 = vector.load %arg4[%get3A_6, %get3A_7] : memref<1x128xf32, #tpu.memory_space<vmem>>, vector<1x128xf32>
    %add3A = vector.broadcast %get3A_8 : vector<1x128xf32> to vector<512x128xf32>
    %add3A_9 = arith.addf %dot_general3A_5, %add3A : vector<512x128xf32>
    %swap3A = arith.constant 0 : index
    %swap3A_10 = arith.constant 0 : index
    %swap3A_11 = vector.load %arg5[%swap3A, %swap3A_10] : memref<512x128xf32, #tpu.memory_space<vmem>>, vector<512x128xf32>
    tpu.vector_store %arg5[%swap3A, %swap3A_10], %add3A_9 {strides = array<i32>} : memref<512x128xf32, #tpu.memory_space<vmem>>, vector<512x128xf32>,
    %get3A_12 = arith.constant 0 : index
    %get3A_13 = arith.constant 0 : index
    %get3A_14 = vector.load %arg3[%get3A_12, %get3A_13] : memref<128x128xf32, #tpu.memory_space<vmem>>, vector<128x128xf32>
    %dot_general3A_15 = arith.constant dense<0.000000e+00> : vector<512x128xf32>
    %dot_general3A_16 = tpu.matmul %get3A_1, %get3A_14, %dot_general3A_15 {dimension_numbers = #tpu.dot_dimension_numbers<[1], [0], [0], [1], [0, 0, 1, 1], [], []>, transpose_lhs_hint = false} : vector<512x128xf32>, vector<128x128xf32>, vector<512x128xf32> -> vector<512x128xf32>
    %swap3A_17 = arith.constant 0 : index
    %swap3A_18 = arith.constant 0 : index
    %swap3A_19 = vector.load %arg6[%swap3A_17, %swap3A_18] : memref<512x128xf32, #tpu.memory_space<vmem>>, vector<512x128xf32>
    tpu.vector_store %arg6[%swap3A_17, %swap3A_18], %dot_general3A_16 {strides = array<i32>} : memref<512x128xf32, #tpu.memory_space<vmem>>, vector<512x128xf32>,
    return
  }
  func.func @transform_0(%arg0: i32) -> (i32, i32) {
    %c0_i32 = arith.constant 0 : i32
    %c0_i32_0 = arith.constant 0 : i32
    return %arg0, %c0_i32 : i32, i32
  }
  func.func @transform_1(%arg0: i32) -> (i32, i32) {
    %c0_i32 = arith.constant 0 : i32
    %c0_i32_0 = arith.constant 0 : i32
    %c0_i32_1 = arith.constant 0 : i32
    return %c0_i32, %c0_i32_0 : i32, i32
  }
  func.func @transform_2(%arg0: i32) -> (i32, i32) {
    %c0_i32 = arith.constant 0 : i32
    %c0_i32_0 = arith.constant 0 : i32
    %c0_i32_1 = arith.constant 0 : i32
    return %c0_i32, %c0_i32_0 : i32, i32
  }
  func.func @transform_3(%arg0: i32) -> (i32, i32) {
    %c0_i32 = arith.constant 0 : i32
    %c0_i32_0 = arith.constant 0 : i32
    %c0_i32_1 = arith.constant 0 : i32
    return %c0_i32, %c0_i32_0 : i32, i32
  }
  func.func @transform_4(%arg0: i32) -> (i32, i32) {
    %c0_i32 = arith.constant 0 : i32
    %c0_i32_0 = arith.constant 0 : i32
    return %arg0, %c0_i32 : i32, i32
  }
  func.func @transform_5(%arg0: i32) -> (i32, i32) {
    %c0_i32 = arith.constant 0 : i32
    %c0_i32_0 = arith.constant 0 : i32
    return %arg0, %c0_i32 : i32, i32
  }
}

module attributes {stable_mosaic.version = 14 : i64} {
  func.func @body(%arg0: memref<8192x128xf32, #tpu.memory_space<vmem>>, %arg1: memref<8192x128xf32, #tpu.memory_space<vmem>>, %arg2: memref<8192x128xf32, #tpu.memory_space<vmem>>, %arg3: memref<1x8192xi32, #tpu.memory_space<vmem>>, %arg4: memref<384x128xf32, #tpu.memory_space<vmem>>, %arg5: memref<1x128xf32, #tpu.memory_space<vmem>>, %arg6: memref<128x2xf32, #tpu.memory_space<vmem>>, %arg7: memref<1x2xf32, #tpu.memory_space<vmem>>, %arg8: memref<8x2xf32, #tpu.memory_space<vmem>>) attributes {dimension_semantics = [], scalar_prefetch = 0 : i64, scratch_operands = 0 : i64, tpu.core_type = #tpu.core_type<tc>} {
    %iota3A = tpu.iota {dimensions = array<i32: 0>} : vector<8x8192xi32>
    %get3A = arith.constant 0 : index
    %get3A_0 = arith.constant 0 : index
    %get3A_1 = vector.load %arg3[%get3A, %get3A_0] : memref<1x8192xi32, #tpu.memory_space<vmem>>, vector<1x8192xi32>
    %eq3A = vector.broadcast %get3A_1 : vector<1x8192xi32> to vector<8x8192xi32>
    %eq3A_2 = arith.cmpi eq, %iota3A, %eq3A : vector<8x8192xi32>
    %convert_element_type3A = arith.extui %eq3A_2 : vector<8x8192xi1> to vector<8x8192xi32>
    %convert_element_type3A_3 = arith.sitofp %convert_element_type3A : vector<8x8192xi32> to vector<8x8192xf32>
    %reduce_sum3A = arith.constant dense<0.000000e+00> : vector<8xf32>
    %reduce_sum3A_4 = vector.multi_reduction <add>, %convert_element_type3A_3, %reduce_sum3A [1] : vector<8x8192xf32> to vector<8xf32>
    %broadcast_in_dim3A = vector.shape_cast %reduce_sum3A_4 : vector<8xf32> to vector<8x1xf32>
    %get3A_5 = arith.constant 0 : index
    %get3A_6 = arith.constant 0 : index
    %get3A_7 = vector.load %arg0[%get3A_5, %get3A_6] : memref<8192x128xf32, #tpu.memory_space<vmem>>, vector<8192x128xf32>
    %dot_general3A = arith.constant dense<0.000000e+00> : vector<8x128xf32>
    %dot_general3A_8 = tpu.matmul %convert_element_type3A_3, %get3A_7, %dot_general3A {dimension_numbers = #tpu.dot_dimension_numbers<[1], [0], [0], [1], [0, 0, 1, 1], [], []>, transpose_lhs_hint = false} : vector<8x8192xf32>, vector<8192x128xf32>, vector<8x128xf32> -> vector<8x128xf32>
    %get3A_9 = arith.constant 0 : index
    %get3A_10 = arith.constant 0 : index
    %get3A_11 = vector.load %arg1[%get3A_9, %get3A_10] : memref<8192x128xf32, #tpu.memory_space<vmem>>, vector<8192x128xf32>
    %dot_general3A_12 = arith.constant dense<0.000000e+00> : vector<8x128xf32>
    %dot_general3A_13 = tpu.matmul %convert_element_type3A_3, %get3A_11, %dot_general3A_12 {dimension_numbers = #tpu.dot_dimension_numbers<[1], [0], [0], [1], [0, 0, 1, 1], [], []>, transpose_lhs_hint = false} : vector<8x8192xf32>, vector<8192x128xf32>, vector<8x128xf32> -> vector<8x128xf32>
    %get3A_14 = arith.constant 0 : index
    %get3A_15 = arith.constant 0 : index
    %get3A_16 = vector.load %arg2[%get3A_14, %get3A_15] : memref<8192x128xf32, #tpu.memory_space<vmem>>, vector<8192x128xf32>
    %dot_general3A_17 = arith.constant dense<0.000000e+00> : vector<8x128xf32>
    %dot_general3A_18 = tpu.matmul %convert_element_type3A_3, %get3A_16, %dot_general3A_17 {dimension_numbers = #tpu.dot_dimension_numbers<[1], [0], [0], [1], [0, 0, 1, 1], [], []>, transpose_lhs_hint = false} : vector<8x8192xf32>, vector<8192x128xf32>, vector<8x128xf32> -> vector<8x128xf32>
    %concatenate3A = tpu.concatenate %dot_general3A_8, %dot_general3A_13, %dot_general3A_18 in 1 : vector<8x128xf32>, vector<8x128xf32>, vector<8x128xf32> -> vector<8x384xf32>
    %max3A = arith.constant 1.000000e+00 : f32
    %max3A_19 = vector.broadcast %max3A : f32 to vector<8x1xf32>
    %max3A_20 = arith.maximumf %broadcast_in_dim3A, %max3A_19 : vector<8x1xf32>
    %div3A = vector.broadcast %max3A_20 : vector<8x1xf32> to vector<8x384xf32>
    %div3A_21 = arith.divf %concatenate3A, %div3A : vector<8x384xf32>
    %get3A_22 = arith.constant 0 : index
    %get3A_23 = arith.constant 0 : index
    %get3A_24 = vector.load %arg4[%get3A_22, %get3A_23] : memref<384x128xf32, #tpu.memory_space<vmem>>, vector<384x128xf32>
    %dot_general3A_25 = arith.constant dense<0.000000e+00> : vector<8x128xf32>
    %dot_general3A_26 = tpu.matmul %div3A_21, %get3A_24, %dot_general3A_25 {dimension_numbers = #tpu.dot_dimension_numbers<[1], [0], [0], [1], [0, 0, 1, 1], [], []>, transpose_lhs_hint = false} : vector<8x384xf32>, vector<384x128xf32>, vector<8x128xf32> -> vector<8x128xf32>
    %get3A_27 = arith.constant 0 : index
    %get3A_28 = arith.constant 0 : index
    %get3A_29 = vector.load %arg5[%get3A_27, %get3A_28] : memref<1x128xf32, #tpu.memory_space<vmem>>, vector<1x128xf32>
    %add3A = vector.broadcast %get3A_29 : vector<1x128xf32> to vector<8x128xf32>
    %add3A_30 = arith.addf %dot_general3A_26, %add3A : vector<8x128xf32>
    %max3A_31 = arith.constant 0.000000e+00 : f32
    %max3A_32 = vector.broadcast %max3A_31 : f32 to vector<8x128xf32>
    %max3A_33 = arith.maximumf %add3A_30, %max3A_32 : vector<8x128xf32>
    %get3A_34 = arith.constant 0 : index
    %get3A_35 = arith.constant 0 : index
    %get3A_36 = vector.load %arg6[%get3A_34, %get3A_35] : memref<128x2xf32, #tpu.memory_space<vmem>>, vector<128x2xf32>
    %dot_general3A_37 = arith.constant dense<0.000000e+00> : vector<8x2xf32>
    %dot_general3A_38 = tpu.matmul %max3A_33, %get3A_36, %dot_general3A_37 {dimension_numbers = #tpu.dot_dimension_numbers<[1], [0], [0], [1], [0, 0, 1, 1], [], []>, transpose_lhs_hint = false} : vector<8x128xf32>, vector<128x2xf32>, vector<8x2xf32> -> vector<8x2xf32>
    %get3A_39 = arith.constant 0 : index
    %get3A_40 = arith.constant 0 : index
    %get3A_41 = vector.load %arg7[%get3A_39, %get3A_40] : memref<1x2xf32, #tpu.memory_space<vmem>>, vector<1x2xf32>
    %add3A_42 = vector.broadcast %get3A_41 : vector<1x2xf32> to vector<8x2xf32>
    %add3A_43 = arith.addf %dot_general3A_38, %add3A_42 : vector<8x2xf32>
    %swap3A = arith.constant 0 : index
    %swap3A_44 = arith.constant 0 : index
    %swap3A_45 = vector.load %arg8[%swap3A, %swap3A_44] : memref<8x2xf32, #tpu.memory_space<vmem>>, vector<8x2xf32>
    tpu.vector_store %arg8[%swap3A, %swap3A_44], %add3A_43 {strides = array<i32>} : memref<8x2xf32, #tpu.memory_space<vmem>>, vector<8x2xf32>,
    return
  }
}

</mosaic_0001>

<sc_bundles>
// kernel: kernel.24.cloned.1.call-start
scs
__scs_entry_jumppad:
0x0: {  	(pc) =	sbr.rel $0x88, $3  }
0x1: {  	(tag) =	ssettag $0x0;
	lr =	simm.s32 $0x1  }
0x2: {  	[smem:$0x3F8F] =	sst lr;
	_ =	strace $0xD0000000  }
0x3: {  	_ = 	snop  }
0x4: {  	_ = 	snop  }
0x5: {  	_ = 	snop  }
0x6: {  	_ = 	snop  }
0x7: {  	_ = 	snop  }
__scs_overlays_trampoline_lowered:
0x8: {  	[smem:$0x3F9E] =	sst s0  }
0x9: {  	[smem:$0x3F9F] =	sst s1  }
0xa: {  	[smem:$0x3FA0] =	sst s2  }
0xb: {  	[smem:$0x3FA1] =	sst s3  }
0xc: {  	[smem:$0x3FA2] =	sst s4  }
0xd: {  	[smem:$0x3FA3] =	sst s5  }
0xe: {  	[smem:$0x3FA4] =	sst s6  }
0xf: {  	[smem:$0x3FA5] =	sst s7  }
0x10: {  	[smem:$0x3FA6] =	sst s8  }
0x11: {  	[smem:$0x3FA7] =	sst s9;
	s0 =	simm.s32 @!p0 $0x0  }
0x12: {  	s1 =	sld [smem:$0x3F8D];
	s0 =	simm.s32 @p0 $0x1  }
0x13: {  	[smem:$0x3FA8] =	sst s0;
	s0 =	simm.s32 @!p1 $0x0  }
0x14: {  	s2 =	sld [smem:$0x3F8C];
	s0 =	simm.s32 @p1 $0x1  }
0x15: {  	[smem:$0x3FA9] =	sst s0;
	s0 =	simm.s32 @!p2 $0x0  }
0x16: {  	s3 =	sld [smem:$0x3FDB];
	s0 =	simm.s32 @p2 $0x1  }
0x17: {  	s4 =	simm.s32 $0x1BF5;
	[smem:$0x3FAB] =	sst s0  }
0x18: {  	s0 =	sld [smem:$0x3F8E];
	_ =	swait.ge [sflag:s4], $0x0  }
0x19: {  	s7 =	sld [smem:$0x3F8F]  }
0x1a: {  	s8 =	sadd.s32 $0xFFFFE003, lr  }
0x1b: {  	s9 =	sadd.s32 $0xFFFFFEF7, lr;
	s5 =	simm.s32 $0xFFFFFFFF;
	p2 =	slt.u32 s8, $0xFFFFF086  }
0x1c: {  	p1 =	slt.u32 s9, $0xF7A;
	s5 =	simm.s32 @!p2 $0x0  }
0x1d: {  	s5 =	simm.s32 @p1 $0x1;
	p0 =	seq.s32 s7, s2  }
0x1e: {  	s7 =	smul.u32 @!p0 $0xF7A, s2;
	p2 =	seq.s32 @!p0 s5, $0x0  }
0x1f: {  	s9 =	smul.u32 $0xF7A, s1;
	s8 =	simm.s32 @!p0 $0x1BF5;
	p2 =	por !p2, p0  }
0x20: {  	[sflag:s8] =	ssyncset.s32 @!p0 $0xFFFFF086;
	s6 =	sadd.s32 @!p0 s3, s7;
	s7 =	simm.s32 @!p0 $0x108  }
0x21: {  	s3 =	sadd.s32 s3, s9;
	s6 =	sadd.s32 @!p0 $0x88, s6;
	s7 =	simm.s32 @p2 $0x1082  }
0x22: {  	[simem:s7], [sflag:s8] =	dma.local @!p0 [hbm:s6], $0xF7A  }
0x23: {  	s9 =	sor.u32 $0xD0000000, s2;
	s6 =	simm.s32 $0x108;
	_ =	swait.ge @!p0 [sflag:s8], $0x0  }
0x24: {  	s3 =	sadd.s32 $0x88, s3;
	s6 =	simm.s32 @!p1 $0x1082;
	[sflag:s4] =	ssyncset.s32 $0xFFFFF086  }
0x25: {  	[simem:s6], [sflag:s4] =	dma.local [hbm:s3], $0xF7A  }
0x26: {  	[smem:$0x3F8F] =	sst s1;
	(tag) =	ssettag s2;
	_ =	strace s9  }
0x27: {  	s1 =	sld [smem:$0x3F9F]  }
0x28: {  	s2 =	sld [smem:$0x3FA0]  }
0x29: {  	s4 =	sld [smem:$0x3FA2]  }
0x2a: {  	p0 =	seq.s32 s5, $0x0;
	s5 =	sld [smem:$0x3FA3]  }
0x2b: {  	s6 =	sld [smem:$0x3FA4]  }
0x2c: {  	s7 =	sld [smem:$0x3FA5]  }
0x2d: {  	s3 =	simm.s32 $0x108;
	s8 =	sld [smem:$0x3FA6]  }
0x2e: {  	s3 =	simm.s32 @!p0 $0x1082;
	s9 =	sld [smem:$0x3FA7]  }
0x2f: {  	lr =	sadd.s32 s0, s3;
	s0 =	sld [smem:$0x3F9E]  }
0x30: {  	s3 =	sld [smem:$0x3FA1]  }
0x31: {  	[smem:$0x3FAA] =	sst s10  }
0x32: {  	s10 =	sld [smem:$0x3FA8];
	_ =	sdelay $0x3  }
0x33: {  	p0 =	seq.s32 s10, $0x1;
	s10 =	sld [smem:$0x3FAA];
	_ =	sdelay $0x3  }
0x34: {  	[smem:$0x3FAA] =	sst s10  }
0x35: {  	s10 =	sld [smem:$0x3FA9];
	_ =	sdelay $0x3  }
0x36: {  	p1 =	seq.s32 s10, $0x1;
	s10 =	sld [smem:$0x3FAA];
	_ =	sdelay $0x3  }
0x37: {  	[smem:$0x3FAA] =	sst s10  }
0x38: {  	s10 =	sld [smem:$0x3FAB]  }
0x39: {  	_ = 	snop;
	(pc) =	sbr.ind lr, $3  }
0x3a: {  	_ = 	snop  }
0x3b: {  	_ = 	snop  }
0x3c: {  	p2 =	seq.s32 s10, $0x1;
	s10 =	sld [smem:$0x3FAA]  }
0x3d: {  	_ =	shalt  }
0x3e: {  	_ =	shalt  }
0x3f: {  	_ =	shalt  }
0x40: {  	_ =	shalt  }
0x41: {  	_ =	shalt  }
0x42: {  	_ =	shalt  }
0x43: {  	_ =	shalt  }
0x44: {  	_ =	shalt  }
0x45: {  	_ =	shalt  }
0x46: {  	_ =	shalt  }
0x47: {  	_ =	shalt  }
0x48: {  	_ =	shalt  }
0x49: {  	_ =	shalt  }
0x4a: {  	_ =	shalt  }
0x4b: {  	_ =	shalt  }
0x4c: {  	_ =	shalt  }
0x4d: {  	_ =	shalt  }
0x4e: {  	_ =	shalt  }
0x4f: {  	_ =	shalt  }
0x50: {  	_ =	shalt  }
0x51: {  	_ =	shalt  }
0x52: {  	_ =	shalt  }
0x53: {  	_ =	shalt  }
0x54: {  	_ =	shalt  }
0x55: {  	_ =	shalt  }
0x56: {  	_ =	shalt  }
0x57: {  	_ =	shalt  }
0x58: {  	_ =	shalt  }
0x59: {  	_ =	shalt  }
0x5a: {  	_ =	shalt  }
0x5b: {  	_ =	shalt  }
0x5c: {  	_ =	shalt  }
0x5d: {  	_ =	shalt  }
0x5e: {  	_ =	shalt  }
0x5f: {  	_ =	shalt  }
0x60: {  	_ =	shalt  }
0x61: {  	_ =	shalt  }
0x62: {  	_ =	shalt  }
0x63: {  	_ =	shalt  }
0x64: {  	_ =	shalt  }
0x65: {  	_ =	shalt  }
0x66: {  	_ =	shalt  }
0x67: {  	_ =	shalt  }
0x68: {  	_ =	shalt  }
0x69: {  	_ =	shalt  }
0x6a: {  	_ =	shalt  }
0x6b: {  	_ =	shalt  }
0x6c: {  	_ =	shalt  }
0x6d: {  	_ =	shalt  }
0x6e: {  	_ =	shalt  }
0x6f: {  	_ =	shalt  }
0x70: {  	_ =	shalt  }
0x71: {  	_ =	shalt  }
0x72: {  	_ =	shalt  }
0x73: {  	_ =	shalt  }
0x74: {  	_ =	shalt  }
0x75: {  	_ =	shalt  }
0x76: {  	_ =	shalt  }
0x77: {  	_ =	shalt  }
0x78: {  	_ =	shalt  }
0x79: {  	_ =	shalt  }
0x7a: {  	_ =	shalt  }
0x7b: {  	_ =	shalt  }
0x7c: {  	_ =	shalt  }
0x7d: {  	_ =	shalt  }
0x7e: {  	_ =	shalt  }
0x7f: {  	_ =	shalt  }
0x80: {  	_ =	shalt  }
0x81: {  	_ =	shalt  }
0x82: {  	_ =	shalt  }
0x83: {  	_ =	shalt  }
0x84: {  	_ =	shalt  }
0x85: {  	_ =	shalt  }
0x86: {  	_ =	shalt  }
0x87: {  	_ =	shalt  }
.Lfunc_end0:
.L_simem_size_0:
called_computation_lowered:
.L_overlay_start_0:
0x88: {  	s2 =	sld [smem:$0x3FD9]  }
0x89: {  	s3 =	sld [smem:$0x3FFE];
	_ =	sdelay $0x1  }
0x8a: {  	s1 =	srdreg.scid  }
0x8b: {  	s0 =	sand.u32 $0x1, s1  }
0x8c: {  	s17 =	sshll.u32 s0, $0xA;
	s2 =	sadd.s32 s3, s2  }
0x8d: {  	s2 =	sadd.s32 s2, s17  }
0x8e: {  	[smem:$0x3FB6] =	sst s2  }
0x8f: {  	_ = 	snop  }
0x90: {  	(tm) =	ssettm $0x1  }
0x91: {  	s18 =	sld [smem:$0x3FFB];
	_ =	sdelay $0x3  }
0x92: {  	_ =	strace s18  }
0x93: {  	s2 =	sld [smem:$0x3FFC];
	_ =	sdelay $0x3  }
0x94: {  	_ =	strace s2  }
0x95: {  	s2 =	sld [smem:$0x3FFD];
	_ =	sdelay $0x3  }
0x96: {  	_ =	strace s2  }
0x97: {  	_ =	strace $0x8FFFFFFF  }
0x98: {  	s19 =	sld [smem:$0x3FDB];
	_ =	sdelay $0x1  }
0x99: {  	s20 =	simm.s32 $_scs_section_size  }
0x9a: {  	s4 =	simm.s32 $_size__tile_overlayer_lowered;
	s5 =	simm.s32 $_tile_overlayer_lowered  }
0x9b: {  	s6 =	simm.s32 $0x1BFF;
	s21 =	sshll.u32 s5, $0x1;
	s3 =	sadd.s32 s20, s19  }
0x9c: {  	s22 =	simm.s32 $0x0;
	s4 =	sshll.u32 s4, $0x1;
	s5 =	sadd.s32 s21, s3  }
0x9d: {  	[timem:s22], [sflag:s6] =	dma.local [hbm:s5], s4  }
0x9e: {  	_ =	swait.ge [sflag:s6], s4  }
0x9f: {  	s4 =	ssub.s32 $0x0, s4;
	[sflag:s6] =	ssyncset.done $0x0  }
0xa0: {  	[sflag:s6] =	ssyncadd.s32 s4;
	_ =	sdelay $0x1  }
0xa1: {  	s23 =	simm.s32 $0x1B8B  }
0xa2: {  	_ =	swait.ge [sflag:s23], $0x1  }
0xa3: {  	[sflag:s23] =	ssyncset.done $0x0  }
0xa4: {  	[sflag:s23] =	ssyncadd.s32 $0xFFFFFFFF  }
0xa5: {  	s4 =	sld [smem:$0x0]  }
0xa6: {  	s5 =	sand.u32 $0xFFFFFFFE, s1  }
0xa7: {  	p0 =	sne.s32 s1, s5  }
0xa8: {  	s5 =	sshll.u32 @p0 s5, $0xE  }
0xa9: {  	s5 =	sadd.s32 @p0 $0x11B8D, s5;
	s6 =	sshll.u32 @p0 s4, $0x11  }
0xaa: {  	s5 =	sor.u32 @p0 s6, s5  }
0xab: {  	[sflag:s5] =	ssyncadd.remote.s32 @p0 $0x1;
	_ =	sdelay $0x1  }
0xac: {  	s5 =	simm.s32 @p0 $0x1B8D  }
0xad: {  	_ =	swait.eq @p0 [sflag:s5], $0x1  }
0xae: {  	[sflag:s5] =	ssyncadd.s32 @p0 $0xFFFFFFFF  }
0xaf: {  	s6 =	sshll.u32 @!p0 s1, $0xE  }
0xb0: {  	s6 =	sor.u32 @!p0 $0x4000, s6;
	s5 =	simm.s32 @!p0 $0x1B8D  }
0xb1: {  	s4 =	sshll.u32 @!p0 s4, $0x11;
	s6 =	sadd.s32 @!p0 $0x11B8D, s6;
	_ =	swait.eq @!p0 [sflag:s5], $0x1  }
0xb2: {  	s4 =	sor.u32 @!p0 s4, s6;
	[sflag:s5] =	ssyncadd.s32 @!p0 $0xFFFFFFFF  }
0xb3: {  	s25 =	simm.s32 $0x1B8E;
	s24 =	sld [smem:$0x3FFE];
	[sflag:s4] =	ssyncadd.remote.s32 @!p0 $0x1  }
0xb4: {  	s26 =	simm.s32 $execute0_lowered;
	[smem:$0x3FD2] =	sst s25  }
0xb5: {  	s5 =	sshll.u32 s26, $0x1;
	_ =	strace $0x80000049;
	[dreg:$0x1] =	wrdreg $0xFFFFFFFF  }
0xb6: {  	s28 =	simm.s32 $_size_execute0_lowered;
	s3 =	sadd.s32 s3, s5;
	[dreg:$0x0] =	wrdreg $0x0  }
0xb7: {  	s5 =	sshll.u32 s28, $0x1;
	[dreg:$0x2] =	wrdreg s3  }
0xb8: {  	[dreg:$0x3] =	wrdreg s5  }
0xb9: {  	[dreg:$0x4] =	wrdreg $0xC0  }
0xba: {  	_ =	task [dreg:s22], $0x5FFFF  }
0xbb: {  	[dreg:$0x1] =	wrdreg $0xFFFFFFFF  }
0xbc: {  	[dreg:$0x0] =	wrdreg $0x60  }
0xbd: {  	[dreg:$0x2] =	wrdreg s24  }
0xbe: {  	[dreg:$0x3] =	wrdreg $0x9  }
0xbf: {  	_ =	task.clear_ibuf [dreg:s22], $0x4FFFF;
	_ =	strace $0x90000049  }
0xc0: {  	s29 =	simm.s32 $0x9;
	_ =	strace $0x8000004B  }
0xc1: {  	_ =	swait.ge [sflag:s29], $0x1  }
0xc2: {  	[sflag:s29] =	ssyncadd.s32 $0xFFFFFFFF  }
0xc3: {  	_ =	strace $0x9000004B  }
0xc4: {  	_ =	sfence  }
0xc5: {  	s30 =	sld [smem:$0x0];
	_ =	sdelay $0x2  }
0xc6: {  	s31 =	sshll.u32 s1, $0xD;
	s1 =	sshrl.u32 s1, $0x2  }
0xc7: {  	s4 =	sand.u32 $0x4000, s31;
	s1 =	sadd.s32 s1, s30  }
0xc8: {  	s0 =	sor.u32 s4, s0;
	s1 =	sshll.u32 s1, $0x11  }
0xc9: {  	s0 =	sor.u32 s1, s0  }
0xca: {  	s0 =	sadd.s32 $0x8F2B, s0  }
0xcb: {  	[sflag:s0] =	ssyncadd.remote.s32 $0x1  }
0xcc: {  	_ =	sfence.sel $0xFFFF  }
0xcd: {  	[dreg:$0x0] =	wrdreg $0xFFFFFFFF;
	(pc) =	sbr.abs _section_cstart, $3  }
0xce: {  	[dreg:$0x1] =	wrdreg $0xFFFFFFFF  }
0xcf: {  	_ =	task.clear_ibuf [dreg:s22], $0x2FFFF;
	_ =	strace $0x9FFFFFFF  }
0xd0: {  	(tm) =	ssettm $0x7FFFFFFF  }
0xd1: {  	_ =	shalt  }
tec
execute0_lowered:
.L_overlay_start_1:
0x0: {  	(tag) =	ssettag $0x1  }
0x1: {  	s1 =	srdreg.scid  }
0x2: {  	s0 =	stileid.u32;
	s21 =	sand.u32 $0x1, s1  }
0x3: {  	s31 =	sshll.u32 s0, $0xB;
	s2 =	sshll.u32 s21, $0xA  }
0x4: {  	s9 =	rddreg [dreg:$0x0];
	s10 =	sor.u32 s2, s31  }
0x5: {  	s1 =	rddreg [dreg:$0x1];
	s2 =	simm.s32 $0x0;
	s3 =	sshrl.u32 s10, $0x3  }
0x6: {  	[smem:$0x7FF] =	sst s2;
	s3 =	sadd.s32 s3, s9  }
0x7: {  	_ =	strace $0x8000004A;
	s4 =	sadd.s32 $0x7E00, s3;
	s3 =	simm.s32 $0x2  }
0x8: {  	[tilespmem:s2], [sflag:$0x2] =	stream.linear.gather [hbm4b:s4+s2], $0x400, $0x38;
	[tilespmem:$0x4400] =	vst v63  }
0x9: {  	_ =	swait.ge [sflag:s3], $0x400  }
0xa: {  	s6 =	simm.s32 $0x80;
	s7 =	simm.s32 $0x400;
	[sflag:s3] =	ssyncset.done $0x0  }
0xb: {  	s8 =	simm.s32 $0x1;
	s5 =	sadd.s32 $0xDE00, s9;
	[sflag:s3] =	ssyncadd.s32 $0xFFFFFC00  }
0xc: {  	[tilespmem:s7], [sflag:$0x1] =	stream.indirect.gather [hbm4b:s5+s6], $0x80, s2, s6, $0xb8;
	[tilespmem:$0x4400] =	vst v63  }
0xd: {  	s10 =	sshll.u32 s10, $0x4;
	_ =	swait.ge [sflag:s8], $0x4000  }
0xe: {  	s22 =	sadd.s32 s10, s9;
	[sflag:s8] =	ssyncset.done $0x0  }
0xf: {  	s9 =	sadd.s32 $0xBDE00, s22;
	[sflag:s8] =	ssyncadd.s32 $0xFFFFC000  }
0x10: {  	[hbm4b:s9+s2] =	stream.linear.scatter [tilespmem:s7], [sflag:$0x2], $0x4000, $0x38;
	[tilespmem:$0x4400] =	vst v63  }
0x11: {  	_ =	swait.ge [sflag:s3], $0x4000  }
0x12: {  	[sflag:s3] =	ssyncset.done $0x0  }
0x13: {  	[sflag:s3] =	ssyncadd.s32 $0xFFFFC000  }
0x14: {  	[tilespmem:s7], [sflag:$0x1] =	stream.indirect.gather [hbm4b:s5+s6], $0x80, s6, s6, $0xb8;
	[tilespmem:$0x4400] =	vst v63  }
0x15: {  	_ =	swait.ge [sflag:s8], $0x4000  }
0x16: {  	[sflag:s8] =	ssyncset.done $0x0  }
0x17: {  	s10 =	sadd.s32 $0xBE600, s22;
	[sflag:s8] =	ssyncadd.s32 $0xFFFFC000  }
0x18: {  	[hbm4b:s10+s2] =	stream.linear.scatter [tilespmem:s7], [sflag:$0x2], $0x4000, $0x38;
	[tilespmem:$0x4400] =	vst v63  }
0x19: {  	_ =	swait.ge [sflag:s3], $0x4000  }
0x1a: {  	[sflag:s3] =	ssyncset.done $0x0  }
0x1b: {  	s11 =	simm.s32 $0x100;
	[sflag:s3] =	ssyncadd.s32 $0xFFFFC000  }
0x1c: {  	[tilespmem:s7], [sflag:$0x1] =	stream.indirect.gather [hbm4b:s5+s6], $0x80, s11, s6, $0xb8;
	[tilespmem:$0x4400] =	vst v63  }
0x1d: {  	_ =	swait.ge [sflag:s8], $0x4000  }
0x1e: {  	[sflag:s8] =	ssyncset.done $0x0  }
0x1f: {  	s12 =	sadd.s32 $0xBEE00, s22;
	[sflag:s8] =	ssyncadd.s32 $0xFFFFC000  }
0x20: {  	[hbm4b:s12+s2] =	stream.linear.scatter [tilespmem:s7], [sflag:$0x2], $0x4000, $0x38;
	[tilespmem:$0x4400] =	vst v63  }
0x21: {  	_ =	swait.ge [sflag:s3], $0x4000  }
0x22: {  	[sflag:s3] =	ssyncset.done $0x0  }
0x23: {  	s13 =	simm.s32 $0x180;
	[sflag:s3] =	ssyncadd.s32 $0xFFFFC000  }
0x24: {  	[tilespmem:s7], [sflag:$0x1] =	stream.indirect.gather [hbm4b:s5+s6], $0x80, s13, s6, $0xb8;
	[tilespmem:$0x4400] =	vst v63  }
0x25: {  	_ =	swait.ge [sflag:s8], $0x4000  }
0x26: {  	[sflag:s8] =	ssyncset.done $0x0  }
0x27: {  	s14 =	sadd.s32 $0xBF600, s22;
	[sflag:s8] =	ssyncadd.s32 $0xFFFFC000  }
0x28: {  	[hbm4b:s14+s2] =	stream.linear.scatter [tilespmem:s7], [sflag:$0x2], $0x4000, $0x38;
	[tilespmem:$0x4400] =	vst v63  }
0x29: {  	_ =	swait.ge [sflag:s3], $0x4000  }
0x2a: {  	[sflag:s3] =	ssyncset.done $0x0  }
0x2b: {  	s15 =	simm.s32 $0x200;
	[sflag:s3] =	ssyncadd.s32 $0xFFFFC000  }
0x2c: {  	[tilespmem:s7], [sflag:$0x1] =	stream.indirect.gather [hbm4b:s5+s6], $0x80, s15, s6, $0xb8;
	[tilespmem:$0x4400] =	vst v63  }
0x2d: {  	_ =	swait.ge [sflag:s8], $0x4000  }
0x2e: {  	[sflag:s8] =	ssyncset.done $0x0  }
0x2f: {  	s16 =	sadd.s32 $0xBFE00, s22;
	[sflag:s8] =	ssyncadd.s32 $0xFFFFC000  }
0x30: {  	[hbm4b:s16+s2] =	stream.linear.scatter [tilespmem:s7], [sflag:$0x2], $0x4000, $0x38;
	[tilespmem:$0x4400] =	vst v63  }
0x31: {  	_ =	swait.ge [sflag:s3], $0x4000  }
0x32: {  	[sflag:s3] =	ssyncset.done $0x0  }
0x33: {  	s17 =	simm.s32 $0x280;
	[sflag:s3] =	ssyncadd.s32 $0xFFFFC000  }
0x34: {  	[tilespmem:s7], [sflag:$0x1] =	stream.indirect.gather [hbm4b:s5+s6], $0x80, s17, s6, $0xb8;
	[tilespmem:$0x4400] =	vst v63  }
0x35: {  	_ =	swait.ge [sflag:s8], $0x4000  }
0x36: {  	[sflag:s8] =	ssyncset.done $0x0  }
0x37: {  	s18 =	sadd.s32 $0xC0600, s22;
	[sflag:s8] =	ssyncadd.s32 $0xFFFFC000  }
0x38: {  	[hbm4b:s18+s2] =	stream.linear.scatter [tilespmem:s7], [sflag:$0x2], $0x4000, $0x38;
	[tilespmem:$0x4400] =	vst v63  }
0x39: {  	_ =	swait.ge [sflag:s3], $0x4000  }
0x3a: {  	[sflag:s3] =	ssyncset.done $0x0  }
0x3b: {  	s19 =	simm.s32 $0x300;
	[sflag:s3] =	ssyncadd.s32 $0xFFFFC000  }
0x3c: {  	[tilespmem:s7], [sflag:$0x1] =	stream.indirect.gather [hbm4b:s5+s6], $0x80, s19, s6, $0xb8;
	[tilespmem:$0x4400] =	vst v63  }
0x3d: {  	_ =	swait.ge [sflag:s8], $0x4000  }
0x3e: {  	[sflag:s8] =	ssyncset.done $0x0  }
0x3f: {  	s23 =	ssub.s32 $0x2, s21;
	s20 =	sadd.s32 $0xC0E00, s22;
	[sflag:s8] =	ssyncadd.s32 $0xFFFFC000  }
0x40: {  	[hbm4b:s20+s2] =	stream.linear.scatter [tilespmem:s7], [sflag:$0x2], $0x4000, $0x38;
	[tilespmem:$0x4400] =	vst v63  }
0x41: {  	s24 =	sshrl.u32 s23, $0x1;
	_ =	swait.ge [sflag:s3], $0x4000  }
0x42: {  	s23 =	ssub.s32 s23, s24;
	[sflag:s3] =	ssyncset.done $0x0  }
0x43: {  	s21 =	simm.s32 $0x380;
	s23 =	smax.u32 s23, $0x1;
	[sflag:s3] =	ssyncadd.s32 $0xFFFFC000  }
0x44: {  	[tilespmem:s7], [sflag:$0x1] =	stream.indirect.gather [hbm4b:s5+s6], $0x80, s21, s6, $0xb8;
	[tilespmem:$0x4400] =	vst v63  }
0x45: {  	p0 =	sne.s32 s23, $0x1;
	_ =	swait.ge [sflag:s8], $0x4000  }
.Ltmp0:
0x46: {  	[sflag:s8] =	ssyncset.done $0x0;
	(pc) =	sbr.rel @!p0 .LBB2_2-.Ltmp0, $4  }
0x47: {  	s22 =	sadd.s32 $0xC1600, s22;
	[sflag:s8] =	ssyncadd.s32 $0xFFFFC000  }
0x48: {  	[hbm4b:s22+s2] =	stream.linear.scatter [tilespmem:s7], [sflag:$0x2], $0x4000, $0x38;
	[tilespmem:$0x4400] =	vst v63  }
0x49: {  	_ =	swait.ge [sflag:s3], $0x4000  }
0x4a: {  	s23 =	sadd.s32 $0xFFFFFFFF, s23;
	[sflag:s3] =	ssyncset.done $0x0  }
.LBB2_1:
0x4b: {  	p0 =	sne.s32 s23, $0x1;
	s23 =	sadd.s32 $0xFFFFFFFF, s23;
	[sflag:s3] =	ssyncadd.s32 $0xFFFFC000  }
0x4c: {  	[tilespmem:s2], [sflag:$0x2] =	stream.linear.gather [hbm4b:s4+s2], $0x400, $0x38;
	[tilespmem:$0x4400] =	vst v63  }
0x4d: {  	_ =	swait.ge [sflag:s3], $0x400  }
0x4e: {  	[sflag:s3] =	ssyncset.done $0x0  }
0x4f: {  	[sflag:s3] =	ssyncadd.s32 $0xFFFFFC00  }
0x50: {  	[tilespmem:s7], [sflag:$0x1] =	stream.indirect.gather [hbm4b:s5+s6], $0x80, s2, s6, $0xb8;
	[tilespmem:$0x4400] =	vst v63  }
0x51: {  	_ =	swait.ge [sflag:s8], $0x4000  }
0x52: {  	[sflag:s8] =	ssyncset.done $0x0  }
0x53: {  	[sflag:s8] =	ssyncadd.s32 $0xFFFFC000  }
0x54: {  	[hbm4b:s9+s2] =	stream.linear.scatter [tilespmem:s7], [sflag:$0x2], $0x4000, $0x38;
	[tilespmem:$0x4400] =	vst v63  }
0x55: {  	_ =	swait.ge [sflag:s3], $0x4000  }
0x56: {  	[sflag:s3] =	ssyncset.done $0x0  }
0x57: {  	[sflag:s3] =	ssyncadd.s32 $0xFFFFC000  }
0x58: {  	[tilespmem:s7], [sflag:$0x1] =	stream.indirect.gather [hbm4b:s5+s6], $0x80, s6, s6, $0xb8;
	[tilespmem:$0x4400] =	vst v63  }
0x59: {  	_ =	swait.ge [sflag:s8], $0x4000  }
0x5a: {  	[sflag:s8] =	ssyncset.done $0x0  }
0x5b: {  	[sflag:s8] =	ssyncadd.s32 $0xFFFFC000  }
0x5c: {  	[hbm4b:s10+s2] =	stream.linear.scatter [tilespmem:s7], [sflag:$0x2], $0x4000, $0x38;
	[tilespmem:$0x4400] =	vst v63  }
0x5d: {  	_ =	swait.ge [sflag:s3], $0x4000  }
0x5e: {  	[sflag:s3] =	ssyncset.done $0x0  }
0x5f: {  	[sflag:s3] =	ssyncadd.s32 $0xFFFFC000  }
0x60: {  	[tilespmem:s7], [sflag:$0x1] =	stream.indirect.gather [hbm4b:s5+s6], $0x80, s11, s6, $0xb8;
	[tilespmem:$0x4400] =	vst v63  }
0x61: {  	_ =	swait.ge [sflag:s8], $0x4000  }
0x62: {  	[sflag:s8] =	ssyncset.done $0x0  }
0x63: {  	[sflag:s8] =	ssyncadd.s32 $0xFFFFC000  }
0x64: {  	[hbm4b:s12+s2] =	stream.linear.scatter [tilespmem:s7], [sflag:$0x2], $0x4000, $0x38;
	[tilespmem:$0x4400] =	vst v63  }
0x65: {  	_ =	swait.ge [sflag:s3], $0x4000  }
0x66: {  	[sflag:s3] =	ssyncset.done $0x0  }
0x67: {  	[sflag:s3] =	ssyncadd.s32 $0xFFFFC000  }
0x68: {  	[tilespmem:s7], [sflag:$0x1] =	stream.indirect.gather [hbm4b:s5+s6], $0x80, s13, s6, $0xb8;
	[tilespmem:$0x4400] =	vst v63  }
0x69: {  	_ =	swait.ge [sflag:s8], $0x4000  }
0x6a: {  	[sflag:s8] =	ssyncset.done $0x0  }
0x6b: {  	[sflag:s8] =	ssyncadd.s32 $0xFFFFC000  }
0x6c: {  	[hbm4b:s14+s2] =	stream.linear.scatter [tilespmem:s7], [sflag:$0x2], $0x4000, $0x38;
	[tilespmem:$0x4400] =	vst v63  }
0x6d: {  	_ =	swait.ge [sflag:s3], $0x4000  }
0x6e: {  	[sflag:s3] =	ssyncset.done $0x0  }
0x6f: {  	[sflag:s3] =	ssyncadd.s32 $0xFFFFC000  }
0x70: {  	[tilespmem:s7], [sflag:$0x1] =	stream.indirect.gather [hbm4b:s5+s6], $0x80, s15, s6, $0xb8;
	[tilespmem:$0x4400] =	vst v63  }
0x71: {  	_ =	swait.ge [sflag:s8], $0x4000  }
0x72: {  	[sflag:s8] =	ssyncset.done $0x0  }
0x73: {  	[sflag:s8] =	ssyncadd.s32 $0xFFFFC000  }
0x74: {  	[hbm4b:s16+s2] =	stream.linear.scatter [tilespmem:s7], [sflag:$0x2], $0x4000, $0x38;
	[tilespmem:$0x4400] =	vst v63  }
0x75: {  	_ =	swait.ge [sflag:s3], $0x4000  }
0x76: {  	[sflag:s3] =	ssyncset.done $0x0  }
0x77: {  	[sflag:s3] =	ssyncadd.s32 $0xFFFFC000  }
0x78: {  	[tilespmem:s7], [sflag:$0x1] =	stream.indirect.gather [hbm4b:s5+s6], $0x80, s17, s6, $0xb8;
	[tilespmem:$0x4400] =	vst v63  }
0x79: {  	_ =	swait.ge [sflag:s8], $0x4000  }
0x7a: {  	[sflag:s8] =	ssyncset.done $0x0  }
0x7b: {  	[sflag:s8] =	ssyncadd.s32 $0xFFFFC000  }
0x7c: {  	[hbm4b:s18+s2] =	stream.linear.scatter [tilespmem:s7], [sflag:$0x2], $0x4000, $0x38;
	[tilespmem:$0x4400] =	vst v63  }
0x7d: {  	_ =	swait.ge [sflag:s3], $0x4000  }
0x7e: {  	[sflag:s3] =	ssyncset.done $0x0  }
0x7f: {  	[sflag:s3] =	ssyncadd.s32 $0xFFFFC000  }
0x80: {  	[tilespmem:s7], [sflag:$0x1] =	stream.indirect.gather [hbm4b:s5+s6], $0x80, s19, s6, $0xb8;
	[tilespmem:$0x4400] =	vst v63  }
0x81: {  	_ =	swait.ge [sflag:s8], $0x4000  }
0x82: {  	[sflag:s8] =	ssyncset.done $0x0  }
0x83: {  	[sflag:s8] =	ssyncadd.s32 $0xFFFFC000  }
0x84: {  	[hbm4b:s20+s2] =	stream.linear.scatter [tilespmem:s7], [sflag:$0x2], $0x4000, $0x38;
	[tilespmem:$0x4400] =	vst v63  }
0x85: {  	_ =	swait.ge [sflag:s3], $0x4000  }
0x86: {  	[sflag:s3] =	ssyncset.done $0x0  }
0x87: {  	[sflag:s3] =	ssyncadd.s32 $0xFFFFC000  }
0x88: {  	[tilespmem:s7], [sflag:$0x1] =	stream.indirect.gather [hbm4b:s5+s6], $0x80, s21, s6, $0xb8;
	[tilespmem:$0x4400] =	vst v63  }
0x89: {  	_ =	swait.ge [sflag:s8], $0x4000  }
.Ltmp1:
0x8a: {  	[sflag:s8] =	ssyncset.done $0x0;
	(pc) =	sbr.rel @p0 .LBB2_1-.Ltmp1, $4  }
0x8b: {  	[sflag:s8] =	ssyncadd.s32 $0xFFFFC000  }
0x8c: {  	[hbm4b:s22+s2] =	stream.linear.scatter [tilespmem:s7], [sflag:$0x2], $0x4000, $0x38;
	[tilespmem:$0x4400] =	vst v63  }
0x8d: {  	_ =	swait.ge [sflag:s3], $0x4000  }
0x8e: {  	[sflag:s3] =	ssyncset.done $0x0  }
.LBB2_2:
0x8f: {  	[sflag:s3] =	ssyncadd.s32 $0xFFFFC000  }
0x90: {  	_ =	sfence.sel $0x180000  }
0x91: {  	[bflag:$0x0] =	sbarrier.arrive $0xFFFF  }
0x92: {  	p0 =	sne.s32 s0, $0x0;
	_ =	strace $0x9000004A  }
0x93: {  	s0 =	sadd.s32 @!p0 $0x100000, s1;
	[bflag:$0x2] =	sbarrier.arrive $0xFFFF  }
0x94: {  	[sflag:s0] =	ssyncadd.tile.s32 @!p0 $0x1;
	_ =	shalt  }
.Lfunc_end2:
_tile_overlayer_lowered:
.L_overlay_start_2:
0x95: {  	(tag) =	ssettag $0x2  }
0x96: {  	s0 =	rddreg [dreg:$0x0];
	s2 =	stileid.u32  }
0x97: {  	s1 =	rddreg [dreg:$0x1];
	p0 =	sne.s32 s2, $0x0  }
0x98: {  	s3 =	rddreg [dreg:$0x2];
	[bflag:$0x3] =	sbarrier.arrive $0xFFFF;
	s2 =	simm.s32 @!p0 $0x1C02  }
0x99: {  	[timem:s3], [sflag:s2] =	dma.local @!p0 [hbm:s0], s1  }
0x9a: {  	s0 =	simm.s32 @!p0 $0x2  }
0x9b: {  	_ =	swait.ge @!p0 [sflag:s0], s1  }
0x9c: {  	s1 =	ssub.s32 @!p0 $0x0, s1;
	[sflag:s0] =	ssyncset.done @!p0 $0x0  }
0x9d: {  	[sflag:s0] =	ssyncadd.s32 @!p0 s1  }
0x9e: {  	[bflag:$0x3] =	sbarrier.arrive $0xFFFF  }
0x9f: {  	_ =	shalt  }

// kernel: kernel.27.cloned.1.call-start
scs
__scs_entry_jumppad:
0x0: {  	(pc) =	sbr.rel $0x88, $3  }
0x1: {  	(tag) =	ssettag $0x0;
	lr =	simm.s32 $0x1  }
0x2: {  	[smem:$0x3F8F] =	sst lr;
	_ =	strace $0xD0000000  }
0x3: {  	_ = 	snop  }
0x4: {  	_ = 	snop  }
0x5: {  	_ = 	snop  }
0x6: {  	_ = 	snop  }
0x7: {  	_ = 	snop  }
__scs_overlays_trampoline_lowered:
0x8: {  	[smem:$0x3F9E] =	sst s0  }
0x9: {  	[smem:$0x3F9F] =	sst s1  }
0xa: {  	[smem:$0x3FA0] =	sst s2  }
0xb: {  	[smem:$0x3FA1] =	sst s3  }
0xc: {  	[smem:$0x3FA2] =	sst s4  }
0xd: {  	[smem:$0x3FA3] =	sst s5  }
0xe: {  	[smem:$0x3FA4] =	sst s6  }
0xf: {  	[smem:$0x3FA5] =	sst s7  }
0x10: {  	[smem:$0x3FA6] =	sst s8  }
0x11: {  	[smem:$0x3FA7] =	sst s9;
	s0 =	simm.s32 @!p0 $0x0  }
0x12: {  	s1 =	sld [smem:$0x3F8D];
	s0 =	simm.s32 @p0 $0x1  }
0x13: {  	[smem:$0x3FA8] =	sst s0;
	s0 =	simm.s32 @!p1 $0x0  }
0x14: {  	s2 =	sld [smem:$0x3F8C];
	s0 =	simm.s32 @p1 $0x1  }
0x15: {  	[smem:$0x3FA9] =	sst s0;
	s0 =	simm.s32 @!p2 $0x0  }
0x16: {  	s3 =	sld [smem:$0x3FDB];
	s0 =	simm.s32 @p2 $0x1  }
0x17: {  	s4 =	simm.s32 $0x1BF5;
	[smem:$0x3FAB] =	sst s0  }
0x18: {  	s0 =	sld [smem:$0x3F8E];
	_ =	swait.ge [sflag:s4], $0x0  }
0x19: {  	s7 =	sld [smem:$0x3F8F]  }
0x1a: {  	s8 =	sadd.s32 $0xFFFFE003, lr  }
0x1b: {  	s9 =	sadd.s32 $0xFFFFFEF7, lr;
	s5 =	simm.s32 $0xFFFFFFFF;
	p2 =	slt.u32 s8, $0xFFFFF086  }
0x1c: {  	p1 =	slt.u32 s9, $0xF7A;
	s5 =	simm.s32 @!p2 $0x0  }
0x1d: {  	s5 =	simm.s32 @p1 $0x1;
	p0 =	seq.s32 s7, s2  }
0x1e: {  	s7 =	smul.u32 @!p0 $0xF7A, s2;
	p2 =	seq.s32 @!p0 s5, $0x0  }
0x1f: {  	s9 =	smul.u32 $0xF7A, s1;
	s8 =	simm.s32 @!p0 $0x1BF5;
	p2 =	por !p2, p0  }
0x20: {  	[sflag:s8] =	ssyncset.s32 @!p0 $0xFFFFF086;
	s6 =	sadd.s32 @!p0 s3, s7;
	s7 =	simm.s32 @!p0 $0x108  }
0x21: {  	s3 =	sadd.s32 s3, s9;
	s6 =	sadd.s32 @!p0 $0x88, s6;
	s7 =	simm.s32 @p2 $0x1082  }
0x22: {  	[simem:s7], [sflag:s8] =	dma.local @!p0 [hbm:s6], $0xF7A  }
0x23: {  	s9 =	sor.u32 $0xD0000000, s2;
	s6 =	simm.s32 $0x108;
	_ =	swait.ge @!p0 [sflag:s8], $0x0  }
0x24: {  	s3 =	sadd.s32 $0x88, s3;
	s6 =	simm.s32 @!p1 $0x1082;
	[sflag:s4] =	ssyncset.s32 $0xFFFFF086  }
0x25: {  	[simem:s6], [sflag:s4] =	dma.local [hbm:s3], $0xF7A  }
0x26: {  	[smem:$0x3F8F] =	sst s1;
	(tag) =	ssettag s2;
	_ =	strace s9  }
0x27: {  	s1 =	sld [smem:$0x3F9F]  }
0x28: {  	s2 =	sld [smem:$0x3FA0]  }
0x29: {  	s4 =	sld [smem:$0x3FA2]  }
0x2a: {  	p0 =	seq.s32 s5, $0x0;
	s5 =	sld [smem:$0x3FA3]  }
0x2b: {  	s6 =	sld [smem:$0x3FA4]  }
0x2c: {  	s7 =	sld [smem:$0x3FA5]  }
0x2d: {  	s3 =	simm.s32 $0x108;
	s8 =	sld [smem:$0x3FA6]  }
0x2e: {  	s3 =	simm.s32 @!p0 $0x1082;
	s9 =	sld [smem:$0x3FA7]  }
0x2f: {  	lr =	sadd.s32 s0, s3;
	s0 =	sld [smem:$0x3F9E]  }
0x30: {  	s3 =	sld [smem:$0x3FA1]  }
0x31: {  	[smem:$0x3FAA] =	sst s10  }
0x32: {  	s10 =	sld [smem:$0x3FA8];
	_ =	sdelay $0x3  }
0x33: {  	p0 =	seq.s32 s10, $0x1;
	s10 =	sld [smem:$0x3FAA];
	_ =	sdelay $0x3  }
0x34: {  	[smem:$0x3FAA] =	sst s10  }
0x35: {  	s10 =	sld [smem:$0x3FA9];
	_ =	sdelay $0x3  }
0x36: {  	p1 =	seq.s32 s10, $0x1;
	s10 =	sld [smem:$0x3FAA];
	_ =	sdelay $0x3  }
0x37: {  	[smem:$0x3FAA] =	sst s10  }
0x38: {  	s10 =	sld [smem:$0x3FAB]  }
0x39: {  	_ = 	snop;
	(pc) =	sbr.ind lr, $3  }
0x3a: {  	_ = 	snop  }
0x3b: {  	_ = 	snop  }
0x3c: {  	p2 =	seq.s32 s10, $0x1;
	s10 =	sld [smem:$0x3FAA]  }
0x3d: {  	_ =	shalt  }
0x3e: {  	_ =	shalt  }
0x3f: {  	_ =	shalt  }
0x40: {  	_ =	shalt  }
0x41: {  	_ =	shalt  }
0x42: {  	_ =	shalt  }
0x43: {  	_ =	shalt  }
0x44: {  	_ =	shalt  }
0x45: {  	_ =	shalt  }
0x46: {  	_ =	shalt  }
0x47: {  	_ =	shalt  }
0x48: {  	_ =	shalt  }
0x49: {  	_ =	shalt  }
0x4a: {  	_ =	shalt  }
0x4b: {  	_ =	shalt  }
0x4c: {  	_ =	shalt  }
0x4d: {  	_ =	shalt  }
0x4e: {  	_ =	shalt  }
0x4f: {  	_ =	shalt  }
0x50: {  	_ =	shalt  }
0x51: {  	_ =	shalt  }
0x52: {  	_ =	shalt  }
0x53: {  	_ =	shalt  }
0x54: {  	_ =	shalt  }
0x55: {  	_ =	shalt  }
0x56: {  	_ =	shalt  }
0x57: {  	_ =	shalt  }
0x58: {  	_ =	shalt  }
0x59: {  	_ =	shalt  }
0x5a: {  	_ =	shalt  }
0x5b: {  	_ =	shalt  }
0x5c: {  	_ =	shalt  }
0x5d: {  	_ =	shalt  }
0x5e: {  	_ =	shalt  }
0x5f: {  	_ =	shalt  }
0x60: {  	_ =	shalt  }
0x61: {  	_ =	shalt  }
0x62: {  	_ =	shalt  }
0x63: {  	_ =	shalt  }
0x64: {  	_ =	shalt  }
0x65: {  	_ =	shalt  }
0x66: {  	_ =	shalt  }
0x67: {  	_ =	shalt  }
0x68: {  	_ =	shalt  }
0x69: {  	_ =	shalt  }
0x6a: {  	_ =	shalt  }
0x6b: {  	_ =	shalt  }
0x6c: {  	_ =	shalt  }
0x6d: {  	_ =	shalt  }
0x6e: {  	_ =	shalt  }
0x6f: {  	_ =	shalt  }
0x70: {  	_ =	shalt  }
0x71: {  	_ =	shalt  }
0x72: {  	_ =	shalt  }
0x73: {  	_ =	shalt  }
0x74: {  	_ =	shalt  }
0x75: {  	_ =	shalt  }
0x76: {  	_ =	shalt  }
0x77: {  	_ =	shalt  }
0x78: {  	_ =	shalt  }
0x79: {  	_ =	shalt  }
0x7a: {  	_ =	shalt  }
0x7b: {  	_ =	shalt  }
0x7c: {  	_ =	shalt  }
0x7d: {  	_ =	shalt  }
0x7e: {  	_ =	shalt  }
0x7f: {  	_ =	shalt  }
0x80: {  	_ =	shalt  }
0x81: {  	_ =	shalt  }
0x82: {  	_ =	shalt  }
0x83: {  	_ =	shalt  }
0x84: {  	_ =	shalt  }
0x85: {  	_ =	shalt  }
0x86: {  	_ =	shalt  }
0x87: {  	_ =	shalt  }
.Lfunc_end0:
.L_simem_size_0:
called_computation.1_lowered:
.L_overlay_start_0:
0x88: {  	s2 =	sld [smem:$0x3FD9]  }
0x89: {  	s3 =	sld [smem:$0x3FFE];
	_ =	sdelay $0x1  }
0x8a: {  	s1 =	srdreg.scid  }
0x8b: {  	s0 =	sand.u32 $0x1, s1  }
0x8c: {  	s16 =	sshll.u32 s0, $0xA;
	s2 =	sadd.s32 s3, s2  }
0x8d: {  	s2 =	sadd.s32 s2, s16  }
0x8e: {  	[smem:$0x3FB6] =	sst s2  }
0x8f: {  	_ = 	snop  }
0x90: {  	(tm) =	ssettm $0x1  }
0x91: {  	s17 =	sld [smem:$0x3FFB];
	_ =	sdelay $0x3  }
0x92: {  	_ =	strace s17  }
0x93: {  	s2 =	sld [smem:$0x3FFC];
	_ =	sdelay $0x3  }
0x94: {  	_ =	strace s2  }
0x95: {  	s2 =	sld [smem:$0x3FFD];
	_ =	sdelay $0x3  }
0x96: {  	_ =	strace s2  }
0x97: {  	_ =	strace $0x8FFFFFFF  }
0x98: {  	s18 =	sld [smem:$0x3FDB];
	_ =	sdelay $0x1  }
0x99: {  	s19 =	simm.s32 $_scs_section_size  }
0x9a: {  	s4 =	simm.s32 $_size__tile_overlayer_lowered;
	s5 =	simm.s32 $_tile_overlayer_lowered  }
0x9b: {  	s22 =	simm.s32 $0x1BFF;
	s21 =	sshll.u32 s5, $0x1;
	s2 =	sadd.s32 s19, s18  }
0x9c: {  	s6 =	simm.s32 $0x0;
	s20 =	sshll.u32 s4, $0x1;
	s4 =	sadd.s32 s21, s2  }
0x9d: {  	[timem:s6], [sflag:s22] =	dma.local [hbm:s4], s20  }
0x9e: {  	_ =	swait.ge [sflag:s22], s20  }
0x9f: {  	s3 =	ssub.s32 $0x0, s20;
	[sflag:s22] =	ssyncset.done $0x0  }
0xa0: {  	[sflag:s22] =	ssyncadd.s32 s3;
	_ =	sdelay $0x1  }
0xa1: {  	s23 =	simm.s32 $0x1B8B  }
0xa2: {  	_ =	swait.ge [sflag:s23], $0x1  }
0xa3: {  	[sflag:s23] =	ssyncset.done $0x0  }
0xa4: {  	s25 =	simm.s32 $0x1B8E;
	s24 =	sld [smem:$0x3FFE];
	[sflag:s23] =	ssyncadd.s32 $0xFFFFFFFF  }
0xa5: {  	s26 =	simm.s32 $execute0_lowered;
	[smem:$0x3FD2] =	sst s25  }
0xa6: {  	s4 =	sshll.u32 s26, $0x1;
	_ =	strace $0x80000046;
	[dreg:$0x1] =	wrdreg $0xFFFFFFFF  }
0xa7: {  	s28 =	simm.s32 $_size_execute0_lowered;
	s2 =	sadd.s32 s2, s4;
	[dreg:$0x0] =	wrdreg $0x0  }
0xa8: {  	s4 =	sshll.u32 s28, $0x1;
	[dreg:$0x2] =	wrdreg s2  }
0xa9: {  	[dreg:$0x3] =	wrdreg s4  }
0xaa: {  	[dreg:$0x4] =	wrdreg $0xC0  }
0xab: {  	_ =	task [dreg:s6], $0x5FFFF  }
0xac: {  	[dreg:$0x1] =	wrdreg $0xFFFFFFFF  }
0xad: {  	[dreg:$0x0] =	wrdreg $0x60  }
0xae: {  	[dreg:$0x2] =	wrdreg s24  }
0xaf: {  	[dreg:$0x3] =	wrdreg $0xA  }
0xb0: {  	_ =	task.clear_ibuf [dreg:s6], $0x4FFFF;
	_ =	strace $0x90000046  }
0xb1: {  	s29 =	simm.s32 $0xA;
	_ =	strace $0x80000048  }
0xb2: {  	_ =	swait.ge [sflag:s29], $0x1  }
0xb3: {  	[sflag:s29] =	ssyncadd.s32 $0xFFFFFFFF  }
0xb4: {  	_ =	strace $0x90000048  }
0xb5: {  	_ =	sfence  }
0xb6: {  	s30 =	sld [smem:$0x0];
	_ =	sdelay $0x2  }
0xb7: {  	s31 =	sshll.u32 s1, $0xD;
	s1 =	sshrl.u32 s1, $0x2  }
0xb8: {  	s3 =	sand.u32 $0x4000, s31;
	s1 =	sadd.s32 s1, s30  }
0xb9: {  	s0 =	sor.u32 s3, s0;
	s1 =	sshll.u32 s1, $0x11  }
0xba: {  	s0 =	sor.u32 s1, s0  }
0xbb: {  	s0 =	sadd.s32 $0x8F2B, s0  }
0xbc: {  	[sflag:s0] =	ssyncadd.remote.s32 $0x1  }
0xbd: {  	_ =	sfence.sel $0xFFFF  }
0xbe: {  	[dreg:$0x0] =	wrdreg $0xFFFFFFFF;
	(pc) =	sbr.abs _section_cstart, $3  }
0xbf: {  	[dreg:$0x1] =	wrdreg $0xFFFFFFFF  }
0xc0: {  	_ =	task.clear_ibuf [dreg:s6], $0x2FFFF;
	_ =	strace $0x9FFFFFFF  }
0xc1: {  	(tm) =	ssettm $0x7FFFFFFF  }
tec
execute0_lowered:
.L_overlay_start_1:
0x0: {  	(tag) =	ssettag $0x1  }
0x1: {  	s1 =	srdreg.scid  }
0x2: {  	s0 =	stileid.u32;
	s21 =	sand.u32 $0x1, s1  }
0x3: {  	s31 =	sshll.u32 s0, $0xB;
	s2 =	sshll.u32 s21, $0xA  }
0x4: {  	s9 =	rddreg [dreg:$0x0];
	s10 =	sor.u32 s2, s31  }
0x5: {  	s1 =	rddreg [dreg:$0x1];
	s2 =	simm.s32 $0x0;
	s3 =	sshrl.u32 s10, $0x3  }
0x6: {  	[smem:$0x7FF] =	sst s2;
	s3 =	sadd.s32 s3, s9  }
0x7: {  	_ =	strace $0x80000047;
	s4 =	sadd.s32 $0x9C00, s3;
	s3 =	simm.s32 $0x2  }
0x8: {  	[tilespmem:s2], [sflag:$0x2] =	stream.linear.gather [hbm4b:s4+s2], $0x400, $0x38;
	[tilespmem:$0x4400] =	vst v63  }
0x9: {  	_ =	swait.ge [sflag:s3], $0x400  }
0xa: {  	s6 =	simm.s32 $0x80;
	s7 =	simm.s32 $0x400;
	[sflag:s3] =	ssyncset.done $0x0  }
0xb: {  	s8 =	simm.s32 $0x1;
	s5 =	sadd.s32 $0xDE00, s9;
	[sflag:s3] =	ssyncadd.s32 $0xFFFFFC00  }
0xc: {  	[tilespmem:s7], [sflag:$0x1] =	stream.indirect.gather [hbm4b:s5+s6], $0x80, s2, s6, $0xb8;
	[tilespmem:$0x4400] =	vst v63  }
0xd: {  	s10 =	sshll.u32 s10, $0x4;
	_ =	swait.ge [sflag:s8], $0x4000  }
0xe: {  	s22 =	sadd.s32 s10, s9;
	[sflag:s8] =	ssyncset.done $0x0  }
0xf: {  	s9 =	sadd.s32 $0x2DE00, s22;
	[sflag:s8] =	ssyncadd.s32 $0xFFFFC000  }
0x10: {  	[hbm4b:s9+s2] =	stream.linear.scatter [tilespmem:s7], [sflag:$0x2], $0x4000, $0x38;
	[tilespmem:$0x4400] =	vst v63  }
0x11: {  	_ =	swait.ge [sflag:s3], $0x4000  }
0x12: {  	[sflag:s3] =	ssyncset.done $0x0  }
0x13: {  	[sflag:s3] =	ssyncadd.s32 $0xFFFFC000  }
0x14: {  	[tilespmem:s7], [sflag:$0x1] =	stream.indirect.gather [hbm4b:s5+s6], $0x80, s6, s6, $0xb8;
	[tilespmem:$0x4400] =	vst v63  }
0x15: {  	_ =	swait.ge [sflag:s8], $0x4000  }
0x16: {  	[sflag:s8] =	ssyncset.done $0x0  }
0x17: {  	s10 =	sadd.s32 $0x2E600, s22;
	[sflag:s8] =	ssyncadd.s32 $0xFFFFC000  }
0x18: {  	[hbm4b:s10+s2] =	stream.linear.scatter [tilespmem:s7], [sflag:$0x2], $0x4000, $0x38;
	[tilespmem:$0x4400] =	vst v63  }
0x19: {  	_ =	swait.ge [sflag:s3], $0x4000  }
0x1a: {  	[sflag:s3] =	ssyncset.done $0x0  }
0x1b: {  	s11 =	simm.s32 $0x100;
	[sflag:s3] =	ssyncadd.s32 $0xFFFFC000  }
0x1c: {  	[tilespmem:s7], [sflag:$0x1] =	stream.indirect.gather [hbm4b:s5+s6], $0x80, s11, s6, $0xb8;
	[tilespmem:$0x4400] =	vst v63  }
0x1d: {  	_ =	swait.ge [sflag:s8], $0x4000  }
0x1e: {  	[sflag:s8] =	ssyncset.done $0x0  }
0x1f: {  	s12 =	sadd.s32 $0x2EE00, s22;
	[sflag:s8] =	ssyncadd.s32 $0xFFFFC000  }
0x20: {  	[hbm4b:s12+s2] =	stream.linear.scatter [tilespmem:s7], [sflag:$0x2], $0x4000, $0x38;
	[tilespmem:$0x4400] =	vst v63  }
0x21: {  	_ =	swait.ge [sflag:s3], $0x4000  }
0x22: {  	[sflag:s3] =	ssyncset.done $0x0  }
0x23: {  	s13 =	simm.s32 $0x180;
	[sflag:s3] =	ssyncadd.s32 $0xFFFFC000  }
0x24: {  	[tilespmem:s7], [sflag:$0x1] =	stream.indirect.gather [hbm4b:s5+s6], $0x80, s13, s6, $0xb8;
	[tilespmem:$0x4400] =	vst v63  }
0x25: {  	_ =	swait.ge [sflag:s8], $0x4000  }
0x26: {  	[sflag:s8] =	ssyncset.done $0x0  }
0x27: {  	s14 =	sadd.s32 $0x2F600, s22;
	[sflag:s8] =	ssyncadd.s32 $0xFFFFC000  }
0x28: {  	[hbm4b:s14+s2] =	stream.linear.scatter [tilespmem:s7], [sflag:$0x2], $0x4000, $0x38;
	[tilespmem:$0x4400] =	vst v63  }
0x29: {  	_ =	swait.ge [sflag:s3], $0x4000  }
0x2a: {  	[sflag:s3] =	ssyncset.done $0x0  }
0x2b: {  	s15 =	simm.s32 $0x200;
	[sflag:s3] =	ssyncadd.s32 $0xFFFFC000  }
0x2c: {  	[tilespmem:s7], [sflag:$0x1] =	stream.indirect.gather [hbm4b:s5+s6], $0x80, s15, s6, $0xb8;
	[tilespmem:$0x4400] =	vst v63  }
0x2d: {  	_ =	swait.ge [sflag:s8], $0x4000  }
0x2e: {  	[sflag:s8] =	ssyncset.done $0x0  }
0x2f: {  	s16 =	sadd.s32 $0x2FE00, s22;
	[sflag:s8] =	ssyncadd.s32 $0xFFFFC000  }
0x30: {  	[hbm4b:s16+s2] =	stream.linear.scatter [tilespmem:s7], [sflag:$0x2], $0x4000, $0x38;
	[tilespmem:$0x4400] =	vst v63  }
0x31: {  	_ =	swait.ge [sflag:s3], $0x4000  }
0x32: {  	[sflag:s3] =	ssyncset.done $0x0  }
0x33: {  	s17 =	simm.s32 $0x280;
	[sflag:s3] =	ssyncadd.s32 $0xFFFFC000  }
0x34: {  	[tilespmem:s7], [sflag:$0x1] =	stream.indirect.gather [hbm4b:s5+s6], $0x80, s17, s6, $0xb8;
	[tilespmem:$0x4400] =	vst v63  }
0x35: {  	_ =	swait.ge [sflag:s8], $0x4000  }
0x36: {  	[sflag:s8] =	ssyncset.done $0x0  }
0x37: {  	s18 =	sadd.s32 $0x30600, s22;
	[sflag:s8] =	ssyncadd.s32 $0xFFFFC000  }
0x38: {  	[hbm4b:s18+s2] =	stream.linear.scatter [tilespmem:s7], [sflag:$0x2], $0x4000, $0x38;
	[tilespmem:$0x4400] =	vst v63  }
0x39: {  	_ =	swait.ge [sflag:s3], $0x4000  }
0x3a: {  	[sflag:s3] =	ssyncset.done $0x0  }
0x3b: {  	s19 =	simm.s32 $0x300;
	[sflag:s3] =	ssyncadd.s32 $0xFFFFC000  }
0x3c: {  	[tilespmem:s7], [sflag:$0x1] =	stream.indirect.gather [hbm4b:s5+s6], $0x80, s19, s6, $0xb8;
	[tilespmem:$0x4400] =	vst v63  }
0x3d: {  	_ =	swait.ge [sflag:s8], $0x4000  }
0x3e: {  	[sflag:s8] =	ssyncset.done $0x0  }
0x3f: {  	s23 =	ssub.s32 $0x2, s21;
	s20 =	sadd.s32 $0x30E00, s22;
	[sflag:s8] =	ssyncadd.s32 $0xFFFFC000  }
0x40: {  	[hbm4b:s20+s2] =	stream.linear.scatter [tilespmem:s7], [sflag:$0x2], $0x4000, $0x38;
	[tilespmem:$0x4400] =	vst v63  }
0x41: {  	s24 =	sshrl.u32 s23, $0x1;
	_ =	swait.ge [sflag:s3], $0x4000  }
0x42: {  	s23 =	ssub.s32 s23, s24;
	[sflag:s3] =	ssyncset.done $0x0  }
0x43: {  	s21 =	simm.s32 $0x380;
	s23 =	smax.u32 s23, $0x1;
	[sflag:s3] =	ssyncadd.s32 $0xFFFFC000  }
0x44: {  	[tilespmem:s7], [sflag:$0x1] =	stream.indirect.gather [hbm4b:s5+s6], $0x80, s21, s6, $0xb8;
	[tilespmem:$0x4400] =	vst v63  }
0x45: {  	p0 =	sne.s32 s23, $0x1;
	_ =	swait.ge [sflag:s8], $0x4000  }
.Ltmp0:
0x46: {  	[sflag:s8] =	ssyncset.done $0x0;
	(pc) =	sbr.rel @!p0 .LBB2_2-.Ltmp0, $4  }
0x47: {  	s22 =	sadd.s32 $0x31600, s22;
	[sflag:s8] =	ssyncadd.s32 $0xFFFFC000  }
0x48: {  	[hbm4b:s22+s2] =	stream.linear.scatter [tilespmem:s7], [sflag:$0x2], $0x4000, $0x38;
	[tilespmem:$0x4400] =	vst v63  }
0x49: {  	_ =	swait.ge [sflag:s3], $0x4000  }
0x4a: {  	s23 =	sadd.s32 $0xFFFFFFFF, s23;
	[sflag:s3] =	ssyncset.done $0x0  }
.LBB2_1:
0x4b: {  	p0 =	sne.s32 s23, $0x1;
	s23 =	sadd.s32 $0xFFFFFFFF, s23;
	[sflag:s3] =	ssyncadd.s32 $0xFFFFC000  }
0x4c: {  	[tilespmem:s2], [sflag:$0x2] =	stream.linear.gather [hbm4b:s4+s2], $0x400, $0x38;
	[tilespmem:$0x4400] =	vst v63  }
0x4d: {  	_ =	swait.ge [sflag:s3], $0x400  }
0x4e: {  	[sflag:s3] =	ssyncset.done $0x0  }
0x4f: {  	[sflag:s3] =	ssyncadd.s32 $0xFFFFFC00  }
0x50: {  	[tilespmem:s7], [sflag:$0x1] =	stream.indirect.gather [hbm4b:s5+s6], $0x80, s2, s6, $0xb8;
	[tilespmem:$0x4400] =	vst v63  }
0x51: {  	_ =	swait.ge [sflag:s8], $0x4000  }
0x52: {  	[sflag:s8] =	ssyncset.done $0x0  }
0x53: {  	[sflag:s8] =	ssyncadd.s32 $0xFFFFC000  }
0x54: {  	[hbm4b:s9+s2] =	stream.linear.scatter [tilespmem:s7], [sflag:$0x2], $0x4000, $0x38;
	[tilespmem:$0x4400] =	vst v63  }
0x55: {  	_ =	swait.ge [sflag:s3], $0x4000  }
0x56: {  	[sflag:s3] =	ssyncset.done $0x0  }
0x57: {  	[sflag:s3] =	ssyncadd.s32 $0xFFFFC000  }
0x58: {  	[tilespmem:s7], [sflag:$0x1] =	stream.indirect.gather [hbm4b:s5+s6], $0x80, s6, s6, $0xb8;
	[tilespmem:$0x4400] =	vst v63  }
0x59: {  	_ =	swait.ge [sflag:s8], $0x4000  }
0x5a: {  	[sflag:s8] =	ssyncset.done $0x0  }
0x5b: {  	[sflag:s8] =	ssyncadd.s32 $0xFFFFC000  }
0x5c: {  	[hbm4b:s10+s2] =	stream.linear.scatter [tilespmem:s7], [sflag:$0x2], $0x4000, $0x38;
	[tilespmem:$0x4400] =	vst v63  }
0x5d: {  	_ =	swait.ge [sflag:s3], $0x4000  }
0x5e: {  	[sflag:s3] =	ssyncset.done $0x0  }
0x5f: {  	[sflag:s3] =	ssyncadd.s32 $0xFFFFC000  }
0x60: {  	[tilespmem:s7], [sflag:$0x1] =	stream.indirect.gather [hbm4b:s5+s6], $0x80, s11, s6, $0xb8;
	[tilespmem:$0x4400] =	vst v63  }
0x61: {  	_ =	swait.ge [sflag:s8], $0x4000  }
0x62: {  	[sflag:s8] =	ssyncset.done $0x0  }
0x63: {  	[sflag:s8] =	ssyncadd.s32 $0xFFFFC000  }
0x64: {  	[hbm4b:s12+s2] =	stream.linear.scatter [tilespmem:s7], [sflag:$0x2], $0x4000, $0x38;
	[tilespmem:$0x4400] =	vst v63  }
0x65: {  	_ =	swait.ge [sflag:s3], $0x4000  }
0x66: {  	[sflag:s3] =	ssyncset.done $0x0  }
0x67: {  	[sflag:s3] =	ssyncadd.s32 $0xFFFFC000  }
0x68: {  	[tilespmem:s7], [sflag:$0x1] =	stream.indirect.gather [hbm4b:s5+s6], $0x80, s13, s6, $0xb8;
	[tilespmem:$0x4400] =	vst v63  }
0x69: {  	_ =	swait.ge [sflag:s8], $0x4000  }
0x6a: {  	[sflag:s8] =	ssyncset.done $0x0  }
0x6b: {  	[sflag:s8] =	ssyncadd.s32 $0xFFFFC000  }
0x6c: {  	[hbm4b:s14+s2] =	stream.linear.scatter [tilespmem:s7], [sflag:$0x2], $0x4000, $0x38;
	[tilespmem:$0x4400] =	vst v63  }
0x6d: {  	_ =	swait.ge [sflag:s3], $0x4000  }
0x6e: {  	[sflag:s3] =	ssyncset.done $0x0  }
0x6f: {  	[sflag:s3] =	ssyncadd.s32 $0xFFFFC000  }
0x70: {  	[tilespmem:s7], [sflag:$0x1] =	stream.indirect.gather [hbm4b:s5+s6], $0x80, s15, s6, $0xb8;
	[tilespmem:$0x4400] =	vst v63  }
0x71: {  	_ =	swait.ge [sflag:s8], $0x4000  }
0x72: {  	[sflag:s8] =	ssyncset.done $0x0  }
0x73: {  	[sflag:s8] =	ssyncadd.s32 $0xFFFFC000  }
0x74: {  	[hbm4b:s16+s2] =	stream.linear.scatter [tilespmem:s7], [sflag:$0x2], $0x4000, $0x38;
	[tilespmem:$0x4400] =	vst v63  }
0x75: {  	_ =	swait.ge [sflag:s3], $0x4000  }
0x76: {  	[sflag:s3] =	ssyncset.done $0x0  }
0x77: {  	[sflag:s3] =	ssyncadd.s32 $0xFFFFC000  }
0x78: {  	[tilespmem:s7], [sflag:$0x1] =	stream.indirect.gather [hbm4b:s5+s6], $0x80, s17, s6, $0xb8;
	[tilespmem:$0x4400] =	vst v63  }
0x79: {  	_ =	swait.ge [sflag:s8], $0x4000  }
0x7a: {  	[sflag:s8] =	ssyncset.done $0x0  }
0x7b: {  	[sflag:s8] =	ssyncadd.s32 $0xFFFFC000  }
0x7c: {  	[hbm4b:s18+s2] =	stream.linear.scatter [tilespmem:s7], [sflag:$0x2], $0x4000, $0x38;
	[tilespmem:$0x4400] =	vst v63  }
0x7d: {  	_ =	swait.ge [sflag:s3], $0x4000  }
0x7e: {  	[sflag:s3] =	ssyncset.done $0x0  }
0x7f: {  	[sflag:s3] =	ssyncadd.s32 $0xFFFFC000  }
0x80: {  	[tilespmem:s7], [sflag:$0x1] =	stream.indirect.gather [hbm4b:s5+s6], $0x80, s19, s6, $0xb8;
	[tilespmem:$0x4400] =	vst v63  }
0x81: {  	_ =	swait.ge [sflag:s8], $0x4000  }
0x82: {  	[sflag:s8] =	ssyncset.done $0x0  }
0x83: {  	[sflag:s8] =	ssyncadd.s32 $0xFFFFC000  }
0x84: {  	[hbm4b:s20+s2] =	stream.linear.scatter [tilespmem:s7], [sflag:$0x2], $0x4000, $0x38;
	[tilespmem:$0x4400] =	vst v63  }
0x85: {  	_ =	swait.ge [sflag:s3], $0x4000  }
0x86: {  	[sflag:s3] =	ssyncset.done $0x0  }
0x87: {  	[sflag:s3] =	ssyncadd.s32 $0xFFFFC000  }
0x88: {  	[tilespmem:s7], [sflag:$0x1] =	stream.indirect.gather [hbm4b:s5+s6], $0x80, s21, s6, $0xb8;
	[tilespmem:$0x4400] =	vst v63  }
0x89: {  	_ =	swait.ge [sflag:s8], $0x4000  }
.Ltmp1:
0x8a: {  	[sflag:s8] =	ssyncset.done $0x0;
	(pc) =	sbr.rel @p0 .LBB2_1-.Ltmp1, $4  }
0x8b: {  	[sflag:s8] =	ssyncadd.s32 $0xFFFFC000  }
0x8c: {  	[hbm4b:s22+s2] =	stream.linear.scatter [tilespmem:s7], [sflag:$0x2], $0x4000, $0x38;
	[tilespmem:$0x4400] =	vst v63  }
0x8d: {  	_ =	swait.ge [sflag:s3], $0x4000  }
0x8e: {  	[sflag:s3] =	ssyncset.done $0x0  }
.LBB2_2:
0x8f: {  	[sflag:s3] =	ssyncadd.s32 $0xFFFFC000  }
0x90: {  	_ =	sfence.sel $0x180000  }
0x91: {  	[bflag:$0x0] =	sbarrier.arrive $0xFFFF  }
0x92: {  	p0 =	sne.s32 s0, $0x0;
	_ =	strace $0x90000047  }
0x93: {  	s0 =	sadd.s32 @!p0 $0x100000, s1;
	[bflag:$0x2] =	sbarrier.arrive $0xFFFF  }
0x94: {  	[sflag:s0] =	ssyncadd.tile.s32 @!p0 $0x1;
	_ =	shalt  }
.Lfunc_end2:
_tile_overlayer_lowered:
.L_overlay_start_2:
0x95: {  	(tag) =	ssettag $0x2  }
0x96: {  	s0 =	rddreg [dreg:$0x0];
	s2 =	stileid.u32  }
0x97: {  	s1 =	rddreg [dreg:$0x1];
	p0 =	sne.s32 s2, $0x0  }
0x98: {  	s3 =	rddreg [dreg:$0x2];
	[bflag:$0x3] =	sbarrier.arrive $0xFFFF;
	s2 =	simm.s32 @!p0 $0x1C02  }
0x99: {  	[timem:s3], [sflag:s2] =	dma.local @!p0 [hbm:s0], s1  }
0x9a: {  	s0 =	simm.s32 @!p0 $0x2  }
0x9b: {  	_ =	swait.ge @!p0 [sflag:s0], s1  }
0x9c: {  	s1 =	ssub.s32 @!p0 $0x0, s1;
	[sflag:s0] =	ssyncset.done @!p0 $0x0  }
0x9d: {  	[sflag:s0] =	ssyncadd.s32 @!p0 s1  }
0x9e: {  	[bflag:$0x3] =	sbarrier.arrive $0xFFFF  }
0x9f: {  	_ =	shalt  }

// kernel: kernel.30.cloned.1.call-start
scs
__scs_entry_jumppad:
0x0: {  	(pc) =	sbr.rel $0x88, $3  }
0x1: {  	(tag) =	ssettag $0x0;
	lr =	simm.s32 $0x1  }
0x2: {  	[smem:$0x3F8F] =	sst lr;
	_ =	strace $0xD0000000  }
0x3: {  	_ = 	snop  }
0x4: {  	_ = 	snop  }
0x5: {  	_ = 	snop  }
0x6: {  	_ = 	snop  }
0x7: {  	_ = 	snop  }
__scs_overlays_trampoline_lowered:
0x8: {  	[smem:$0x3F9E] =	sst s0  }
0x9: {  	[smem:$0x3F9F] =	sst s1  }
0xa: {  	[smem:$0x3FA0] =	sst s2  }
0xb: {  	[smem:$0x3FA1] =	sst s3  }
0xc: {  	[smem:$0x3FA2] =	sst s4  }
0xd: {  	[smem:$0x3FA3] =	sst s5  }
0xe: {  	[smem:$0x3FA4] =	sst s6  }
0xf: {  	[smem:$0x3FA5] =	sst s7  }
0x10: {  	[smem:$0x3FA6] =	sst s8  }
0x11: {  	[smem:$0x3FA7] =	sst s9;
	s0 =	simm.s32 @!p0 $0x0  }
0x12: {  	s1 =	sld [smem:$0x3F8D];
	s0 =	simm.s32 @p0 $0x1  }
0x13: {  	[smem:$0x3FA8] =	sst s0;
	s0 =	simm.s32 @!p1 $0x0  }
0x14: {  	s2 =	sld [smem:$0x3F8C];
	s0 =	simm.s32 @p1 $0x1  }
0x15: {  	[smem:$0x3FA9] =	sst s0;
	s0 =	simm.s32 @!p2 $0x0  }
0x16: {  	s3 =	sld [smem:$0x3FDB];
	s0 =	simm.s32 @p2 $0x1  }
0x17: {  	s4 =	simm.s32 $0x1BF5;
	[smem:$0x3FAB] =	sst s0  }
0x18: {  	s0 =	sld [smem:$0x3F8E];
	_ =	swait.ge [sflag:s4], $0x0  }
0x19: {  	s7 =	sld [smem:$0x3F8F]  }
0x1a: {  	s8 =	sadd.s32 $0xFFFFE003, lr  }
0x1b: {  	s9 =	sadd.s32 $0xFFFFFEF7, lr;
	s5 =	simm.s32 $0xFFFFFFFF;
	p2 =	slt.u32 s8, $0xFFFFF086  }
0x1c: {  	p1 =	slt.u32 s9, $0xF7A;
	s5 =	simm.s32 @!p2 $0x0  }
0x1d: {  	s5 =	simm.s32 @p1 $0x1;
	p0 =	seq.s32 s7, s2  }
0x1e: {  	s7 =	smul.u32 @!p0 $0xF7A, s2;
	p2 =	seq.s32 @!p0 s5, $0x0  }
0x1f: {  	s9 =	smul.u32 $0xF7A, s1;
	s8 =	simm.s32 @!p0 $0x1BF5;
	p2 =	por !p2, p0  }
0x20: {  	[sflag:s8] =	ssyncset.s32 @!p0 $0xFFFFF086;
	s6 =	sadd.s32 @!p0 s3, s7;
	s7 =	simm.s32 @!p0 $0x108  }
0x21: {  	s3 =	sadd.s32 s3, s9;
	s6 =	sadd.s32 @!p0 $0x88, s6;
	s7 =	simm.s32 @p2 $0x1082  }
0x22: {  	[simem:s7], [sflag:s8] =	dma.local @!p0 [hbm:s6], $0xF7A  }
0x23: {  	s9 =	sor.u32 $0xD0000000, s2;
	s6 =	simm.s32 $0x108;
	_ =	swait.ge @!p0 [sflag:s8], $0x0  }
0x24: {  	s3 =	sadd.s32 $0x88, s3;
	s6 =	simm.s32 @!p1 $0x1082;
	[sflag:s4] =	ssyncset.s32 $0xFFFFF086  }
0x25: {  	[simem:s6], [sflag:s4] =	dma.local [hbm:s3], $0xF7A  }
0x26: {  	[smem:$0x3F8F] =	sst s1;
	(tag) =	ssettag s2;
	_ =	strace s9  }
0x27: {  	s1 =	sld [smem:$0x3F9F]  }
0x28: {  	s2 =	sld [smem:$0x3FA0]  }
0x29: {  	s4 =	sld [smem:$0x3FA2]  }
0x2a: {  	p0 =	seq.s32 s5, $0x0;
	s5 =	sld [smem:$0x3FA3]  }
0x2b: {  	s6 =	sld [smem:$0x3FA4]  }
0x2c: {  	s7 =	sld [smem:$0x3FA5]  }
0x2d: {  	s3 =	simm.s32 $0x108;
	s8 =	sld [smem:$0x3FA6]  }
0x2e: {  	s3 =	simm.s32 @!p0 $0x1082;
	s9 =	sld [smem:$0x3FA7]  }
0x2f: {  	lr =	sadd.s32 s0, s3;
	s0 =	sld [smem:$0x3F9E]  }
0x30: {  	s3 =	sld [smem:$0x3FA1]  }
0x31: {  	[smem:$0x3FAA] =	sst s10  }
0x32: {  	s10 =	sld [smem:$0x3FA8];
	_ =	sdelay $0x3  }
0x33: {  	p0 =	seq.s32 s10, $0x1;
	s10 =	sld [smem:$0x3FAA];
	_ =	sdelay $0x3  }
0x34: {  	[smem:$0x3FAA] =	sst s10  }
0x35: {  	s10 =	sld [smem:$0x3FA9];
	_ =	sdelay $0x3  }
0x36: {  	p1 =	seq.s32 s10, $0x1;
	s10 =	sld [smem:$0x3FAA];
	_ =	sdelay $0x3  }
0x37: {  	[smem:$0x3FAA] =	sst s10  }
0x38: {  	s10 =	sld [smem:$0x3FAB]  }
0x39: {  	_ = 	snop;
	(pc) =	sbr.ind lr, $3  }
0x3a: {  	_ = 	snop  }
0x3b: {  	_ = 	snop  }
0x3c: {  	p2 =	seq.s32 s10, $0x1;
	s10 =	sld [smem:$0x3FAA]  }
0x3d: {  	_ =	shalt  }
0x3e: {  	_ =	shalt  }
0x3f: {  	_ =	shalt  }
0x40: {  	_ =	shalt  }
0x41: {  	_ =	shalt  }
0x42: {  	_ =	shalt  }
0x43: {  	_ =	shalt  }
0x44: {  	_ =	shalt  }
0x45: {  	_ =	shalt  }
0x46: {  	_ =	shalt  }
0x47: {  	_ =	shalt  }
0x48: {  	_ =	shalt  }
0x49: {  	_ =	shalt  }
0x4a: {  	_ =	shalt  }
0x4b: {  	_ =	shalt  }
0x4c: {  	_ =	shalt  }
0x4d: {  	_ =	shalt  }
0x4e: {  	_ =	shalt  }
0x4f: {  	_ =	shalt  }
0x50: {  	_ =	shalt  }
0x51: {  	_ =	shalt  }
0x52: {  	_ =	shalt  }
0x53: {  	_ =	shalt  }
0x54: {  	_ =	shalt  }
0x55: {  	_ =	shalt  }
0x56: {  	_ =	shalt  }
0x57: {  	_ =	shalt  }
0x58: {  	_ =	shalt  }
0x59: {  	_ =	shalt  }
0x5a: {  	_ =	shalt  }
0x5b: {  	_ =	shalt  }
0x5c: {  	_ =	shalt  }
0x5d: {  	_ =	shalt  }
0x5e: {  	_ =	shalt  }
0x5f: {  	_ =	shalt  }
0x60: {  	_ =	shalt  }
0x61: {  	_ =	shalt  }
0x62: {  	_ =	shalt  }
0x63: {  	_ =	shalt  }
0x64: {  	_ =	shalt  }
0x65: {  	_ =	shalt  }
0x66: {  	_ =	shalt  }
0x67: {  	_ =	shalt  }
0x68: {  	_ =	shalt  }
0x69: {  	_ =	shalt  }
0x6a: {  	_ =	shalt  }
0x6b: {  	_ =	shalt  }
0x6c: {  	_ =	shalt  }
0x6d: {  	_ =	shalt  }
0x6e: {  	_ =	shalt  }
0x6f: {  	_ =	shalt  }
0x70: {  	_ =	shalt  }
0x71: {  	_ =	shalt  }
0x72: {  	_ =	shalt  }
0x73: {  	_ =	shalt  }
0x74: {  	_ =	shalt  }
0x75: {  	_ =	shalt  }
0x76: {  	_ =	shalt  }
0x77: {  	_ =	shalt  }
0x78: {  	_ =	shalt  }
0x79: {  	_ =	shalt  }
0x7a: {  	_ =	shalt  }
0x7b: {  	_ =	shalt  }
0x7c: {  	_ =	shalt  }
0x7d: {  	_ =	shalt  }
0x7e: {  	_ =	shalt  }
0x7f: {  	_ =	shalt  }
0x80: {  	_ =	shalt  }
0x81: {  	_ =	shalt  }
0x82: {  	_ =	shalt  }
0x83: {  	_ =	shalt  }
0x84: {  	_ =	shalt  }
0x85: {  	_ =	shalt  }
0x86: {  	_ =	shalt  }
0x87: {  	_ =	shalt  }
.Lfunc_end0:
.L_simem_size_0:
called_computation.2_lowered:
.L_overlay_start_0:
0x88: {  	s2 =	sld [smem:$0x3FD9]  }
0x89: {  	s3 =	sld [smem:$0x3FFE];
	_ =	sdelay $0x1  }
0x8a: {  	s1 =	srdreg.scid  }
0x8b: {  	s0 =	sand.u32 $0x1, s1  }
0x8c: {  	s17 =	sshll.u32 s0, $0xA;
	s2 =	sadd.s32 s3, s2  }
0x8d: {  	s2 =	sadd.s32 s2, s17  }
0x8e: {  	[smem:$0x3FB6] =	sst s2  }
0x8f: {  	_ = 	snop  }
0x90: {  	(tm) =	ssettm $0x1  }
0x91: {  	s18 =	sld [smem:$0x3FFB];
	_ =	sdelay $0x3  }
0x92: {  	_ =	strace s18  }
0x93: {  	s2 =	sld [smem:$0x3FFC];
	_ =	sdelay $0x3  }
0x94: {  	_ =	strace s2  }
0x95: {  	s2 =	sld [smem:$0x3FFD];
	_ =	sdelay $0x3  }
0x96: {  	_ =	strace s2  }
0x97: {  	_ =	strace $0x8FFFFFFF  }
0x98: {  	s19 =	sld [smem:$0x3FDB];
	_ =	sdelay $0x1  }
0x99: {  	s20 =	simm.s32 $_scs_section_size  }
0x9a: {  	s4 =	simm.s32 $_size__tile_overlayer_lowered;
	s5 =	simm.s32 $_tile_overlayer_lowered  }
0x9b: {  	s6 =	simm.s32 $0x1BFF;
	s21 =	sshll.u32 s5, $0x1;
	s3 =	sadd.s32 s20, s19  }
0x9c: {  	s22 =	simm.s32 $0x0;
	s4 =	sshll.u32 s4, $0x1;
	s5 =	sadd.s32 s21, s3  }
0x9d: {  	[timem:s22], [sflag:s6] =	dma.local [hbm:s5], s4  }
0x9e: {  	_ =	swait.ge [sflag:s6], s4  }
0x9f: {  	s4 =	ssub.s32 $0x0, s4;
	[sflag:s6] =	ssyncset.done $0x0  }
0xa0: {  	[sflag:s6] =	ssyncadd.s32 s4;
	_ =	sdelay $0x1  }
0xa1: {  	s23 =	simm.s32 $0x1B8B  }
0xa2: {  	_ =	swait.ge [sflag:s23], $0x1  }
0xa3: {  	[sflag:s23] =	ssyncset.done $0x0  }
0xa4: {  	[sflag:s23] =	ssyncadd.s32 $0xFFFFFFFF  }
0xa5: {  	s4 =	sld [smem:$0x0]  }
0xa6: {  	s5 =	sand.u32 $0xFFFFFFFE, s1  }
0xa7: {  	p0 =	sne.s32 s1, s5  }
0xa8: {  	s5 =	sshll.u32 @p0 s5, $0xE  }
0xa9: {  	s5 =	sadd.s32 @p0 $0x11B8D, s5;
	s6 =	sshll.u32 @p0 s4, $0x11  }
0xaa: {  	s5 =	sor.u32 @p0 s6, s5  }
0xab: {  	[sflag:s5] =	ssyncadd.remote.s32 @p0 $0x1;
	_ =	sdelay $0x1  }
0xac: {  	s5 =	simm.s32 @p0 $0x1B8D  }
0xad: {  	_ =	swait.eq @p0 [sflag:s5], $0x1  }
0xae: {  	[sflag:s5] =	ssyncadd.s32 @p0 $0xFFFFFFFF  }
0xaf: {  	s6 =	sshll.u32 @!p0 s1, $0xE  }
0xb0: {  	s6 =	sor.u32 @!p0 $0x4000, s6;
	s5 =	simm.s32 @!p0 $0x1B8D  }
0xb1: {  	s4 =	sshll.u32 @!p0 s4, $0x11;
	s6 =	sadd.s32 @!p0 $0x11B8D, s6;
	_ =	swait.eq @!p0 [sflag:s5], $0x1  }
0xb2: {  	s4 =	sor.u32 @!p0 s4, s6;
	[sflag:s5] =	ssyncadd.s32 @!p0 $0xFFFFFFFF  }
0xb3: {  	s25 =	simm.s32 $0x1B8E;
	s24 =	sld [smem:$0x3FFE];
	[sflag:s4] =	ssyncadd.remote.s32 @!p0 $0x1  }
0xb4: {  	s26 =	simm.s32 $execute0_lowered;
	[smem:$0x3FD2] =	sst s25  }
0xb5: {  	s5 =	sshll.u32 s26, $0x1;
	_ =	strace $0x8000004F;
	[dreg:$0x1] =	wrdreg $0xFFFFFFFF  }
0xb6: {  	s28 =	simm.s32 $_size_execute0_lowered;
	s3 =	sadd.s32 s3, s5;
	[dreg:$0x0] =	wrdreg $0x0  }
0xb7: {  	s5 =	sshll.u32 s28, $0x1;
	[dreg:$0x2] =	wrdreg s3  }
0xb8: {  	[dreg:$0x3] =	wrdreg s5  }
0xb9: {  	[dreg:$0x4] =	wrdreg $0xC0  }
0xba: {  	_ =	task [dreg:s22], $0x5FFFF  }
0xbb: {  	[dreg:$0x1] =	wrdreg $0xFFFFFFFF  }
0xbc: {  	[dreg:$0x0] =	wrdreg $0x60  }
0xbd: {  	[dreg:$0x2] =	wrdreg s24  }
0xbe: {  	[dreg:$0x3] =	wrdreg $0x9  }
0xbf: {  	_ =	task.clear_ibuf [dreg:s22], $0x4FFFF;
	_ =	strace $0x9000004F  }
0xc0: {  	s29 =	simm.s32 $0x9;
	_ =	strace $0x80000051  }
0xc1: {  	_ =	swait.ge [sflag:s29], $0x1  }
0xc2: {  	[sflag:s29] =	ssyncadd.s32 $0xFFFFFFFF  }
0xc3: {  	_ =	strace $0x90000051  }
0xc4: {  	_ =	sfence  }
0xc5: {  	s30 =	sld [smem:$0x0];
	_ =	sdelay $0x2  }
0xc6: {  	s31 =	sshll.u32 s1, $0xD;
	s1 =	sshrl.u32 s1, $0x2  }
0xc7: {  	s4 =	sand.u32 $0x4000, s31;
	s1 =	sadd.s32 s1, s30  }
0xc8: {  	s0 =	sor.u32 s4, s0;
	s1 =	sshll.u32 s1, $0x11  }
0xc9: {  	s0 =	sor.u32 s1, s0  }
0xca: {  	s0 =	sadd.s32 $0x8F2B, s0  }
0xcb: {  	[sflag:s0] =	ssyncadd.remote.s32 $0x1  }
0xcc: {  	_ =	sfence.sel $0xFFFF  }
0xcd: {  	[dreg:$0x0] =	wrdreg $0xFFFFFFFF;
	(pc) =	sbr.abs _section_cstart, $3  }
0xce: {  	[dreg:$0x1] =	wrdreg $0xFFFFFFFF  }
0xcf: {  	_ =	task.clear_ibuf [dreg:s22], $0x2FFFF;
	_ =	strace $0x9FFFFFFF  }
0xd0: {  	(tm) =	ssettm $0x7FFFFFFF  }
0xd1: {  	_ =	shalt  }
tec
execute0_lowered:
.L_overlay_start_1:
0x0: {  	(tag) =	ssettag $0x1  }
0x1: {  	s1 =	srdreg.scid  }
0x2: {  	s0 =	stileid.u32;
	s21 =	sand.u32 $0x1, s1  }
0x3: {  	s31 =	sshll.u32 s0, $0xB;
	s2 =	sshll.u32 s21, $0xA  }
0x4: {  	s9 =	rddreg [dreg:$0x0];
	s10 =	sor.u32 s2, s31  }
0x5: {  	s1 =	rddreg [dreg:$0x1];
	s2 =	simm.s32 $0x0;
	s3 =	sshrl.u32 s10, $0x3  }
0x6: {  	[smem:$0x7FF] =	sst s2;
	s3 =	sadd.s32 s3, s9  }
0x7: {  	_ =	strace $0x80000050;
	s4 =	sadd.s32 $0x8E00, s3;
	s3 =	simm.s32 $0x2  }
0x8: {  	[tilespmem:s2], [sflag:$0x2] =	stream.linear.gather [hbm4b:s4+s2], $0x400, $0x38;
	[tilespmem:$0x4400] =	vst v63  }
0x9: {  	_ =	swait.ge [sflag:s3], $0x400  }
0xa: {  	s6 =	simm.s32 $0x80;
	s7 =	simm.s32 $0x400;
	[sflag:s3] =	ssyncset.done $0x0  }
0xb: {  	s8 =	simm.s32 $0x1;
	s5 =	sadd.s32 $0xDE00, s9;
	[sflag:s3] =	ssyncadd.s32 $0xFFFFFC00  }
0xc: {  	[tilespmem:s7], [sflag:$0x1] =	stream.indirect.gather [hbm4b:s5+s6], $0x80, s2, s6, $0xb8;
	[tilespmem:$0x4400] =	vst v63  }
0xd: {  	s10 =	sshll.u32 s10, $0x4;
	_ =	swait.ge [sflag:s8], $0x4000  }
0xe: {  	s22 =	sadd.s32 s10, s9;
	[sflag:s8] =	ssyncset.done $0x0  }
0xf: {  	s9 =	sadd.s32 $0xBDE00, s22;
	[sflag:s8] =	ssyncadd.s32 $0xFFFFC000  }
0x10: {  	[hbm4b:s9+s2] =	stream.linear.scatter [tilespmem:s7], [sflag:$0x2], $0x4000, $0x38;
	[tilespmem:$0x4400] =	vst v63  }
0x11: {  	_ =	swait.ge [sflag:s3], $0x4000  }
0x12: {  	[sflag:s3] =	ssyncset.done $0x0  }
0x13: {  	[sflag:s3] =	ssyncadd.s32 $0xFFFFC000  }
0x14: {  	[tilespmem:s7], [sflag:$0x1] =	stream.indirect.gather [hbm4b:s5+s6], $0x80, s6, s6, $0xb8;
	[tilespmem:$0x4400] =	vst v63  }
0x15: {  	_ =	swait.ge [sflag:s8], $0x4000  }
0x16: {  	[sflag:s8] =	ssyncset.done $0x0  }
0x17: {  	s10 =	sadd.s32 $0xBE600, s22;
	[sflag:s8] =	ssyncadd.s32 $0xFFFFC000  }
0x18: {  	[hbm4b:s10+s2] =	stream.linear.scatter [tilespmem:s7], [sflag:$0x2], $0x4000, $0x38;
	[tilespmem:$0x4400] =	vst v63  }
0x19: {  	_ =	swait.ge [sflag:s3], $0x4000  }
0x1a: {  	[sflag:s3] =	ssyncset.done $0x0  }
0x1b: {  	s11 =	simm.s32 $0x100;
	[sflag:s3] =	ssyncadd.s32 $0xFFFFC000  }
0x1c: {  	[tilespmem:s7], [sflag:$0x1] =	stream.indirect.gather [hbm4b:s5+s6], $0x80, s11, s6, $0xb8;
	[tilespmem:$0x4400] =	vst v63  }
0x1d: {  	_ =	swait.ge [sflag:s8], $0x4000  }
0x1e: {  	[sflag:s8] =	ssyncset.done $0x0  }
0x1f: {  	s12 =	sadd.s32 $0xBEE00, s22;
	[sflag:s8] =	ssyncadd.s32 $0xFFFFC000  }
0x20: {  	[hbm4b:s12+s2] =	stream.linear.scatter [tilespmem:s7], [sflag:$0x2], $0x4000, $0x38;
	[tilespmem:$0x4400] =	vst v63  }
0x21: {  	_ =	swait.ge [sflag:s3], $0x4000  }
0x22: {  	[sflag:s3] =	ssyncset.done $0x0  }
0x23: {  	s13 =	simm.s32 $0x180;
	[sflag:s3] =	ssyncadd.s32 $0xFFFFC000  }
0x24: {  	[tilespmem:s7], [sflag:$0x1] =	stream.indirect.gather [hbm4b:s5+s6], $0x80, s13, s6, $0xb8;
	[tilespmem:$0x4400] =	vst v63  }
0x25: {  	_ =	swait.ge [sflag:s8], $0x4000  }
0x26: {  	[sflag:s8] =	ssyncset.done $0x0  }
0x27: {  	s14 =	sadd.s32 $0xBF600, s22;
	[sflag:s8] =	ssyncadd.s32 $0xFFFFC000  }
0x28: {  	[hbm4b:s14+s2] =	stream.linear.scatter [tilespmem:s7], [sflag:$0x2], $0x4000, $0x38;
	[tilespmem:$0x4400] =	vst v63  }
0x29: {  	_ =	swait.ge [sflag:s3], $0x4000  }
0x2a: {  	[sflag:s3] =	ssyncset.done $0x0  }
0x2b: {  	s15 =	simm.s32 $0x200;
	[sflag:s3] =	ssyncadd.s32 $0xFFFFC000  }
0x2c: {  	[tilespmem:s7], [sflag:$0x1] =	stream.indirect.gather [hbm4b:s5+s6], $0x80, s15, s6, $0xb8;
	[tilespmem:$0x4400] =	vst v63  }
0x2d: {  	_ =	swait.ge [sflag:s8], $0x4000  }
0x2e: {  	[sflag:s8] =	ssyncset.done $0x0  }
0x2f: {  	s16 =	sadd.s32 $0xBFE00, s22;
	[sflag:s8] =	ssyncadd.s32 $0xFFFFC000  }
0x30: {  	[hbm4b:s16+s2] =	stream.linear.scatter [tilespmem:s7], [sflag:$0x2], $0x4000, $0x38;
	[tilespmem:$0x4400] =	vst v63  }
0x31: {  	_ =	swait.ge [sflag:s3], $0x4000  }
0x32: {  	[sflag:s3] =	ssyncset.done $0x0  }
0x33: {  	s17 =	simm.s32 $0x280;
	[sflag:s3] =	ssyncadd.s32 $0xFFFFC000  }
0x34: {  	[tilespmem:s7], [sflag:$0x1] =	stream.indirect.gather [hbm4b:s5+s6], $0x80, s17, s6, $0xb8;
	[tilespmem:$0x4400] =	vst v63  }
0x35: {  	_ =	swait.ge [sflag:s8], $0x4000  }
0x36: {  	[sflag:s8] =	ssyncset.done $0x0  }
0x37: {  	s18 =	sadd.s32 $0xC0600, s22;
	[sflag:s8] =	ssyncadd.s32 $0xFFFFC000  }
0x38: {  	[hbm4b:s18+s2] =	stream.linear.scatter [tilespmem:s7], [sflag:$0x2], $0x4000, $0x38;
	[tilespmem:$0x4400] =	vst v63  }
0x39: {  	_ =	swait.ge [sflag:s3], $0x4000  }
0x3a: {  	[sflag:s3] =	ssyncset.done $0x0  }
0x3b: {  	s19 =	simm.s32 $0x300;
	[sflag:s3] =	ssyncadd.s32 $0xFFFFC000  }
0x3c: {  	[tilespmem:s7], [sflag:$0x1] =	stream.indirect.gather [hbm4b:s5+s6], $0x80, s19, s6, $0xb8;
	[tilespmem:$0x4400] =	vst v63  }
0x3d: {  	_ =	swait.ge [sflag:s8], $0x4000  }
0x3e: {  	[sflag:s8] =	ssyncset.done $0x0  }
0x3f: {  	s23 =	ssub.s32 $0x2, s21;
	s20 =	sadd.s32 $0xC0E00, s22;
	[sflag:s8] =	ssyncadd.s32 $0xFFFFC000  }
0x40: {  	[hbm4b:s20+s2] =	stream.linear.scatter [tilespmem:s7], [sflag:$0x2], $0x4000, $0x38;
	[tilespmem:$0x4400] =	vst v63  }
0x41: {  	s24 =	sshrl.u32 s23, $0x1;
	_ =	swait.ge [sflag:s3], $0x4000  }
0x42: {  	s23 =	ssub.s32 s23, s24;
	[sflag:s3] =	ssyncset.done $0x0  }
0x43: {  	s21 =	simm.s32 $0x380;
	s23 =	smax.u32 s23, $0x1;
	[sflag:s3] =	ssyncadd.s32 $0xFFFFC000  }
0x44: {  	[tilespmem:s7], [sflag:$0x1] =	stream.indirect.gather [hbm4b:s5+s6], $0x80, s21, s6, $0xb8;
	[tilespmem:$0x4400] =	vst v63  }
0x45: {  	p0 =	sne.s32 s23, $0x1;
	_ =	swait.ge [sflag:s8], $0x4000  }
.Ltmp0:
0x46: {  	[sflag:s8] =	ssyncset.done $0x0;
	(pc) =	sbr.rel @!p0 .LBB2_2-.Ltmp0, $4  }
0x47: {  	s22 =	sadd.s32 $0xC1600, s22;
	[sflag:s8] =	ssyncadd.s32 $0xFFFFC000  }
0x48: {  	[hbm4b:s22+s2] =	stream.linear.scatter [tilespmem:s7], [sflag:$0x2], $0x4000, $0x38;
	[tilespmem:$0x4400] =	vst v63  }
0x49: {  	_ =	swait.ge [sflag:s3], $0x4000  }
0x4a: {  	s23 =	sadd.s32 $0xFFFFFFFF, s23;
	[sflag:s3] =	ssyncset.done $0x0  }
.LBB2_1:
0x4b: {  	p0 =	sne.s32 s23, $0x1;
	s23 =	sadd.s32 $0xFFFFFFFF, s23;
	[sflag:s3] =	ssyncadd.s32 $0xFFFFC000  }
0x4c: {  	[tilespmem:s2], [sflag:$0x2] =	stream.linear.gather [hbm4b:s4+s2], $0x400, $0x38;
	[tilespmem:$0x4400] =	vst v63  }
0x4d: {  	_ =	swait.ge [sflag:s3], $0x400  }
0x4e: {  	[sflag:s3] =	ssyncset.done $0x0  }
0x4f: {  	[sflag:s3] =	ssyncadd.s32 $0xFFFFFC00  }
0x50: {  	[tilespmem:s7], [sflag:$0x1] =	stream.indirect.gather [hbm4b:s5+s6], $0x80, s2, s6, $0xb8;
	[tilespmem:$0x4400] =	vst v63  }
0x51: {  	_ =	swait.ge [sflag:s8], $0x4000  }
0x52: {  	[sflag:s8] =	ssyncset.done $0x0  }
0x53: {  	[sflag:s8] =	ssyncadd.s32 $0xFFFFC000  }
0x54: {  	[hbm4b:s9+s2] =	stream.linear.scatter [tilespmem:s7], [sflag:$0x2], $0x4000, $0x38;
	[tilespmem:$0x4400] =	vst v63  }
0x55: {  	_ =	swait.ge [sflag:s3], $0x4000  }
0x56: {  	[sflag:s3] =	ssyncset.done $0x0  }
0x57: {  	[sflag:s3] =	ssyncadd.s32 $0xFFFFC000  }
0x58: {  	[tilespmem:s7], [sflag:$0x1] =	stream.indirect.gather [hbm4b:s5+s6], $0x80, s6, s6, $0xb8;
	[tilespmem:$0x4400] =	vst v63  }
0x59: {  	_ =	swait.ge [sflag:s8], $0x4000  }
0x5a: {  	[sflag:s8] =	ssyncset.done $0x0  }
0x5b: {  	[sflag:s8] =	ssyncadd.s32 $0xFFFFC000  }
0x5c: {  	[hbm4b:s10+s2] =	stream.linear.scatter [tilespmem:s7], [sflag:$0x2], $0x4000, $0x38;
	[tilespmem:$0x4400] =	vst v63  }
0x5d: {  	_ =	swait.ge [sflag:s3], $0x4000  }
0x5e: {  	[sflag:s3] =	ssyncset.done $0x0  }
0x5f: {  	[sflag:s3] =	ssyncadd.s32 $0xFFFFC000  }
0x60: {  	[tilespmem:s7], [sflag:$0x1] =	stream.indirect.gather [hbm4b:s5+s6], $0x80, s11, s6, $0xb8;
	[tilespmem:$0x4400] =	vst v63  }
0x61: {  	_ =	swait.ge [sflag:s8], $0x4000  }
0x62: {  	[sflag:s8] =	ssyncset.done $0x0  }
0x63: {  	[sflag:s8] =	ssyncadd.s32 $0xFFFFC000  }
0x64: {  	[hbm4b:s12+s2] =	stream.linear.scatter [tilespmem:s7], [sflag:$0x2], $0x4000, $0x38;
	[tilespmem:$0x4400] =	vst v63  }
0x65: {  	_ =	swait.ge [sflag:s3], $0x4000  }
0x66: {  	[sflag:s3] =	ssyncset.done $0x0  }
0x67: {  	[sflag:s3] =	ssyncadd.s32 $0xFFFFC000  }
0x68: {  	[tilespmem:s7], [sflag:$0x1] =	stream.indirect.gather [hbm4b:s5+s6], $0x80, s13, s6, $0xb8;
	[tilespmem:$0x4400] =	vst v63  }
0x69: {  	_ =	swait.ge [sflag:s8], $0x4000  }
0x6a: {  	[sflag:s8] =	ssyncset.done $0x0  }
0x6b: {  	[sflag:s8] =	ssyncadd.s32 $0xFFFFC000  }
0x6c: {  	[hbm4b:s14+s2] =	stream.linear.scatter [tilespmem:s7], [sflag:$0x2], $0x4000, $0x38;
	[tilespmem:$0x4400] =	vst v63  }
0x6d: {  	_ =	swait.ge [sflag:s3], $0x4000  }
0x6e: {  	[sflag:s3] =	ssyncset.done $0x0  }
0x6f: {  	[sflag:s3] =	ssyncadd.s32 $0xFFFFC000  }
0x70: {  	[tilespmem:s7], [sflag:$0x1] =	stream.indirect.gather [hbm4b:s5+s6], $0x80, s15, s6, $0xb8;
	[tilespmem:$0x4400] =	vst v63  }
0x71: {  	_ =	swait.ge [sflag:s8], $0x4000  }
0x72: {  	[sflag:s8] =	ssyncset.done $0x0  }
0x73: {  	[sflag:s8] =	ssyncadd.s32 $0xFFFFC000  }
0x74: {  	[hbm4b:s16+s2] =	stream.linear.scatter [tilespmem:s7], [sflag:$0x2], $0x4000, $0x38;
	[tilespmem:$0x4400] =	vst v63  }
0x75: {  	_ =	swait.ge [sflag:s3], $0x4000  }
0x76: {  	[sflag:s3] =	ssyncset.done $0x0  }
0x77: {  	[sflag:s3] =	ssyncadd.s32 $0xFFFFC000  }
0x78: {  	[tilespmem:s7], [sflag:$0x1] =	stream.indirect.gather [hbm4b:s5+s6], $0x80, s17, s6, $0xb8;
	[tilespmem:$0x4400] =	vst v63  }
0x79: {  	_ =	swait.ge [sflag:s8], $0x4000  }
0x7a: {  	[sflag:s8] =	ssyncset.done $0x0  }
0x7b: {  	[sflag:s8] =	ssyncadd.s32 $0xFFFFC000  }
0x7c: {  	[hbm4b:s18+s2] =	stream.linear.scatter [tilespmem:s7], [sflag:$0x2], $0x4000, $0x38;
	[tilespmem:$0x4400] =	vst v63  }
0x7d: {  	_ =	swait.ge [sflag:s3], $0x4000  }
0x7e: {  	[sflag:s3] =	ssyncset.done $0x0  }
0x7f: {  	[sflag:s3] =	ssyncadd.s32 $0xFFFFC000  }
0x80: {  	[tilespmem:s7], [sflag:$0x1] =	stream.indirect.gather [hbm4b:s5+s6], $0x80, s19, s6, $0xb8;
	[tilespmem:$0x4400] =	vst v63  }
0x81: {  	_ =	swait.ge [sflag:s8], $0x4000  }
0x82: {  	[sflag:s8] =	ssyncset.done $0x0  }
0x83: {  	[sflag:s8] =	ssyncadd.s32 $0xFFFFC000  }
0x84: {  	[hbm4b:s20+s2] =	stream.linear.scatter [tilespmem:s7], [sflag:$0x2], $0x4000, $0x38;
	[tilespmem:$0x4400] =	vst v63  }
0x85: {  	_ =	swait.ge [sflag:s3], $0x4000  }
0x86: {  	[sflag:s3] =	ssyncset.done $0x0  }
0x87: {  	[sflag:s3] =	ssyncadd.s32 $0xFFFFC000  }
0x88: {  	[tilespmem:s7], [sflag:$0x1] =	stream.indirect.gather [hbm4b:s5+s6], $0x80, s21, s6, $0xb8;
	[tilespmem:$0x4400] =	vst v63  }
0x89: {  	_ =	swait.ge [sflag:s8], $0x4000  }
.Ltmp1:
0x8a: {  	[sflag:s8] =	ssyncset.done $0x0;
	(pc) =	sbr.rel @p0 .LBB2_1-.Ltmp1, $4  }
0x8b: {  	[sflag:s8] =	ssyncadd.s32 $0xFFFFC000  }
0x8c: {  	[hbm4b:s22+s2] =	stream.linear.scatter [tilespmem:s7], [sflag:$0x2], $0x4000, $0x38;
	[tilespmem:$0x4400] =	vst v63  }
0x8d: {  	_ =	swait.ge [sflag:s3], $0x4000  }
0x8e: {  	[sflag:s3] =	ssyncset.done $0x0  }
.LBB2_2:
0x8f: {  	[sflag:s3] =	ssyncadd.s32 $0xFFFFC000  }
0x90: {  	_ =	sfence.sel $0x180000  }
0x91: {  	[bflag:$0x0] =	sbarrier.arrive $0xFFFF  }
0x92: {  	p0 =	sne.s32 s0, $0x0;
	_ =	strace $0x90000050  }
0x93: {  	s0 =	sadd.s32 @!p0 $0x100000, s1;
	[bflag:$0x2] =	sbarrier.arrive $0xFFFF  }
0x94: {  	[sflag:s0] =	ssyncadd.tile.s32 @!p0 $0x1;
	_ =	shalt  }
.Lfunc_end2:
_tile_overlayer_lowered:
.L_overlay_start_2:
0x95: {  	(tag) =	ssettag $0x2  }
0x96: {  	s0 =	rddreg [dreg:$0x0];
	s2 =	stileid.u32  }
0x97: {  	s1 =	rddreg [dreg:$0x1];
	p0 =	sne.s32 s2, $0x0  }
0x98: {  	s3 =	rddreg [dreg:$0x2];
	[bflag:$0x3] =	sbarrier.arrive $0xFFFF;
	s2 =	simm.s32 @!p0 $0x1C02  }
0x99: {  	[timem:s3], [sflag:s2] =	dma.local @!p0 [hbm:s0], s1  }
0x9a: {  	s0 =	simm.s32 @!p0 $0x2  }
0x9b: {  	_ =	swait.ge @!p0 [sflag:s0], s1  }
0x9c: {  	s1 =	ssub.s32 @!p0 $0x0, s1;
	[sflag:s0] =	ssyncset.done @!p0 $0x0  }
0x9d: {  	[sflag:s0] =	ssyncadd.s32 @!p0 s1  }
0x9e: {  	[bflag:$0x3] =	sbarrier.arrive $0xFFFF  }
0x9f: {  	_ =	shalt  }

// kernel: kernel.33.cloned.1.call-start
scs
__scs_entry_jumppad:
0x0: {  	(pc) =	sbr.rel $0x88, $3  }
0x1: {  	(tag) =	ssettag $0x0;
	lr =	simm.s32 $0x1  }
0x2: {  	[smem:$0x3F8F] =	sst lr;
	_ =	strace $0xD0000000  }
0x3: {  	_ = 	snop  }
0x4: {  	_ = 	snop  }
0x5: {  	_ = 	snop  }
0x6: {  	_ = 	snop  }
0x7: {  	_ = 	snop  }
__scs_overlays_trampoline_lowered:
0x8: {  	[smem:$0x3F9E] =	sst s0  }
0x9: {  	[smem:$0x3F9F] =	sst s1  }
0xa: {  	[smem:$0x3FA0] =	sst s2  }
0xb: {  	[smem:$0x3FA1] =	sst s3  }
0xc: {  	[smem:$0x3FA2] =	sst s4  }
0xd: {  	[smem:$0x3FA3] =	sst s5  }
0xe: {  	[smem:$0x3FA4] =	sst s6  }
0xf: {  	[smem:$0x3FA5] =	sst s7  }
0x10: {  	[smem:$0x3FA6] =	sst s8  }
0x11: {  	[smem:$0x3FA7] =	sst s9;
	s0 =	simm.s32 @!p0 $0x0  }
0x12: {  	s1 =	sld [smem:$0x3F8D];
	s0 =	simm.s32 @p0 $0x1  }
0x13: {  	[smem:$0x3FA8] =	sst s0;
	s0 =	simm.s32 @!p1 $0x0  }
0x14: {  	s2 =	sld [smem:$0x3F8C];
	s0 =	simm.s32 @p1 $0x1  }
0x15: {  	[smem:$0x3FA9] =	sst s0;
	s0 =	simm.s32 @!p2 $0x0  }
0x16: {  	s3 =	sld [smem:$0x3FDB];
	s0 =	simm.s32 @p2 $0x1  }
0x17: {  	s4 =	simm.s32 $0x1BF5;
	[smem:$0x3FAB] =	sst s0  }
0x18: {  	s0 =	sld [smem:$0x3F8E];
	_ =	swait.ge [sflag:s4], $0x0  }
0x19: {  	s7 =	sld [smem:$0x3F8F]  }
0x1a: {  	s8 =	sadd.s32 $0xFFFFE003, lr  }
0x1b: {  	s9 =	sadd.s32 $0xFFFFFEF7, lr;
	s5 =	simm.s32 $0xFFFFFFFF;
	p2 =	slt.u32 s8, $0xFFFFF086  }
0x1c: {  	p1 =	slt.u32 s9, $0xF7A;
	s5 =	simm.s32 @!p2 $0x0  }
0x1d: {  	s5 =	simm.s32 @p1 $0x1;
	p0 =	seq.s32 s7, s2  }
0x1e: {  	s7 =	smul.u32 @!p0 $0xF7A, s2;
	p2 =	seq.s32 @!p0 s5, $0x0  }
0x1f: {  	s9 =	smul.u32 $0xF7A, s1;
	s8 =	simm.s32 @!p0 $0x1BF5;
	p2 =	por !p2, p0  }
0x20: {  	[sflag:s8] =	ssyncset.s32 @!p0 $0xFFFFF086;
	s6 =	sadd.s32 @!p0 s3, s7;
	s7 =	simm.s32 @!p0 $0x108  }
0x21: {  	s3 =	sadd.s32 s3, s9;
	s6 =	sadd.s32 @!p0 $0x88, s6;
	s7 =	simm.s32 @p2 $0x1082  }
0x22: {  	[simem:s7], [sflag:s8] =	dma.local @!p0 [hbm:s6], $0xF7A  }
0x23: {  	s9 =	sor.u32 $0xD0000000, s2;
	s6 =	simm.s32 $0x108;
	_ =	swait.ge @!p0 [sflag:s8], $0x0  }
0x24: {  	s3 =	sadd.s32 $0x88, s3;
	s6 =	simm.s32 @!p1 $0x1082;
	[sflag:s4] =	ssyncset.s32 $0xFFFFF086  }
0x25: {  	[simem:s6], [sflag:s4] =	dma.local [hbm:s3], $0xF7A  }
0x26: {  	[smem:$0x3F8F] =	sst s1;
	(tag) =	ssettag s2;
	_ =	strace s9  }
0x27: {  	s1 =	sld [smem:$0x3F9F]  }
0x28: {  	s2 =	sld [smem:$0x3FA0]  }
0x29: {  	s4 =	sld [smem:$0x3FA2]  }
0x2a: {  	p0 =	seq.s32 s5, $0x0;
	s5 =	sld [smem:$0x3FA3]  }
0x2b: {  	s6 =	sld [smem:$0x3FA4]  }
0x2c: {  	s7 =	sld [smem:$0x3FA5]  }
0x2d: {  	s3 =	simm.s32 $0x108;
	s8 =	sld [smem:$0x3FA6]  }
0x2e: {  	s3 =	simm.s32 @!p0 $0x1082;
	s9 =	sld [smem:$0x3FA7]  }
0x2f: {  	lr =	sadd.s32 s0, s3;
	s0 =	sld [smem:$0x3F9E]  }
0x30: {  	s3 =	sld [smem:$0x3FA1]  }
0x31: {  	[smem:$0x3FAA] =	sst s10  }
0x32: {  	s10 =	sld [smem:$0x3FA8];
	_ =	sdelay $0x3  }
0x33: {  	p0 =	seq.s32 s10, $0x1;
	s10 =	sld [smem:$0x3FAA];
	_ =	sdelay $0x3  }
0x34: {  	[smem:$0x3FAA] =	sst s10  }
0x35: {  	s10 =	sld [smem:$0x3FA9];
	_ =	sdelay $0x3  }
0x36: {  	p1 =	seq.s32 s10, $0x1;
	s10 =	sld [smem:$0x3FAA];
	_ =	sdelay $0x3  }
0x37: {  	[smem:$0x3FAA] =	sst s10  }
0x38: {  	s10 =	sld [smem:$0x3FAB]  }
0x39: {  	_ = 	snop;
	(pc) =	sbr.ind lr, $3  }
0x3a: {  	_ = 	snop  }
0x3b: {  	_ = 	snop  }
0x3c: {  	p2 =	seq.s32 s10, $0x1;
	s10 =	sld [smem:$0x3FAA]  }
0x3d: {  	_ =	shalt  }
0x3e: {  	_ =	shalt  }
0x3f: {  	_ =	shalt  }
0x40: {  	_ =	shalt  }
0x41: {  	_ =	shalt  }
0x42: {  	_ =	shalt  }
0x43: {  	_ =	shalt  }
0x44: {  	_ =	shalt  }
0x45: {  	_ =	shalt  }
0x46: {  	_ =	shalt  }
0x47: {  	_ =	shalt  }
0x48: {  	_ =	shalt  }
0x49: {  	_ =	shalt  }
0x4a: {  	_ =	shalt  }
0x4b: {  	_ =	shalt  }
0x4c: {  	_ =	shalt  }
0x4d: {  	_ =	shalt  }
0x4e: {  	_ =	shalt  }
0x4f: {  	_ =	shalt  }
0x50: {  	_ =	shalt  }
0x51: {  	_ =	shalt  }
0x52: {  	_ =	shalt  }
0x53: {  	_ =	shalt  }
0x54: {  	_ =	shalt  }
0x55: {  	_ =	shalt  }
0x56: {  	_ =	shalt  }
0x57: {  	_ =	shalt  }
0x58: {  	_ =	shalt  }
0x59: {  	_ =	shalt  }
0x5a: {  	_ =	shalt  }
0x5b: {  	_ =	shalt  }
0x5c: {  	_ =	shalt  }
0x5d: {  	_ =	shalt  }
0x5e: {  	_ =	shalt  }
0x5f: {  	_ =	shalt  }
0x60: {  	_ =	shalt  }
0x61: {  	_ =	shalt  }
0x62: {  	_ =	shalt  }
0x63: {  	_ =	shalt  }
0x64: {  	_ =	shalt  }
0x65: {  	_ =	shalt  }
0x66: {  	_ =	shalt  }
0x67: {  	_ =	shalt  }
0x68: {  	_ =	shalt  }
0x69: {  	_ =	shalt  }
0x6a: {  	_ =	shalt  }
0x6b: {  	_ =	shalt  }
0x6c: {  	_ =	shalt  }
0x6d: {  	_ =	shalt  }
0x6e: {  	_ =	shalt  }
0x6f: {  	_ =	shalt  }
0x70: {  	_ =	shalt  }
0x71: {  	_ =	shalt  }
0x72: {  	_ =	shalt  }
0x73: {  	_ =	shalt  }
0x74: {  	_ =	shalt  }
0x75: {  	_ =	shalt  }
0x76: {  	_ =	shalt  }
0x77: {  	_ =	shalt  }
0x78: {  	_ =	shalt  }
0x79: {  	_ =	shalt  }
0x7a: {  	_ =	shalt  }
0x7b: {  	_ =	shalt  }
0x7c: {  	_ =	shalt  }
0x7d: {  	_ =	shalt  }
0x7e: {  	_ =	shalt  }
0x7f: {  	_ =	shalt  }
0x80: {  	_ =	shalt  }
0x81: {  	_ =	shalt  }
0x82: {  	_ =	shalt  }
0x83: {  	_ =	shalt  }
0x84: {  	_ =	shalt  }
0x85: {  	_ =	shalt  }
0x86: {  	_ =	shalt  }
0x87: {  	_ =	shalt  }
.Lfunc_end0:
.L_simem_size_0:
called_computation.3_lowered:
.L_overlay_start_0:
0x88: {  	s2 =	sld [smem:$0x3FD9]  }
0x89: {  	s3 =	sld [smem:$0x3FFE];
	_ =	sdelay $0x1  }
0x8a: {  	s1 =	srdreg.scid  }
0x8b: {  	s0 =	sand.u32 $0x1, s1  }
0x8c: {  	s16 =	sshll.u32 s0, $0xA;
	s2 =	sadd.s32 s3, s2  }
0x8d: {  	s2 =	sadd.s32 s2, s16  }
0x8e: {  	[smem:$0x3FB6] =	sst s2  }
0x8f: {  	_ = 	snop  }
0x90: {  	(tm) =	ssettm $0x1  }
0x91: {  	s17 =	sld [smem:$0x3FFB];
	_ =	sdelay $0x3  }
0x92: {  	_ =	strace s17  }
0x93: {  	s2 =	sld [smem:$0x3FFC];
	_ =	sdelay $0x3  }
0x94: {  	_ =	strace s2  }
0x95: {  	s2 =	sld [smem:$0x3FFD];
	_ =	sdelay $0x3  }
0x96: {  	_ =	strace s2  }
0x97: {  	_ =	strace $0x8FFFFFFF  }
0x98: {  	s18 =	sld [smem:$0x3FDB];
	_ =	sdelay $0x1  }
0x99: {  	s19 =	simm.s32 $_scs_section_size  }
0x9a: {  	s4 =	simm.s32 $_size__tile_overlayer_lowered;
	s5 =	simm.s32 $_tile_overlayer_lowered  }
0x9b: {  	s22 =	simm.s32 $0x1BFF;
	s21 =	sshll.u32 s5, $0x1;
	s2 =	sadd.s32 s19, s18  }
0x9c: {  	s6 =	simm.s32 $0x0;
	s20 =	sshll.u32 s4, $0x1;
	s4 =	sadd.s32 s21, s2  }
0x9d: {  	[timem:s6], [sflag:s22] =	dma.local [hbm:s4], s20  }
0x9e: {  	_ =	swait.ge [sflag:s22], s20  }
0x9f: {  	s3 =	ssub.s32 $0x0, s20;
	[sflag:s22] =	ssyncset.done $0x0  }
0xa0: {  	[sflag:s22] =	ssyncadd.s32 s3;
	_ =	sdelay $0x1  }
0xa1: {  	s23 =	simm.s32 $0x1B8B  }
0xa2: {  	_ =	swait.ge [sflag:s23], $0x1  }
0xa3: {  	[sflag:s23] =	ssyncset.done $0x0  }
0xa4: {  	s25 =	simm.s32 $0x1B8E;
	s24 =	sld [smem:$0x3FFE];
	[sflag:s23] =	ssyncadd.s32 $0xFFFFFFFF  }
0xa5: {  	s26 =	simm.s32 $execute0_lowered;
	[smem:$0x3FD2] =	sst s25  }
0xa6: {  	s4 =	sshll.u32 s26, $0x1;
	_ =	strace $0x8000004C;
	[dreg:$0x1] =	wrdreg $0xFFFFFFFF  }
0xa7: {  	s28 =	simm.s32 $_size_execute0_lowered;
	s2 =	sadd.s32 s2, s4;
	[dreg:$0x0] =	wrdreg $0x0  }
0xa8: {  	s4 =	sshll.u32 s28, $0x1;
	[dreg:$0x2] =	wrdreg s2  }
0xa9: {  	[dreg:$0x3] =	wrdreg s4  }
0xaa: {  	[dreg:$0x4] =	wrdreg $0xC0  }
0xab: {  	_ =	task [dreg:s6], $0x5FFFF  }
0xac: {  	[dreg:$0x1] =	wrdreg $0xFFFFFFFF  }
0xad: {  	[dreg:$0x0] =	wrdreg $0x60  }
0xae: {  	[dreg:$0x2] =	wrdreg s24  }
0xaf: {  	[dreg:$0x3] =	wrdreg $0xA  }
0xb0: {  	_ =	task.clear_ibuf [dreg:s6], $0x4FFFF;
	_ =	strace $0x9000004C  }
0xb1: {  	s29 =	simm.s32 $0xA;
	_ =	strace $0x8000004E  }
0xb2: {  	_ =	swait.ge [sflag:s29], $0x1  }
0xb3: {  	[sflag:s29] =	ssyncadd.s32 $0xFFFFFFFF  }
0xb4: {  	_ =	strace $0x9000004E  }
0xb5: {  	_ =	sfence  }
0xb6: {  	s30 =	sld [smem:$0x0];
	_ =	sdelay $0x2  }
0xb7: {  	s31 =	sshll.u32 s1, $0xD;
	s1 =	sshrl.u32 s1, $0x2  }
0xb8: {  	s3 =	sand.u32 $0x4000, s31;
	s1 =	sadd.s32 s1, s30  }
0xb9: {  	s0 =	sor.u32 s3, s0;
	s1 =	sshll.u32 s1, $0x11  }
0xba: {  	s0 =	sor.u32 s1, s0  }
0xbb: {  	s0 =	sadd.s32 $0x8F2B, s0  }
0xbc: {  	[sflag:s0] =	ssyncadd.remote.s32 $0x1  }
0xbd: {  	_ =	sfence.sel $0xFFFF  }
0xbe: {  	[dreg:$0x0] =	wrdreg $0xFFFFFFFF;
	(pc) =	sbr.abs _section_cstart, $3  }
0xbf: {  	[dreg:$0x1] =	wrdreg $0xFFFFFFFF  }
0xc0: {  	_ =	task.clear_ibuf [dreg:s6], $0x2FFFF;
	_ =	strace $0x9FFFFFFF  }
0xc1: {  	(tm) =	ssettm $0x7FFFFFFF  }
tec
execute0_lowered:
.L_overlay_start_1:
0x0: {  	(tag) =	ssettag $0x1  }
0x1: {  	s1 =	srdreg.scid  }
0x2: {  	s0 =	stileid.u32;
	s21 =	sand.u32 $0x1, s1  }
0x3: {  	s31 =	sshll.u32 s0, $0xB;
	s2 =	sshll.u32 s21, $0xA  }
0x4: {  	s9 =	rddreg [dreg:$0x0];
	s10 =	sor.u32 s2, s31  }
0x5: {  	s1 =	rddreg [dreg:$0x1];
	s2 =	simm.s32 $0x0;
	s3 =	sshrl.u32 s10, $0x3  }
0x6: {  	[smem:$0x7FF] =	sst s2;
	s3 =	sadd.s32 s3, s9  }
0x7: {  	_ =	strace $0x8000004D;
	s4 =	sadd.s32 $0x7E00, s3;
	s3 =	simm.s32 $0x2  }
0x8: {  	[tilespmem:s2], [sflag:$0x2] =	stream.linear.gather [hbm4b:s4+s2], $0x400, $0x38;
	[tilespmem:$0x4400] =	vst v63  }
0x9: {  	_ =	swait.ge [sflag:s3], $0x400  }
0xa: {  	s6 =	simm.s32 $0x80;
	s7 =	simm.s32 $0x400;
	[sflag:s3] =	ssyncset.done $0x0  }
0xb: {  	s8 =	simm.s32 $0x1;
	s5 =	sadd.s32 $0xDE00, s9;
	[sflag:s3] =	ssyncadd.s32 $0xFFFFFC00  }
0xc: {  	[tilespmem:s7], [sflag:$0x1] =	stream.indirect.gather [hbm4b:s5+s6], $0x80, s2, s6, $0xb8;
	[tilespmem:$0x4400] =	vst v63  }
0xd: {  	s10 =	sshll.u32 s10, $0x4;
	_ =	swait.ge [sflag:s8], $0x4000  }
0xe: {  	s22 =	sadd.s32 s10, s9;
	[sflag:s8] =	ssyncset.done $0x0  }
0xf: {  	s9 =	sadd.s32 $0x2DE00, s22;
	[sflag:s8] =	ssyncadd.s32 $0xFFFFC000  }
0x10: {  	[hbm4b:s9+s2] =	stream.linear.scatter [tilespmem:s7], [sflag:$0x2], $0x4000, $0x38;
	[tilespmem:$0x4400] =	vst v63  }
0x11: {  	_ =	swait.ge [sflag:s3], $0x4000  }
0x12: {  	[sflag:s3] =	ssyncset.done $0x0  }
0x13: {  	[sflag:s3] =	ssyncadd.s32 $0xFFFFC000  }
0x14: {  	[tilespmem:s7], [sflag:$0x1] =	stream.indirect.gather [hbm4b:s5+s6], $0x80, s6, s6, $0xb8;
	[tilespmem:$0x4400] =	vst v63  }
0x15: {  	_ =	swait.ge [sflag:s8], $0x4000  }
0x16: {  	[sflag:s8] =	ssyncset.done $0x0  }
0x17: {  	s10 =	sadd.s32 $0x2E600, s22;
	[sflag:s8] =	ssyncadd.s32 $0xFFFFC000  }
0x18: {  	[hbm4b:s10+s2] =	stream.linear.scatter [tilespmem:s7], [sflag:$0x2], $0x4000, $0x38;
	[tilespmem:$0x4400] =	vst v63  }
0x19: {  	_ =	swait.ge [sflag:s3], $0x4000  }
0x1a: {  	[sflag:s3] =	ssyncset.done $0x0  }
0x1b: {  	s11 =	simm.s32 $0x100;
	[sflag:s3] =	ssyncadd.s32 $0xFFFFC000  }
0x1c: {  	[tilespmem:s7], [sflag:$0x1] =	stream.indirect.gather [hbm4b:s5+s6], $0x80, s11, s6, $0xb8;
	[tilespmem:$0x4400] =	vst v63  }
0x1d: {  	_ =	swait.ge [sflag:s8], $0x4000  }
0x1e: {  	[sflag:s8] =	ssyncset.done $0x0  }
0x1f: {  	s12 =	sadd.s32 $0x2EE00, s22;
	[sflag:s8] =	ssyncadd.s32 $0xFFFFC000  }
0x20: {  	[hbm4b:s12+s2] =	stream.linear.scatter [tilespmem:s7], [sflag:$0x2], $0x4000, $0x38;
	[tilespmem:$0x4400] =	vst v63  }
0x21: {  	_ =	swait.ge [sflag:s3], $0x4000  }
0x22: {  	[sflag:s3] =	ssyncset.done $0x0  }
0x23: {  	s13 =	simm.s32 $0x180;
	[sflag:s3] =	ssyncadd.s32 $0xFFFFC000  }
0x24: {  	[tilespmem:s7], [sflag:$0x1] =	stream.indirect.gather [hbm4b:s5+s6], $0x80, s13, s6, $0xb8;
	[tilespmem:$0x4400] =	vst v63  }
0x25: {  	_ =	swait.ge [sflag:s8], $0x4000  }
0x26: {  	[sflag:s8] =	ssyncset.done $0x0  }
0x27: {  	s14 =	sadd.s32 $0x2F600, s22;
	[sflag:s8] =	ssyncadd.s32 $0xFFFFC000  }
0x28: {  	[hbm4b:s14+s2] =	stream.linear.scatter [tilespmem:s7], [sflag:$0x2], $0x4000, $0x38;
	[tilespmem:$0x4400] =	vst v63  }
0x29: {  	_ =	swait.ge [sflag:s3], $0x4000  }
0x2a: {  	[sflag:s3] =	ssyncset.done $0x0  }
0x2b: {  	s15 =	simm.s32 $0x200;
	[sflag:s3] =	ssyncadd.s32 $0xFFFFC000  }
0x2c: {  	[tilespmem:s7], [sflag:$0x1] =	stream.indirect.gather [hbm4b:s5+s6], $0x80, s15, s6, $0xb8;
	[tilespmem:$0x4400] =	vst v63  }
0x2d: {  	_ =	swait.ge [sflag:s8], $0x4000  }
0x2e: {  	[sflag:s8] =	ssyncset.done $0x0  }
0x2f: {  	s16 =	sadd.s32 $0x2FE00, s22;
	[sflag:s8] =	ssyncadd.s32 $0xFFFFC000  }
0x30: {  	[hbm4b:s16+s2] =	stream.linear.scatter [tilespmem:s7], [sflag:$0x2], $0x4000, $0x38;
	[tilespmem:$0x4400] =	vst v63  }
0x31: {  	_ =	swait.ge [sflag:s3], $0x4000  }
0x32: {  	[sflag:s3] =	ssyncset.done $0x0  }
0x33: {  	s17 =	simm.s32 $0x280;
	[sflag:s3] =	ssyncadd.s32 $0xFFFFC000  }
0x34: {  	[tilespmem:s7], [sflag:$0x1] =	stream.indirect.gather [hbm4b:s5+s6], $0x80, s17, s6, $0xb8;
	[tilespmem:$0x4400] =	vst v63  }
0x35: {  	_ =	swait.ge [sflag:s8], $0x4000  }
0x36: {  	[sflag:s8] =	ssyncset.done $0x0  }
0x37: {  	s18 =	sadd.s32 $0x30600, s22;
	[sflag:s8] =	ssyncadd.s32 $0xFFFFC000  }
0x38: {  	[hbm4b:s18+s2] =	stream.linear.scatter [tilespmem:s7], [sflag:$0x2], $0x4000, $0x38;
	[tilespmem:$0x4400] =	vst v63  }
0x39: {  	_ =	swait.ge [sflag:s3], $0x4000  }
0x3a: {  	[sflag:s3] =	ssyncset.done $0x0  }
0x3b: {  	s19 =	simm.s32 $0x300;
	[sflag:s3] =	ssyncadd.s32 $0xFFFFC000  }
0x3c: {  	[tilespmem:s7], [sflag:$0x1] =	stream.indirect.gather [hbm4b:s5+s6], $0x80, s19, s6, $0xb8;
	[tilespmem:$0x4400] =	vst v63  }
0x3d: {  	_ =	swait.ge [sflag:s8], $0x4000  }
0x3e: {  	[sflag:s8] =	ssyncset.done $0x0  }
0x3f: {  	s23 =	ssub.s32 $0x2, s21;
	s20 =	sadd.s32 $0x30E00, s22;
	[sflag:s8] =	ssyncadd.s32 $0xFFFFC000  }
0x40: {  	[hbm4b:s20+s2] =	stream.linear.scatter [tilespmem:s7], [sflag:$0x2], $0x4000, $0x38;
	[tilespmem:$0x4400] =	vst v63  }
0x41: {  	s24 =	sshrl.u32 s23, $0x1;
	_ =	swait.ge [sflag:s3], $0x4000  }
0x42: {  	s23 =	ssub.s32 s23, s24;
	[sflag:s3] =	ssyncset.done $0x0  }
0x43: {  	s21 =	simm.s32 $0x380;
	s23 =	smax.u32 s23, $0x1;
	[sflag:s3] =	ssyncadd.s32 $0xFFFFC000  }
0x44: {  	[tilespmem:s7], [sflag:$0x1] =	stream.indirect.gather [hbm4b:s5+s6], $0x80, s21, s6, $0xb8;
	[tilespmem:$0x4400] =	vst v63  }
0x45: {  	p0 =	sne.s32 s23, $0x1;
	_ =	swait.ge [sflag:s8], $0x4000  }
.Ltmp0:
0x46: {  	[sflag:s8] =	ssyncset.done $0x0;
	(pc) =	sbr.rel @!p0 .LBB2_2-.Ltmp0, $4  }
0x47: {  	s22 =	sadd.s32 $0x31600, s22;
	[sflag:s8] =	ssyncadd.s32 $0xFFFFC000  }
0x48: {  	[hbm4b:s22+s2] =	stream.linear.scatter [tilespmem:s7], [sflag:$0x2], $0x4000, $0x38;
	[tilespmem:$0x4400] =	vst v63  }
0x49: {  	_ =	swait.ge [sflag:s3], $0x4000  }
0x4a: {  	s23 =	sadd.s32 $0xFFFFFFFF, s23;
	[sflag:s3] =	ssyncset.done $0x0  }
.LBB2_1:
0x4b: {  	p0 =	sne.s32 s23, $0x1;
	s23 =	sadd.s32 $0xFFFFFFFF, s23;
	[sflag:s3] =	ssyncadd.s32 $0xFFFFC000  }
0x4c: {  	[tilespmem:s2], [sflag:$0x2] =	stream.linear.gather [hbm4b:s4+s2], $0x400, $0x38;
	[tilespmem:$0x4400] =	vst v63  }
0x4d: {  	_ =	swait.ge [sflag:s3], $0x400  }
0x4e: {  	[sflag:s3] =	ssyncset.done $0x0  }
0x4f: {  	[sflag:s3] =	ssyncadd.s32 $0xFFFFFC00  }
0x50: {  	[tilespmem:s7], [sflag:$0x1] =	stream.indirect.gather [hbm4b:s5+s6], $0x80, s2, s6, $0xb8;
	[tilespmem:$0x4400] =	vst v63  }
0x51: {  	_ =	swait.ge [sflag:s8], $0x4000  }
0x52: {  	[sflag:s8] =	ssyncset.done $0x0  }
0x53: {  	[sflag:s8] =	ssyncadd.s32 $0xFFFFC000  }
0x54: {  	[hbm4b:s9+s2] =	stream.linear.scatter [tilespmem:s7], [sflag:$0x2], $0x4000, $0x38;
	[tilespmem:$0x4400] =	vst v63  }
0x55: {  	_ =	swait.ge [sflag:s3], $0x4000  }
0x56: {  	[sflag:s3] =	ssyncset.done $0x0  }
0x57: {  	[sflag:s3] =	ssyncadd.s32 $0xFFFFC000  }
0x58: {  	[tilespmem:s7], [sflag:$0x1] =	stream.indirect.gather [hbm4b:s5+s6], $0x80, s6, s6, $0xb8;
	[tilespmem:$0x4400] =	vst v63  }
0x59: {  	_ =	swait.ge [sflag:s8], $0x4000  }
0x5a: {  	[sflag:s8] =	ssyncset.done $0x0  }
0x5b: {  	[sflag:s8] =	ssyncadd.s32 $0xFFFFC000  }
0x5c: {  	[hbm4b:s10+s2] =	stream.linear.scatter [tilespmem:s7], [sflag:$0x2], $0x4000, $0x38;
	[tilespmem:$0x4400] =	vst v63  }
0x5d: {  	_ =	swait.ge [sflag:s3], $0x4000  }
0x5e: {  	[sflag:s3] =	ssyncset.done $0x0  }
0x5f: {  	[sflag:s3] =	ssyncadd.s32 $0xFFFFC000  }
0x60: {  	[tilespmem:s7], [sflag:$0x1] =	stream.indirect.gather [hbm4b:s5+s6], $0x80, s11, s6, $0xb8;
	[tilespmem:$0x4400] =	vst v63  }
0x61: {  	_ =	swait.ge [sflag:s8], $0x4000  }
0x62: {  	[sflag:s8] =	ssyncset.done $0x0  }
0x63: {  	[sflag:s8] =	ssyncadd.s32 $0xFFFFC000  }
0x64: {  	[hbm4b:s12+s2] =	stream.linear.scatter [tilespmem:s7], [sflag:$0x2], $0x4000, $0x38;
	[tilespmem:$0x4400] =	vst v63  }
0x65: {  	_ =	swait.ge [sflag:s3], $0x4000  }
0x66: {  	[sflag:s3] =	ssyncset.done $0x0  }
0x67: {  	[sflag:s3] =	ssyncadd.s32 $0xFFFFC000  }
0x68: {  	[tilespmem:s7], [sflag:$0x1] =	stream.indirect.gather [hbm4b:s5+s6], $0x80, s13, s6, $0xb8;
	[tilespmem:$0x4400] =	vst v63  }
0x69: {  	_ =	swait.ge [sflag:s8], $0x4000  }
0x6a: {  	[sflag:s8] =	ssyncset.done $0x0  }
0x6b: {  	[sflag:s8] =	ssyncadd.s32 $0xFFFFC000  }
0x6c: {  	[hbm4b:s14+s2] =	stream.linear.scatter [tilespmem:s7], [sflag:$0x2], $0x4000, $0x38;
	[tilespmem:$0x4400] =	vst v63  }
0x6d: {  	_ =	swait.ge [sflag:s3], $0x4000  }
0x6e: {  	[sflag:s3] =	ssyncset.done $0x0  }
0x6f: {  	[sflag:s3] =	ssyncadd.s32 $0xFFFFC000  }
0x70: {  	[tilespmem:s7], [sflag:$0x1] =	stream.indirect.gather [hbm4b:s5+s6], $0x80, s15, s6, $0xb8;
	[tilespmem:$0x4400] =	vst v63  }
0x71: {  	_ =	swait.ge [sflag:s8], $0x4000  }
0x72: {  	[sflag:s8] =	ssyncset.done $0x0  }
0x73: {  	[sflag:s8] =	ssyncadd.s32 $0xFFFFC000  }
0x74: {  	[hbm4b:s16+s2] =	stream.linear.scatter [tilespmem:s7], [sflag:$0x2], $0x4000, $0x38;
	[tilespmem:$0x4400] =	vst v63  }
0x75: {  	_ =	swait.ge [sflag:s3], $0x4000  }
0x76: {  	[sflag:s3] =	ssyncset.done $0x0  }
0x77: {  	[sflag:s3] =	ssyncadd.s32 $0xFFFFC000  }
0x78: {  	[tilespmem:s7], [sflag:$0x1] =	stream.indirect.gather [hbm4b:s5+s6], $0x80, s17, s6, $0xb8;
	[tilespmem:$0x4400] =	vst v63  }
0x79: {  	_ =	swait.ge [sflag:s8], $0x4000  }
0x7a: {  	[sflag:s8] =	ssyncset.done $0x0  }
0x7b: {  	[sflag:s8] =	ssyncadd.s32 $0xFFFFC000  }
0x7c: {  	[hbm4b:s18+s2] =	stream.linear.scatter [tilespmem:s7], [sflag:$0x2], $0x4000, $0x38;
	[tilespmem:$0x4400] =	vst v63  }
0x7d: {  	_ =	swait.ge [sflag:s3], $0x4000  }
0x7e: {  	[sflag:s3] =	ssyncset.done $0x0  }
0x7f: {  	[sflag:s3] =	ssyncadd.s32 $0xFFFFC000  }
0x80: {  	[tilespmem:s7], [sflag:$0x1] =	stream.indirect.gather [hbm4b:s5+s6], $0x80, s19, s6, $0xb8;
	[tilespmem:$0x4400] =	vst v63  }
0x81: {  	_ =	swait.ge [sflag:s8], $0x4000  }
0x82: {  	[sflag:s8] =	ssyncset.done $0x0  }
0x83: {  	[sflag:s8] =	ssyncadd.s32 $0xFFFFC000  }
0x84: {  	[hbm4b:s20+s2] =	stream.linear.scatter [tilespmem:s7], [sflag:$0x2], $0x4000, $0x38;
	[tilespmem:$0x4400] =	vst v63  }
0x85: {  	_ =	swait.ge [sflag:s3], $0x4000  }
0x86: {  	[sflag:s3] =	ssyncset.done $0x0  }
0x87: {  	[sflag:s3] =	ssyncadd.s32 $0xFFFFC000  }
0x88: {  	[tilespmem:s7], [sflag:$0x1] =	stream.indirect.gather [hbm4b:s5+s6], $0x80, s21, s6, $0xb8;
	[tilespmem:$0x4400] =	vst v63  }
0x89: {  	_ =	swait.ge [sflag:s8], $0x4000  }
.Ltmp1:
0x8a: {  	[sflag:s8] =	ssyncset.done $0x0;
	(pc) =	sbr.rel @p0 .LBB2_1-.Ltmp1, $4  }
0x8b: {  	[sflag:s8] =	ssyncadd.s32 $0xFFFFC000  }
0x8c: {  	[hbm4b:s22+s2] =	stream.linear.scatter [tilespmem:s7], [sflag:$0x2], $0x4000, $0x38;
	[tilespmem:$0x4400] =	vst v63  }
0x8d: {  	_ =	swait.ge [sflag:s3], $0x4000  }
0x8e: {  	[sflag:s3] =	ssyncset.done $0x0  }
.LBB2_2:
0x8f: {  	[sflag:s3] =	ssyncadd.s32 $0xFFFFC000  }
0x90: {  	_ =	sfence.sel $0x180000  }
0x91: {  	[bflag:$0x0] =	sbarrier.arrive $0xFFFF  }
0x92: {  	p0 =	sne.s32 s0, $0x0;
	_ =	strace $0x9000004D  }
0x93: {  	s0 =	sadd.s32 @!p0 $0x100000, s1;
	[bflag:$0x2] =	sbarrier.arrive $0xFFFF  }
0x94: {  	[sflag:s0] =	ssyncadd.tile.s32 @!p0 $0x1;
	_ =	shalt  }
.Lfunc_end2:
_tile_overlayer_lowered:
.L_overlay_start_2:
0x95: {  	(tag) =	ssettag $0x2  }
0x96: {  	s0 =	rddreg [dreg:$0x0];
	s2 =	stileid.u32  }
0x97: {  	s1 =	rddreg [dreg:$0x1];
	p0 =	sne.s32 s2, $0x0  }
0x98: {  	s3 =	rddreg [dreg:$0x2];
	[bflag:$0x3] =	sbarrier.arrive $0xFFFF;
	s2 =	simm.s32 @!p0 $0x1C02  }
0x99: {  	[timem:s3], [sflag:s2] =	dma.local @!p0 [hbm:s0], s1  }
0x9a: {  	s0 =	simm.s32 @!p0 $0x2  }
0x9b: {  	_ =	swait.ge @!p0 [sflag:s0], s1  }
0x9c: {  	s1 =	ssub.s32 @!p0 $0x0, s1;
	[sflag:s0] =	ssyncset.done @!p0 $0x0  }
0x9d: {  	[sflag:s0] =	ssyncadd.s32 @!p0 s1  }
0x9e: {  	[bflag:$0x3] =	sbarrier.arrive $0xFFFF  }
0x9f: {  	_ =	shalt  }

// kernel: kernel.36.cloned.1.call-start
scs
__scs_entry_jumppad:
0x0: {  	(pc) =	sbr.rel $0x88, $3  }
0x1: {  	(tag) =	ssettag $0x0;
	lr =	simm.s32 $0x1  }
0x2: {  	[smem:$0x3F8F] =	sst lr;
	_ =	strace $0xD0000000  }
0x3: {  	_ = 	snop  }
0x4: {  	_ = 	snop  }
0x5: {  	_ = 	snop  }
0x6: {  	_ = 	snop  }
0x7: {  	_ = 	snop  }
__scs_overlays_trampoline_lowered:
0x8: {  	[smem:$0x3F9E] =	sst s0  }
0x9: {  	[smem:$0x3F9F] =	sst s1  }
0xa: {  	[smem:$0x3FA0] =	sst s2  }
0xb: {  	[smem:$0x3FA1] =	sst s3  }
0xc: {  	[smem:$0x3FA2] =	sst s4  }
0xd: {  	[smem:$0x3FA3] =	sst s5  }
0xe: {  	[smem:$0x3FA4] =	sst s6  }
0xf: {  	[smem:$0x3FA5] =	sst s7  }
0x10: {  	[smem:$0x3FA6] =	sst s8  }
0x11: {  	[smem:$0x3FA7] =	sst s9;
	s0 =	simm.s32 @!p0 $0x0  }
0x12: {  	s1 =	sld [smem:$0x3F8D];
	s0 =	simm.s32 @p0 $0x1  }
0x13: {  	[smem:$0x3FA8] =	sst s0;
	s0 =	simm.s32 @!p1 $0x0  }
0x14: {  	s2 =	sld [smem:$0x3F8C];
	s0 =	simm.s32 @p1 $0x1  }
0x15: {  	[smem:$0x3FA9] =	sst s0;
	s0 =	simm.s32 @!p2 $0x0  }
0x16: {  	s3 =	sld [smem:$0x3FDB];
	s0 =	simm.s32 @p2 $0x1  }
0x17: {  	s4 =	simm.s32 $0x1BF5;
	[smem:$0x3FAB] =	sst s0  }
0x18: {  	s0 =	sld [smem:$0x3F8E];
	_ =	swait.ge [sflag:s4], $0x0  }
0x19: {  	s7 =	sld [smem:$0x3F8F]  }
0x1a: {  	s8 =	sadd.s32 $0xFFFFE003, lr  }
0x1b: {  	s9 =	sadd.s32 $0xFFFFFEF7, lr;
	s5 =	simm.s32 $0xFFFFFFFF;
	p2 =	slt.u32 s8, $0xFFFFF086  }
0x1c: {  	p1 =	slt.u32 s9, $0xF7A;
	s5 =	simm.s32 @!p2 $0x0  }
0x1d: {  	s5 =	simm.s32 @p1 $0x1;
	p0 =	seq.s32 s7, s2  }
0x1e: {  	s7 =	smul.u32 @!p0 $0xF7A, s2;
	p2 =	seq.s32 @!p0 s5, $0x0  }
0x1f: {  	s9 =	smul.u32 $0xF7A, s1;
	s8 =	simm.s32 @!p0 $0x1BF5;
	p2 =	por !p2, p0  }
0x20: {  	[sflag:s8] =	ssyncset.s32 @!p0 $0xFFFFF086;
	s6 =	sadd.s32 @!p0 s3, s7;
	s7 =	simm.s32 @!p0 $0x108  }
0x21: {  	s3 =	sadd.s32 s3, s9;
	s6 =	sadd.s32 @!p0 $0x88, s6;
	s7 =	simm.s32 @p2 $0x1082  }
0x22: {  	[simem:s7], [sflag:s8] =	dma.local @!p0 [hbm:s6], $0xF7A  }
0x23: {  	s9 =	sor.u32 $0xD0000000, s2;
	s6 =	simm.s32 $0x108;
	_ =	swait.ge @!p0 [sflag:s8], $0x0  }
0x24: {  	s3 =	sadd.s32 $0x88, s3;
	s6 =	simm.s32 @!p1 $0x1082;
	[sflag:s4] =	ssyncset.s32 $0xFFFFF086  }
0x25: {  	[simem:s6], [sflag:s4] =	dma.local [hbm:s3], $0xF7A  }
0x26: {  	[smem:$0x3F8F] =	sst s1;
	(tag) =	ssettag s2;
	_ =	strace s9  }
0x27: {  	s1 =	sld [smem:$0x3F9F]  }
0x28: {  	s2 =	sld [smem:$0x3FA0]  }
0x29: {  	s4 =	sld [smem:$0x3FA2]  }
0x2a: {  	p0 =	seq.s32 s5, $0x0;
	s5 =	sld [smem:$0x3FA3]  }
0x2b: {  	s6 =	sld [smem:$0x3FA4]  }
0x2c: {  	s7 =	sld [smem:$0x3FA5]  }
0x2d: {  	s3 =	simm.s32 $0x108;
	s8 =	sld [smem:$0x3FA6]  }
0x2e: {  	s3 =	simm.s32 @!p0 $0x1082;
	s9 =	sld [smem:$0x3FA7]  }
0x2f: {  	lr =	sadd.s32 s0, s3;
	s0 =	sld [smem:$0x3F9E]  }
0x30: {  	s3 =	sld [smem:$0x3FA1]  }
0x31: {  	[smem:$0x3FAA] =	sst s10  }
0x32: {  	s10 =	sld [smem:$0x3FA8];
	_ =	sdelay $0x3  }
0x33: {  	p0 =	seq.s32 s10, $0x1;
	s10 =	sld [smem:$0x3FAA];
	_ =	sdelay $0x3  }
0x34: {  	[smem:$0x3FAA] =	sst s10  }
0x35: {  	s10 =	sld [smem:$0x3FA9];
	_ =	sdelay $0x3  }
0x36: {  	p1 =	seq.s32 s10, $0x1;
	s10 =	sld [smem:$0x3FAA];
	_ =	sdelay $0x3  }
0x37: {  	[smem:$0x3FAA] =	sst s10  }
0x38: {  	s10 =	sld [smem:$0x3FAB]  }
0x39: {  	_ = 	snop;
	(pc) =	sbr.ind lr, $3  }
0x3a: {  	_ = 	snop  }
0x3b: {  	_ = 	snop  }
0x3c: {  	p2 =	seq.s32 s10, $0x1;
	s10 =	sld [smem:$0x3FAA]  }
0x3d: {  	_ =	shalt  }
0x3e: {  	_ =	shalt  }
0x3f: {  	_ =	shalt  }
0x40: {  	_ =	shalt  }
0x41: {  	_ =	shalt  }
0x42: {  	_ =	shalt  }
0x43: {  	_ =	shalt  }
0x44: {  	_ =	shalt  }
0x45: {  	_ =	shalt  }
0x46: {  	_ =	shalt  }
0x47: {  	_ =	shalt  }
0x48: {  	_ =	shalt  }
0x49: {  	_ =	shalt  }
0x4a: {  	_ =	shalt  }
0x4b: {  	_ =	shalt  }
0x4c: {  	_ =	shalt  }
0x4d: {  	_ =	shalt  }
0x4e: {  	_ =	shalt  }
0x4f: {  	_ =	shalt  }
0x50: {  	_ =	shalt  }
0x51: {  	_ =	shalt  }
0x52: {  	_ =	shalt  }
0x53: {  	_ =	shalt  }
0x54: {  	_ =	shalt  }
0x55: {  	_ =	shalt  }
0x56: {  	_ =	shalt  }
0x57: {  	_ =	shalt  }
0x58: {  	_ =	shalt  }
0x59: {  	_ =	shalt  }
0x5a: {  	_ =	shalt  }
0x5b: {  	_ =	shalt  }
0x5c: {  	_ =	shalt  }
0x5d: {  	_ =	shalt  }
0x5e: {  	_ =	shalt  }
0x5f: {  	_ =	shalt  }
0x60: {  	_ =	shalt  }
0x61: {  	_ =	shalt  }
0x62: {  	_ =	shalt  }
0x63: {  	_ =	shalt  }
0x64: {  	_ =	shalt  }
0x65: {  	_ =	shalt  }
0x66: {  	_ =	shalt  }
0x67: {  	_ =	shalt  }
0x68: {  	_ =	shalt  }
0x69: {  	_ =	shalt  }
0x6a: {  	_ =	shalt  }
0x6b: {  	_ =	shalt  }
0x6c: {  	_ =	shalt  }
0x6d: {  	_ =	shalt  }
0x6e: {  	_ =	shalt  }
0x6f: {  	_ =	shalt  }
0x70: {  	_ =	shalt  }
0x71: {  	_ =	shalt  }
0x72: {  	_ =	shalt  }
0x73: {  	_ =	shalt  }
0x74: {  	_ =	shalt  }
0x75: {  	_ =	shalt  }
0x76: {  	_ =	shalt  }
0x77: {  	_ =	shalt  }
0x78: {  	_ =	shalt  }
0x79: {  	_ =	shalt  }
0x7a: {  	_ =	shalt  }
0x7b: {  	_ =	shalt  }
0x7c: {  	_ =	shalt  }
0x7d: {  	_ =	shalt  }
0x7e: {  	_ =	shalt  }
0x7f: {  	_ =	shalt  }
0x80: {  	_ =	shalt  }
0x81: {  	_ =	shalt  }
0x82: {  	_ =	shalt  }
0x83: {  	_ =	shalt  }
0x84: {  	_ =	shalt  }
0x85: {  	_ =	shalt  }
0x86: {  	_ =	shalt  }
0x87: {  	_ =	shalt  }
.Lfunc_end0:
.L_simem_size_0:
called_computation.4_lowered:
.L_overlay_start_0:
0x88: {  	s2 =	sld [smem:$0x3FD9]  }
0x89: {  	s3 =	sld [smem:$0x3FFE];
	_ =	sdelay $0x1  }
0x8a: {  	s1 =	srdreg.scid  }
0x8b: {  	s0 =	sand.u32 $0x1, s1  }
0x8c: {  	s17 =	sshll.u32 s0, $0xA;
	s2 =	sadd.s32 s3, s2  }
0x8d: {  	s2 =	sadd.s32 s2, s17  }
0x8e: {  	[smem:$0x3FB6] =	sst s2  }
0x8f: {  	_ = 	snop  }
0x90: {  	(tm) =	ssettm $0x1  }
0x91: {  	s18 =	sld [smem:$0x3FFB];
	_ =	sdelay $0x3  }
0x92: {  	_ =	strace s18  }
0x93: {  	s2 =	sld [smem:$0x3FFC];
	_ =	sdelay $0x3  }
0x94: {  	_ =	strace s2  }
0x95: {  	s2 =	sld [smem:$0x3FFD];
	_ =	sdelay $0x3  }
0x96: {  	_ =	strace s2  }
0x97: {  	_ =	strace $0x8FFFFFFF  }
0x98: {  	s19 =	sld [smem:$0x3FDB];
	_ =	sdelay $0x1  }
0x99: {  	s20 =	simm.s32 $_scs_section_size  }
0x9a: {  	s4 =	simm.s32 $_size__tile_overlayer_lowered;
	s5 =	simm.s32 $_tile_overlayer_lowered  }
0x9b: {  	s6 =	simm.s32 $0x1BFF;
	s21 =	sshll.u32 s5, $0x1;
	s3 =	sadd.s32 s20, s19  }
0x9c: {  	s22 =	simm.s32 $0x0;
	s4 =	sshll.u32 s4, $0x1;
	s5 =	sadd.s32 s21, s3  }
0x9d: {  	[timem:s22], [sflag:s6] =	dma.local [hbm:s5], s4  }
0x9e: {  	_ =	swait.ge [sflag:s6], s4  }
0x9f: {  	s4 =	ssub.s32 $0x0, s4;
	[sflag:s6] =	ssyncset.done $0x0  }
0xa0: {  	[sflag:s6] =	ssyncadd.s32 s4;
	_ =	sdelay $0x1  }
0xa1: {  	s23 =	simm.s32 $0x1B8B  }
0xa2: {  	_ =	swait.ge [sflag:s23], $0x1  }
0xa3: {  	[sflag:s23] =	ssyncset.done $0x0  }
0xa4: {  	[sflag:s23] =	ssyncadd.s32 $0xFFFFFFFF  }
0xa5: {  	s4 =	sld [smem:$0x0]  }
0xa6: {  	s5 =	sand.u32 $0xFFFFFFFE, s1  }
0xa7: {  	p0 =	sne.s32 s1, s5  }
0xa8: {  	s5 =	sshll.u32 @p0 s5, $0xE  }
0xa9: {  	s5 =	sadd.s32 @p0 $0x11B8D, s5;
	s6 =	sshll.u32 @p0 s4, $0x11  }
0xaa: {  	s5 =	sor.u32 @p0 s6, s5  }
0xab: {  	[sflag:s5] =	ssyncadd.remote.s32 @p0 $0x1;
	_ =	sdelay $0x1  }
0xac: {  	s5 =	simm.s32 @p0 $0x1B8D  }
0xad: {  	_ =	swait.eq @p0 [sflag:s5], $0x1  }
0xae: {  	[sflag:s5] =	ssyncadd.s32 @p0 $0xFFFFFFFF  }
0xaf: {  	s6 =	sshll.u32 @!p0 s1, $0xE  }
0xb0: {  	s6 =	sor.u32 @!p0 $0x4000, s6;
	s5 =	simm.s32 @!p0 $0x1B8D  }
0xb1: {  	s4 =	sshll.u32 @!p0 s4, $0x11;
	s6 =	sadd.s32 @!p0 $0x11B8D, s6;
	_ =	swait.eq @!p0 [sflag:s5], $0x1  }
0xb2: {  	s4 =	sor.u32 @!p0 s4, s6;
	[sflag:s5] =	ssyncadd.s32 @!p0 $0xFFFFFFFF  }
0xb3: {  	s25 =	simm.s32 $0x1B8E;
	s24 =	sld [smem:$0x3FFE];
	[sflag:s4] =	ssyncadd.remote.s32 @!p0 $0x1  }
0xb4: {  	s26 =	simm.s32 $execute0_lowered;
	[smem:$0x3FD2] =	sst s25  }
0xb5: {  	s5 =	sshll.u32 s26, $0x1;
	_ =	strace $0x80000055;
	[dreg:$0x1] =	wrdreg $0xFFFFFFFF  }
0xb6: {  	s28 =	simm.s32 $_size_execute0_lowered;
	s3 =	sadd.s32 s3, s5;
	[dreg:$0x0] =	wrdreg $0x0  }
0xb7: {  	s5 =	sshll.u32 s28, $0x1;
	[dreg:$0x2] =	wrdreg s3  }
0xb8: {  	[dreg:$0x3] =	wrdreg s5  }
0xb9: {  	[dreg:$0x4] =	wrdreg $0xC0  }
0xba: {  	_ =	task [dreg:s22], $0x5FFFF  }
0xbb: {  	[dreg:$0x1] =	wrdreg $0xFFFFFFFF  }
0xbc: {  	[dreg:$0x0] =	wrdreg $0x60  }
0xbd: {  	[dreg:$0x2] =	wrdreg s24  }
0xbe: {  	[dreg:$0x3] =	wrdreg $0x9  }
0xbf: {  	_ =	task.clear_ibuf [dreg:s22], $0x4FFFF;
	_ =	strace $0x90000055  }
0xc0: {  	s29 =	simm.s32 $0x9;
	_ =	strace $0x80000057  }
0xc1: {  	_ =	swait.ge [sflag:s29], $0x1  }
0xc2: {  	[sflag:s29] =	ssyncadd.s32 $0xFFFFFFFF  }
0xc3: {  	_ =	strace $0x90000057  }
0xc4: {  	_ =	sfence  }
0xc5: {  	s30 =	sld [smem:$0x0];
	_ =	sdelay $0x2  }
0xc6: {  	s31 =	sshll.u32 s1, $0xD;
	s1 =	sshrl.u32 s1, $0x2  }
0xc7: {  	s4 =	sand.u32 $0x4000, s31;
	s1 =	sadd.s32 s1, s30  }
0xc8: {  	s0 =	sor.u32 s4, s0;
	s1 =	sshll.u32 s1, $0x11  }
0xc9: {  	s0 =	sor.u32 s1, s0  }
0xca: {  	s0 =	sadd.s32 $0x8F2B, s0  }
0xcb: {  	[sflag:s0] =	ssyncadd.remote.s32 $0x1  }
0xcc: {  	_ =	sfence.sel $0xFFFF  }
0xcd: {  	[dreg:$0x0] =	wrdreg $0xFFFFFFFF;
	(pc) =	sbr.abs _section_cstart, $3  }
0xce: {  	[dreg:$0x1] =	wrdreg $0xFFFFFFFF  }
0xcf: {  	_ =	task.clear_ibuf [dreg:s22], $0x2FFFF;
	_ =	strace $0x9FFFFFFF  }
0xd0: {  	(tm) =	ssettm $0x7FFFFFFF  }
0xd1: {  	_ =	shalt  }
tec
execute0_lowered:
.L_overlay_start_1:
0x0: {  	(tag) =	ssettag $0x1  }
0x1: {  	s1 =	srdreg.scid  }
0x2: {  	s0 =	stileid.u32;
	s21 =	sand.u32 $0x1, s1  }
0x3: {  	s31 =	sshll.u32 s0, $0xB;
	s2 =	sshll.u32 s21, $0xA  }
0x4: {  	s9 =	rddreg [dreg:$0x0];
	s10 =	sor.u32 s2, s31  }
0x5: {  	s1 =	rddreg [dreg:$0x1];
	s2 =	simm.s32 $0x0;
	s3 =	sshrl.u32 s10, $0x3  }
0x6: {  	[smem:$0x7FF] =	sst s2;
	s3 =	sadd.s32 s3, s9  }
0x7: {  	_ =	strace $0x80000056;
	s4 =	sadd.s32 $0x8E00, s3;
	s3 =	simm.s32 $0x2  }
0x8: {  	[tilespmem:s2], [sflag:$0x2] =	stream.linear.gather [hbm4b:s4+s2], $0x400, $0x38;
	[tilespmem:$0x4400] =	vst v63  }
0x9: {  	_ =	swait.ge [sflag:s3], $0x400  }
0xa: {  	s6 =	simm.s32 $0x80;
	s7 =	simm.s32 $0x400;
	[sflag:s3] =	ssyncset.done $0x0  }
0xb: {  	s8 =	simm.s32 $0x1;
	s5 =	sadd.s32 $0xCE00, s9;
	[sflag:s3] =	ssyncadd.s32 $0xFFFFFC00  }
0xc: {  	[tilespmem:s7], [sflag:$0x1] =	stream.indirect.gather [hbm4b:s5+s6], $0x80, s2, s6, $0xb8;
	[tilespmem:$0x4400] =	vst v63  }
0xd: {  	s10 =	sshll.u32 s10, $0x4;
	_ =	swait.ge [sflag:s8], $0x4000  }
0xe: {  	s22 =	sadd.s32 s10, s9;
	[sflag:s8] =	ssyncset.done $0x0  }
0xf: {  	s9 =	sadd.s32 $0xACE00, s22;
	[sflag:s8] =	ssyncadd.s32 $0xFFFFC000  }
0x10: {  	[hbm4b:s9+s2] =	stream.linear.scatter [tilespmem:s7], [sflag:$0x2], $0x4000, $0x38;
	[tilespmem:$0x4400] =	vst v63  }
0x11: {  	_ =	swait.ge [sflag:s3], $0x4000  }
0x12: {  	[sflag:s3] =	ssyncset.done $0x0  }
0x13: {  	[sflag:s3] =	ssyncadd.s32 $0xFFFFC000  }
0x14: {  	[tilespmem:s7], [sflag:$0x1] =	stream.indirect.gather [hbm4b:s5+s6], $0x80, s6, s6, $0xb8;
	[tilespmem:$0x4400] =	vst v63  }
0x15: {  	_ =	swait.ge [sflag:s8], $0x4000  }
0x16: {  	[sflag:s8] =	ssyncset.done $0x0  }
0x17: {  	s10 =	sadd.s32 $0xAD600, s22;
	[sflag:s8] =	ssyncadd.s32 $0xFFFFC000  }
0x18: {  	[hbm4b:s10+s2] =	stream.linear.scatter [tilespmem:s7], [sflag:$0x2], $0x4000, $0x38;
	[tilespmem:$0x4400] =	vst v63  }
0x19: {  	_ =	swait.ge [sflag:s3], $0x4000  }
0x1a: {  	[sflag:s3] =	ssyncset.done $0x0  }
0x1b: {  	s11 =	simm.s32 $0x100;
	[sflag:s3] =	ssyncadd.s32 $0xFFFFC000  }
0x1c: {  	[tilespmem:s7], [sflag:$0x1] =	stream.indirect.gather [hbm4b:s5+s6], $0x80, s11, s6, $0xb8;
	[tilespmem:$0x4400] =	vst v63  }
0x1d: {  	_ =	swait.ge [sflag:s8], $0x4000  }
0x1e: {  	[sflag:s8] =	ssyncset.done $0x0  }
0x1f: {  	s12 =	sadd.s32 $0xADE00, s22;
	[sflag:s8] =	ssyncadd.s32 $0xFFFFC000  }
0x20: {  	[hbm4b:s12+s2] =	stream.linear.scatter [tilespmem:s7], [sflag:$0x2], $0x4000, $0x38;
	[tilespmem:$0x4400] =	vst v63  }
0x21: {  	_ =	swait.ge [sflag:s3], $0x4000  }
0x22: {  	[sflag:s3] =	ssyncset.done $0x0  }
0x23: {  	s13 =	simm.s32 $0x180;
	[sflag:s3] =	ssyncadd.s32 $0xFFFFC000  }
0x24: {  	[tilespmem:s7], [sflag:$0x1] =	stream.indirect.gather [hbm4b:s5+s6], $0x80, s13, s6, $0xb8;
	[tilespmem:$0x4400] =	vst v63  }
0x25: {  	_ =	swait.ge [sflag:s8], $0x4000  }
0x26: {  	[sflag:s8] =	ssyncset.done $0x0  }
0x27: {  	s14 =	sadd.s32 $0xAE600, s22;
	[sflag:s8] =	ssyncadd.s32 $0xFFFFC000  }
0x28: {  	[hbm4b:s14+s2] =	stream.linear.scatter [tilespmem:s7], [sflag:$0x2], $0x4000, $0x38;
	[tilespmem:$0x4400] =	vst v63  }
0x29: {  	_ =	swait.ge [sflag:s3], $0x4000  }
0x2a: {  	[sflag:s3] =	ssyncset.done $0x0  }
0x2b: {  	s15 =	simm.s32 $0x200;
	[sflag:s3] =	ssyncadd.s32 $0xFFFFC000  }
0x2c: {  	[tilespmem:s7], [sflag:$0x1] =	stream.indirect.gather [hbm4b:s5+s6], $0x80, s15, s6, $0xb8;
	[tilespmem:$0x4400] =	vst v63  }
0x2d: {  	_ =	swait.ge [sflag:s8], $0x4000  }
0x2e: {  	[sflag:s8] =	ssyncset.done $0x0  }
0x2f: {  	s16 =	sadd.s32 $0xAEE00, s22;
	[sflag:s8] =	ssyncadd.s32 $0xFFFFC000  }
0x30: {  	[hbm4b:s16+s2] =	stream.linear.scatter [tilespmem:s7], [sflag:$0x2], $0x4000, $0x38;
	[tilespmem:$0x4400] =	vst v63  }
0x31: {  	_ =	swait.ge [sflag:s3], $0x4000  }
0x32: {  	[sflag:s3] =	ssyncset.done $0x0  }
0x33: {  	s17 =	simm.s32 $0x280;
	[sflag:s3] =	ssyncadd.s32 $0xFFFFC000  }
0x34: {  	[tilespmem:s7], [sflag:$0x1] =	stream.indirect.gather [hbm4b:s5+s6], $0x80, s17, s6, $0xb8;
	[tilespmem:$0x4400] =	vst v63  }
0x35: {  	_ =	swait.ge [sflag:s8], $0x4000  }
0x36: {  	[sflag:s8] =	ssyncset.done $0x0  }
0x37: {  	s18 =	sadd.s32 $0xAF600, s22;
	[sflag:s8] =	ssyncadd.s32 $0xFFFFC000  }
0x38: {  	[hbm4b:s18+s2] =	stream.linear.scatter [tilespmem:s7], [sflag:$0x2], $0x4000, $0x38;
	[tilespmem:$0x4400] =	vst v63  }
0x39: {  	_ =	swait.ge [sflag:s3], $0x4000  }
0x3a: {  	[sflag:s3] =	ssyncset.done $0x0  }
0x3b: {  	s19 =	simm.s32 $0x300;
	[sflag:s3] =	ssyncadd.s32 $0xFFFFC000  }
0x3c: {  	[tilespmem:s7], [sflag:$0x1] =	stream.indirect.gather [hbm4b:s5+s6], $0x80, s19, s6, $0xb8;
	[tilespmem:$0x4400] =	vst v63  }
0x3d: {  	_ =	swait.ge [sflag:s8], $0x4000  }
0x3e: {  	[sflag:s8] =	ssyncset.done $0x0  }
0x3f: {  	s23 =	ssub.s32 $0x2, s21;
	s20 =	sadd.s32 $0xAFE00, s22;
	[sflag:s8] =	ssyncadd.s32 $0xFFFFC000  }
0x40: {  	[hbm4b:s20+s2] =	stream.linear.scatter [tilespmem:s7], [sflag:$0x2], $0x4000, $0x38;
	[tilespmem:$0x4400] =	vst v63  }
0x41: {  	s24 =	sshrl.u32 s23, $0x1;
	_ =	swait.ge [sflag:s3], $0x4000  }
0x42: {  	s23 =	ssub.s32 s23, s24;
	[sflag:s3] =	ssyncset.done $0x0  }
0x43: {  	s21 =	simm.s32 $0x380;
	s23 =	smax.u32 s23, $0x1;
	[sflag:s3] =	ssyncadd.s32 $0xFFFFC000  }
0x44: {  	[tilespmem:s7], [sflag:$0x1] =	stream.indirect.gather [hbm4b:s5+s6], $0x80, s21, s6, $0xb8;
	[tilespmem:$0x4400] =	vst v63  }
0x45: {  	p0 =	sne.s32 s23, $0x1;
	_ =	swait.ge [sflag:s8], $0x4000  }
.Ltmp0:
0x46: {  	[sflag:s8] =	ssyncset.done $0x0;
	(pc) =	sbr.rel @!p0 .LBB2_2-.Ltmp0, $4  }
0x47: {  	s22 =	sadd.s32 $0xB0600, s22;
	[sflag:s8] =	ssyncadd.s32 $0xFFFFC000  }
0x48: {  	[hbm4b:s22+s2] =	stream.linear.scatter [tilespmem:s7], [sflag:$0x2], $0x4000, $0x38;
	[tilespmem:$0x4400] =	vst v63  }
0x49: {  	_ =	swait.ge [sflag:s3], $0x4000  }
0x4a: {  	s23 =	sadd.s32 $0xFFFFFFFF, s23;
	[sflag:s3] =	ssyncset.done $0x0  }
.LBB2_1:
0x4b: {  	p0 =	sne.s32 s23, $0x1;
	s23 =	sadd.s32 $0xFFFFFFFF, s23;
	[sflag:s3] =	ssyncadd.s32 $0xFFFFC000  }
0x4c: {  	[tilespmem:s2], [sflag:$0x2] =	stream.linear.gather [hbm4b:s4+s2], $0x400, $0x38;
	[tilespmem:$0x4400] =	vst v63  }
0x4d: {  	_ =	swait.ge [sflag:s3], $0x400  }
0x4e: {  	[sflag:s3] =	ssyncset.done $0x0  }
0x4f: {  	[sflag:s3] =	ssyncadd.s32 $0xFFFFFC00  }
0x50: {  	[tilespmem:s7], [sflag:$0x1] =	stream.indirect.gather [hbm4b:s5+s6], $0x80, s2, s6, $0xb8;
	[tilespmem:$0x4400] =	vst v63  }
0x51: {  	_ =	swait.ge [sflag:s8], $0x4000  }
0x52: {  	[sflag:s8] =	ssyncset.done $0x0  }
0x53: {  	[sflag:s8] =	ssyncadd.s32 $0xFFFFC000  }
0x54: {  	[hbm4b:s9+s2] =	stream.linear.scatter [tilespmem:s7], [sflag:$0x2], $0x4000, $0x38;
	[tilespmem:$0x4400] =	vst v63  }
0x55: {  	_ =	swait.ge [sflag:s3], $0x4000  }
0x56: {  	[sflag:s3] =	ssyncset.done $0x0  }
0x57: {  	[sflag:s3] =	ssyncadd.s32 $0xFFFFC000  }
0x58: {  	[tilespmem:s7], [sflag:$0x1] =	stream.indirect.gather [hbm4b:s5+s6], $0x80, s6, s6, $0xb8;
	[tilespmem:$0x4400] =	vst v63  }
0x59: {  	_ =	swait.ge [sflag:s8], $0x4000  }
0x5a: {  	[sflag:s8] =	ssyncset.done $0x0  }
0x5b: {  	[sflag:s8] =	ssyncadd.s32 $0xFFFFC000  }
0x5c: {  	[hbm4b:s10+s2] =	stream.linear.scatter [tilespmem:s7], [sflag:$0x2], $0x4000, $0x38;
	[tilespmem:$0x4400] =	vst v63  }
0x5d: {  	_ =	swait.ge [sflag:s3], $0x4000  }
0x5e: {  	[sflag:s3] =	ssyncset.done $0x0  }
0x5f: {  	[sflag:s3] =	ssyncadd.s32 $0xFFFFC000  }
0x60: {  	[tilespmem:s7], [sflag:$0x1] =	stream.indirect.gather [hbm4b:s5+s6], $0x80, s11, s6, $0xb8;
	[tilespmem:$0x4400] =	vst v63  }
0x61: {  	_ =	swait.ge [sflag:s8], $0x4000  }
0x62: {  	[sflag:s8] =	ssyncset.done $0x0  }
0x63: {  	[sflag:s8] =	ssyncadd.s32 $0xFFFFC000  }
0x64: {  	[hbm4b:s12+s2] =	stream.linear.scatter [tilespmem:s7], [sflag:$0x2], $0x4000, $0x38;
	[tilespmem:$0x4400] =	vst v63  }
0x65: {  	_ =	swait.ge [sflag:s3], $0x4000  }
0x66: {  	[sflag:s3] =	ssyncset.done $0x0  }
0x67: {  	[sflag:s3] =	ssyncadd.s32 $0xFFFFC000  }
0x68: {  	[tilespmem:s7], [sflag:$0x1] =	stream.indirect.gather [hbm4b:s5+s6], $0x80, s13, s6, $0xb8;
	[tilespmem:$0x4400] =	vst v63  }
0x69: {  	_ =	swait.ge [sflag:s8], $0x4000  }
0x6a: {  	[sflag:s8] =	ssyncset.done $0x0  }
0x6b: {  	[sflag:s8] =	ssyncadd.s32 $0xFFFFC000  }
0x6c: {  	[hbm4b:s14+s2] =	stream.linear.scatter [tilespmem:s7], [sflag:$0x2], $0x4000, $0x38;
	[tilespmem:$0x4400] =	vst v63  }
0x6d: {  	_ =	swait.ge [sflag:s3], $0x4000  }
0x6e: {  	[sflag:s3] =	ssyncset.done $0x0  }
0x6f: {  	[sflag:s3] =	ssyncadd.s32 $0xFFFFC000  }
0x70: {  	[tilespmem:s7], [sflag:$0x1] =	stream.indirect.gather [hbm4b:s5+s6], $0x80, s15, s6, $0xb8;
	[tilespmem:$0x4400] =	vst v63  }
0x71: {  	_ =	swait.ge [sflag:s8], $0x4000  }
0x72: {  	[sflag:s8] =	ssyncset.done $0x0  }
0x73: {  	[sflag:s8] =	ssyncadd.s32 $0xFFFFC000  }
0x74: {  	[hbm4b:s16+s2] =	stream.linear.scatter [tilespmem:s7], [sflag:$0x2], $0x4000, $0x38;
	[tilespmem:$0x4400] =	vst v63  }
0x75: {  	_ =	swait.ge [sflag:s3], $0x4000  }
0x76: {  	[sflag:s3] =	ssyncset.done $0x0  }
0x77: {  	[sflag:s3] =	ssyncadd.s32 $0xFFFFC000  }
0x78: {  	[tilespmem:s7], [sflag:$0x1] =	stream.indirect.gather [hbm4b:s5+s6], $0x80, s17, s6, $0xb8;
	[tilespmem:$0x4400] =	vst v63  }
0x79: {  	_ =	swait.ge [sflag:s8], $0x4000  }
0x7a: {  	[sflag:s8] =	ssyncset.done $0x0  }
0x7b: {  	[sflag:s8] =	ssyncadd.s32 $0xFFFFC000  }
0x7c: {  	[hbm4b:s18+s2] =	stream.linear.scatter [tilespmem:s7], [sflag:$0x2], $0x4000, $0x38;
	[tilespmem:$0x4400] =	vst v63  }
0x7d: {  	_ =	swait.ge [sflag:s3], $0x4000  }
0x7e: {  	[sflag:s3] =	ssyncset.done $0x0  }
0x7f: {  	[sflag:s3] =	ssyncadd.s32 $0xFFFFC000  }
0x80: {  	[tilespmem:s7], [sflag:$0x1] =	stream.indirect.gather [hbm4b:s5+s6], $0x80, s19, s6, $0xb8;
	[tilespmem:$0x4400] =	vst v63  }
0x81: {  	_ =	swait.ge [sflag:s8], $0x4000  }
0x82: {  	[sflag:s8] =	ssyncset.done $0x0  }
0x83: {  	[sflag:s8] =	ssyncadd.s32 $0xFFFFC000  }
0x84: {  	[hbm4b:s20+s2] =	stream.linear.scatter [tilespmem:s7], [sflag:$0x2], $0x4000, $0x38;
	[tilespmem:$0x4400] =	vst v63  }
0x85: {  	_ =	swait.ge [sflag:s3], $0x4000  }
0x86: {  	[sflag:s3] =	ssyncset.done $0x0  }
0x87: {  	[sflag:s3] =	ssyncadd.s32 $0xFFFFC000  }
0x88: {  	[tilespmem:s7], [sflag:$0x1] =	stream.indirect.gather [hbm4b:s5+s6], $0x80, s21, s6, $0xb8;
	[tilespmem:$0x4400] =	vst v63  }
0x89: {  	_ =	swait.ge [sflag:s8], $0x4000  }
.Ltmp1:
0x8a: {  	[sflag:s8] =	ssyncset.done $0x0;
	(pc) =	sbr.rel @p0 .LBB2_1-.Ltmp1, $4  }
0x8b: {  	[sflag:s8] =	ssyncadd.s32 $0xFFFFC000  }
0x8c: {  	[hbm4b:s22+s2] =	stream.linear.scatter [tilespmem:s7], [sflag:$0x2], $0x4000, $0x38;
	[tilespmem:$0x4400] =	vst v63  }
0x8d: {  	_ =	swait.ge [sflag:s3], $0x4000  }
0x8e: {  	[sflag:s3] =	ssyncset.done $0x0  }
.LBB2_2:
0x8f: {  	[sflag:s3] =	ssyncadd.s32 $0xFFFFC000  }
0x90: {  	_ =	sfence.sel $0x180000  }
0x91: {  	[bflag:$0x0] =	sbarrier.arrive $0xFFFF  }
0x92: {  	p0 =	sne.s32 s0, $0x0;
	_ =	strace $0x90000056  }
0x93: {  	s0 =	sadd.s32 @!p0 $0x100000, s1;
	[bflag:$0x2] =	sbarrier.arrive $0xFFFF  }
0x94: {  	[sflag:s0] =	ssyncadd.tile.s32 @!p0 $0x1;
	_ =	shalt  }
.Lfunc_end2:
_tile_overlayer_lowered:
.L_overlay_start_2:
0x95: {  	(tag) =	ssettag $0x2  }
0x96: {  	s0 =	rddreg [dreg:$0x0];
	s2 =	stileid.u32  }
0x97: {  	s1 =	rddreg [dreg:$0x1];
	p0 =	sne.s32 s2, $0x0  }
0x98: {  	s3 =	rddreg [dreg:$0x2];
	[bflag:$0x3] =	sbarrier.arrive $0xFFFF;
	s2 =	simm.s32 @!p0 $0x1C02  }
0x99: {  	[timem:s3], [sflag:s2] =	dma.local @!p0 [hbm:s0], s1  }
0x9a: {  	s0 =	simm.s32 @!p0 $0x2  }
0x9b: {  	_ =	swait.ge @!p0 [sflag:s0], s1  }
0x9c: {  	s1 =	ssub.s32 @!p0 $0x0, s1;
	[sflag:s0] =	ssyncset.done @!p0 $0x0  }
0x9d: {  	[sflag:s0] =	ssyncadd.s32 @!p0 s1  }
0x9e: {  	[bflag:$0x3] =	sbarrier.arrive $0xFFFF  }
0x9f: {  	_ =	shalt  }

// kernel: kernel.39.cloned.1.call-start
scs
__scs_entry_jumppad:
0x0: {  	(pc) =	sbr.rel $0x88, $3  }
0x1: {  	(tag) =	ssettag $0x0;
	lr =	simm.s32 $0x1  }
0x2: {  	[smem:$0x3F8F] =	sst lr;
	_ =	strace $0xD0000000  }
0x3: {  	_ = 	snop  }
0x4: {  	_ = 	snop  }
0x5: {  	_ = 	snop  }
0x6: {  	_ = 	snop  }
0x7: {  	_ = 	snop  }
__scs_overlays_trampoline_lowered:
0x8: {  	[smem:$0x3F9E] =	sst s0  }
0x9: {  	[smem:$0x3F9F] =	sst s1  }
0xa: {  	[smem:$0x3FA0] =	sst s2  }
0xb: {  	[smem:$0x3FA1] =	sst s3  }
0xc: {  	[smem:$0x3FA2] =	sst s4  }
0xd: {  	[smem:$0x3FA3] =	sst s5  }
0xe: {  	[smem:$0x3FA4] =	sst s6  }
0xf: {  	[smem:$0x3FA5] =	sst s7  }
0x10: {  	[smem:$0x3FA6] =	sst s8  }
0x11: {  	[smem:$0x3FA7] =	sst s9;
	s0 =	simm.s32 @!p0 $0x0  }
0x12: {  	s1 =	sld [smem:$0x3F8D];
	s0 =	simm.s32 @p0 $0x1  }
0x13: {  	[smem:$0x3FA8] =	sst s0;
	s0 =	simm.s32 @!p1 $0x0  }
0x14: {  	s2 =	sld [smem:$0x3F8C];
	s0 =	simm.s32 @p1 $0x1  }
0x15: {  	[smem:$0x3FA9] =	sst s0;
	s0 =	simm.s32 @!p2 $0x0  }
0x16: {  	s3 =	sld [smem:$0x3FDB];
	s0 =	simm.s32 @p2 $0x1  }
0x17: {  	s4 =	simm.s32 $0x1BF5;
	[smem:$0x3FAB] =	sst s0  }
0x18: {  	s0 =	sld [smem:$0x3F8E];
	_ =	swait.ge [sflag:s4], $0x0  }
0x19: {  	s7 =	sld [smem:$0x3F8F]  }
0x1a: {  	s8 =	sadd.s32 $0xFFFFE003, lr  }
0x1b: {  	s9 =	sadd.s32 $0xFFFFFEF7, lr;
	s5 =	simm.s32 $0xFFFFFFFF;
	p2 =	slt.u32 s8, $0xFFFFF086  }
0x1c: {  	p1 =	slt.u32 s9, $0xF7A;
	s5 =	simm.s32 @!p2 $0x0  }
0x1d: {  	s5 =	simm.s32 @p1 $0x1;
	p0 =	seq.s32 s7, s2  }
0x1e: {  	s7 =	smul.u32 @!p0 $0xF7A, s2;
	p2 =	seq.s32 @!p0 s5, $0x0  }
0x1f: {  	s9 =	smul.u32 $0xF7A, s1;
	s8 =	simm.s32 @!p0 $0x1BF5;
	p2 =	por !p2, p0  }
0x20: {  	[sflag:s8] =	ssyncset.s32 @!p0 $0xFFFFF086;
	s6 =	sadd.s32 @!p0 s3, s7;
	s7 =	simm.s32 @!p0 $0x108  }
0x21: {  	s3 =	sadd.s32 s3, s9;
	s6 =	sadd.s32 @!p0 $0x88, s6;
	s7 =	simm.s32 @p2 $0x1082  }
0x22: {  	[simem:s7], [sflag:s8] =	dma.local @!p0 [hbm:s6], $0xF7A  }
0x23: {  	s9 =	sor.u32 $0xD0000000, s2;
	s6 =	simm.s32 $0x108;
	_ =	swait.ge @!p0 [sflag:s8], $0x0  }
0x24: {  	s3 =	sadd.s32 $0x88, s3;
	s6 =	simm.s32 @!p1 $0x1082;
	[sflag:s4] =	ssyncset.s32 $0xFFFFF086  }
0x25: {  	[simem:s6], [sflag:s4] =	dma.local [hbm:s3], $0xF7A  }
0x26: {  	[smem:$0x3F8F] =	sst s1;
	(tag) =	ssettag s2;
	_ =	strace s9  }
0x27: {  	s1 =	sld [smem:$0x3F9F]  }
0x28: {  	s2 =	sld [smem:$0x3FA0]  }
0x29: {  	s4 =	sld [smem:$0x3FA2]  }
0x2a: {  	p0 =	seq.s32 s5, $0x0;
	s5 =	sld [smem:$0x3FA3]  }
0x2b: {  	s6 =	sld [smem:$0x3FA4]  }
0x2c: {  	s7 =	sld [smem:$0x3FA5]  }
0x2d: {  	s3 =	simm.s32 $0x108;
	s8 =	sld [smem:$0x3FA6]  }
0x2e: {  	s3 =	simm.s32 @!p0 $0x1082;
	s9 =	sld [smem:$0x3FA7]  }
0x2f: {  	lr =	sadd.s32 s0, s3;
	s0 =	sld [smem:$0x3F9E]  }
0x30: {  	s3 =	sld [smem:$0x3FA1]  }
0x31: {  	[smem:$0x3FAA] =	sst s10  }
0x32: {  	s10 =	sld [smem:$0x3FA8];
	_ =	sdelay $0x3  }
0x33: {  	p0 =	seq.s32 s10, $0x1;
	s10 =	sld [smem:$0x3FAA];
	_ =	sdelay $0x3  }
0x34: {  	[smem:$0x3FAA] =	sst s10  }
0x35: {  	s10 =	sld [smem:$0x3FA9];
	_ =	sdelay $0x3  }
0x36: {  	p1 =	seq.s32 s10, $0x1;
	s10 =	sld [smem:$0x3FAA];
	_ =	sdelay $0x3  }
0x37: {  	[smem:$0x3FAA] =	sst s10  }
0x38: {  	s10 =	sld [smem:$0x3FAB]  }
0x39: {  	_ = 	snop;
	(pc) =	sbr.ind lr, $3  }
0x3a: {  	_ = 	snop  }
0x3b: {  	_ = 	snop  }
0x3c: {  	p2 =	seq.s32 s10, $0x1;
	s10 =	sld [smem:$0x3FAA]  }
0x3d: {  	_ =	shalt  }
0x3e: {  	_ =	shalt  }
0x3f: {  	_ =	shalt  }
0x40: {  	_ =	shalt  }
0x41: {  	_ =	shalt  }
0x42: {  	_ =	shalt  }
0x43: {  	_ =	shalt  }
0x44: {  	_ =	shalt  }
0x45: {  	_ =	shalt  }
0x46: {  	_ =	shalt  }
0x47: {  	_ =	shalt  }
0x48: {  	_ =	shalt  }
0x49: {  	_ =	shalt  }
0x4a: {  	_ =	shalt  }
0x4b: {  	_ =	shalt  }
0x4c: {  	_ =	shalt  }
0x4d: {  	_ =	shalt  }
0x4e: {  	_ =	shalt  }
0x4f: {  	_ =	shalt  }
0x50: {  	_ =	shalt  }
0x51: {  	_ =	shalt  }
0x52: {  	_ =	shalt  }
0x53: {  	_ =	shalt  }
0x54: {  	_ =	shalt  }
0x55: {  	_ =	shalt  }
0x56: {  	_ =	shalt  }
0x57: {  	_ =	shalt  }
0x58: {  	_ =	shalt  }
0x59: {  	_ =	shalt  }
0x5a: {  	_ =	shalt  }
0x5b: {  	_ =	shalt  }
0x5c: {  	_ =	shalt  }
0x5d: {  	_ =	shalt  }
0x5e: {  	_ =	shalt  }
0x5f: {  	_ =	shalt  }
0x60: {  	_ =	shalt  }
0x61: {  	_ =	shalt  }
0x62: {  	_ =	shalt  }
0x63: {  	_ =	shalt  }
0x64: {  	_ =	shalt  }
0x65: {  	_ =	shalt  }
0x66: {  	_ =	shalt  }
0x67: {  	_ =	shalt  }
0x68: {  	_ =	shalt  }
0x69: {  	_ =	shalt  }
0x6a: {  	_ =	shalt  }
0x6b: {  	_ =	shalt  }
0x6c: {  	_ =	shalt  }
0x6d: {  	_ =	shalt  }
0x6e: {  	_ =	shalt  }
0x6f: {  	_ =	shalt  }
0x70: {  	_ =	shalt  }
0x71: {  	_ =	shalt  }
0x72: {  	_ =	shalt  }
0x73: {  	_ =	shalt  }
0x74: {  	_ =	shalt  }
0x75: {  	_ =	shalt  }
0x76: {  	_ =	shalt  }
0x77: {  	_ =	shalt  }
0x78: {  	_ =	shalt  }
0x79: {  	_ =	shalt  }
0x7a: {  	_ =	shalt  }
0x7b: {  	_ =	shalt  }
0x7c: {  	_ =	shalt  }
0x7d: {  	_ =	shalt  }
0x7e: {  	_ =	shalt  }
0x7f: {  	_ =	shalt  }
0x80: {  	_ =	shalt  }
0x81: {  	_ =	shalt  }
0x82: {  	_ =	shalt  }
0x83: {  	_ =	shalt  }
0x84: {  	_ =	shalt  }
0x85: {  	_ =	shalt  }
0x86: {  	_ =	shalt  }
0x87: {  	_ =	shalt  }
.Lfunc_end0:
.L_simem_size_0:
called_computation.5_lowered:
.L_overlay_start_0:
0x88: {  	s2 =	sld [smem:$0x3FD9]  }
0x89: {  	s3 =	sld [smem:$0x3FFE];
	_ =	sdelay $0x1  }
0x8a: {  	s1 =	srdreg.scid  }
0x8b: {  	s0 =	sand.u32 $0x1, s1  }
0x8c: {  	s16 =	sshll.u32 s0, $0xA;
	s2 =	sadd.s32 s3, s2  }
0x8d: {  	s2 =	sadd.s32 s2, s16  }
0x8e: {  	[smem:$0x3FB6] =	sst s2  }
0x8f: {  	_ = 	snop  }
0x90: {  	(tm) =	ssettm $0x1  }
0x91: {  	s17 =	sld [smem:$0x3FFB];
	_ =	sdelay $0x3  }
0x92: {  	_ =	strace s17  }
0x93: {  	s2 =	sld [smem:$0x3FFC];
	_ =	sdelay $0x3  }
0x94: {  	_ =	strace s2  }
0x95: {  	s2 =	sld [smem:$0x3FFD];
	_ =	sdelay $0x3  }
0x96: {  	_ =	strace s2  }
0x97: {  	_ =	strace $0x8FFFFFFF  }
0x98: {  	s18 =	sld [smem:$0x3FDB];
	_ =	sdelay $0x1  }
0x99: {  	s19 =	simm.s32 $_scs_section_size  }
0x9a: {  	s4 =	simm.s32 $_size__tile_overlayer_lowered;
	s5 =	simm.s32 $_tile_overlayer_lowered  }
0x9b: {  	s22 =	simm.s32 $0x1BFF;
	s21 =	sshll.u32 s5, $0x1;
	s2 =	sadd.s32 s19, s18  }
0x9c: {  	s6 =	simm.s32 $0x0;
	s20 =	sshll.u32 s4, $0x1;
	s4 =	sadd.s32 s21, s2  }
0x9d: {  	[timem:s6], [sflag:s22] =	dma.local [hbm:s4], s20  }
0x9e: {  	_ =	swait.ge [sflag:s22], s20  }
0x9f: {  	s3 =	ssub.s32 $0x0, s20;
	[sflag:s22] =	ssyncset.done $0x0  }
0xa0: {  	[sflag:s22] =	ssyncadd.s32 s3;
	_ =	sdelay $0x1  }
0xa1: {  	s23 =	simm.s32 $0x1B8B  }
0xa2: {  	_ =	swait.ge [sflag:s23], $0x1  }
0xa3: {  	[sflag:s23] =	ssyncset.done $0x0  }
0xa4: {  	s25 =	simm.s32 $0x1B8E;
	s24 =	sld [smem:$0x3FFE];
	[sflag:s23] =	ssyncadd.s32 $0xFFFFFFFF  }
0xa5: {  	s26 =	simm.s32 $execute0_lowered;
	[smem:$0x3FD2] =	sst s25  }
0xa6: {  	s4 =	sshll.u32 s26, $0x1;
	_ =	strace $0x80000052;
	[dreg:$0x1] =	wrdreg $0xFFFFFFFF  }
0xa7: {  	s28 =	simm.s32 $_size_execute0_lowered;
	s2 =	sadd.s32 s2, s4;
	[dreg:$0x0] =	wrdreg $0x0  }
0xa8: {  	s4 =	sshll.u32 s28, $0x1;
	[dreg:$0x2] =	wrdreg s2  }
0xa9: {  	[dreg:$0x3] =	wrdreg s4  }
0xaa: {  	[dreg:$0x4] =	wrdreg $0xC0  }
0xab: {  	_ =	task [dreg:s6], $0x5FFFF  }
0xac: {  	[dreg:$0x1] =	wrdreg $0xFFFFFFFF  }
0xad: {  	[dreg:$0x0] =	wrdreg $0x60  }
0xae: {  	[dreg:$0x2] =	wrdreg s24  }
0xaf: {  	[dreg:$0x3] =	wrdreg $0xA  }
0xb0: {  	_ =	task.clear_ibuf [dreg:s6], $0x4FFFF;
	_ =	strace $0x90000052  }
0xb1: {  	s29 =	simm.s32 $0xA;
	_ =	strace $0x80000054  }
0xb2: {  	_ =	swait.ge [sflag:s29], $0x1  }
0xb3: {  	[sflag:s29] =	ssyncadd.s32 $0xFFFFFFFF  }
0xb4: {  	_ =	strace $0x90000054  }
0xb5: {  	_ =	sfence  }
0xb6: {  	s30 =	sld [smem:$0x0];
	_ =	sdelay $0x2  }
0xb7: {  	s31 =	sshll.u32 s1, $0xD;
	s1 =	sshrl.u32 s1, $0x2  }
0xb8: {  	s3 =	sand.u32 $0x4000, s31;
	s1 =	sadd.s32 s1, s30  }
0xb9: {  	s0 =	sor.u32 s3, s0;
	s1 =	sshll.u32 s1, $0x11  }
0xba: {  	s0 =	sor.u32 s1, s0  }
0xbb: {  	s0 =	sadd.s32 $0x8F2B, s0  }
0xbc: {  	[sflag:s0] =	ssyncadd.remote.s32 $0x1  }
0xbd: {  	_ =	sfence.sel $0xFFFF  }
0xbe: {  	[dreg:$0x0] =	wrdreg $0xFFFFFFFF;
	(pc) =	sbr.abs _section_cstart, $3  }
0xbf: {  	[dreg:$0x1] =	wrdreg $0xFFFFFFFF  }
0xc0: {  	_ =	task.clear_ibuf [dreg:s6], $0x2FFFF;
	_ =	strace $0x9FFFFFFF  }
0xc1: {  	(tm) =	ssettm $0x7FFFFFFF  }
tec
execute0_lowered:
.L_overlay_start_1:
0x0: {  	(tag) =	ssettag $0x1  }
0x1: {  	s1 =	srdreg.scid  }
0x2: {  	s0 =	stileid.u32;
	s21 =	sand.u32 $0x1, s1  }
0x3: {  	s31 =	sshll.u32 s0, $0xB;
	s2 =	sshll.u32 s21, $0xA  }
0x4: {  	s9 =	rddreg [dreg:$0x0];
	s10 =	sor.u32 s2, s31  }
0x5: {  	s1 =	rddreg [dreg:$0x1];
	s2 =	simm.s32 $0x0;
	s3 =	sshrl.u32 s10, $0x3  }
0x6: {  	[smem:$0x7FF] =	sst s2;
	s3 =	sadd.s32 s3, s9  }
0x7: {  	_ =	strace $0x80000053;
	s4 =	sadd.s32 $0x7E00, s3;
	s3 =	simm.s32 $0x2  }
0x8: {  	[tilespmem:s2], [sflag:$0x2] =	stream.linear.gather [hbm4b:s4+s2], $0x400, $0x38;
	[tilespmem:$0x4400] =	vst v63  }
0x9: {  	_ =	swait.ge [sflag:s3], $0x400  }
0xa: {  	s6 =	simm.s32 $0x80;
	s7 =	simm.s32 $0x400;
	[sflag:s3] =	ssyncset.done $0x0  }
0xb: {  	s8 =	simm.s32 $0x1;
	s5 =	sadd.s32 $0xCE00, s9;
	[sflag:s3] =	ssyncadd.s32 $0xFFFFFC00  }
0xc: {  	[tilespmem:s7], [sflag:$0x1] =	stream.indirect.gather [hbm4b:s5+s6], $0x80, s2, s6, $0xb8;
	[tilespmem:$0x4400] =	vst v63  }
0xd: {  	s10 =	sshll.u32 s10, $0x4;
	_ =	swait.ge [sflag:s8], $0x4000  }
0xe: {  	s22 =	sadd.s32 s10, s9;
	[sflag:s8] =	ssyncset.done $0x0  }
0xf: {  	s9 =	sadd.s32 $0x2CE00, s22;
	[sflag:s8] =	ssyncadd.s32 $0xFFFFC000  }
0x10: {  	[hbm4b:s9+s2] =	stream.linear.scatter [tilespmem:s7], [sflag:$0x2], $0x4000, $0x38;
	[tilespmem:$0x4400] =	vst v63  }
0x11: {  	_ =	swait.ge [sflag:s3], $0x4000  }
0x12: {  	[sflag:s3] =	ssyncset.done $0x0  }
0x13: {  	[sflag:s3] =	ssyncadd.s32 $0xFFFFC000  }
0x14: {  	[tilespmem:s7], [sflag:$0x1] =	stream.indirect.gather [hbm4b:s5+s6], $0x80, s6, s6, $0xb8;
	[tilespmem:$0x4400] =	vst v63  }
0x15: {  	_ =	swait.ge [sflag:s8], $0x4000  }
0x16: {  	[sflag:s8] =	ssyncset.done $0x0  }
0x17: {  	s10 =	sadd.s32 $0x2D600, s22;
	[sflag:s8] =	ssyncadd.s32 $0xFFFFC000  }
0x18: {  	[hbm4b:s10+s2] =	stream.linear.scatter [tilespmem:s7], [sflag:$0x2], $0x4000, $0x38;
	[tilespmem:$0x4400] =	vst v63  }
0x19: {  	_ =	swait.ge [sflag:s3], $0x4000  }
0x1a: {  	[sflag:s3] =	ssyncset.done $0x0  }
0x1b: {  	s11 =	simm.s32 $0x100;
	[sflag:s3] =	ssyncadd.s32 $0xFFFFC000  }
0x1c: {  	[tilespmem:s7], [sflag:$0x1] =	stream.indirect.gather [hbm4b:s5+s6], $0x80, s11, s6, $0xb8;
	[tilespmem:$0x4400] =	vst v63  }
0x1d: {  	_ =	swait.ge [sflag:s8], $0x4000  }
0x1e: {  	[sflag:s8] =	ssyncset.done $0x0  }
0x1f: {  	s12 =	sadd.s32 $0x2DE00, s22;
	[sflag:s8] =	ssyncadd.s32 $0xFFFFC000  }
0x20: {  	[hbm4b:s12+s2] =	stream.linear.scatter [tilespmem:s7], [sflag:$0x2], $0x4000, $0x38;
	[tilespmem:$0x4400] =	vst v63  }
0x21: {  	_ =	swait.ge [sflag:s3], $0x4000  }
0x22: {  	[sflag:s3] =	ssyncset.done $0x0  }
0x23: {  	s13 =	simm.s32 $0x180;
	[sflag:s3] =	ssyncadd.s32 $0xFFFFC000  }
0x24: {  	[tilespmem:s7], [sflag:$0x1] =	stream.indirect.gather [hbm4b:s5+s6], $0x80, s13, s6, $0xb8;
	[tilespmem:$0x4400] =	vst v63  }
0x25: {  	_ =	swait.ge [sflag:s8], $0x4000  }
0x26: {  	[sflag:s8] =	ssyncset.done $0x0  }
0x27: {  	s14 =	sadd.s32 $0x2E600, s22;
	[sflag:s8] =	ssyncadd.s32 $0xFFFFC000  }
0x28: {  	[hbm4b:s14+s2] =	stream.linear.scatter [tilespmem:s7], [sflag:$0x2], $0x4000, $0x38;
	[tilespmem:$0x4400] =	vst v63  }
0x29: {  	_ =	swait.ge [sflag:s3], $0x4000  }
0x2a: {  	[sflag:s3] =	ssyncset.done $0x0  }
0x2b: {  	s15 =	simm.s32 $0x200;
	[sflag:s3] =	ssyncadd.s32 $0xFFFFC000  }
0x2c: {  	[tilespmem:s7], [sflag:$0x1] =	stream.indirect.gather [hbm4b:s5+s6], $0x80, s15, s6, $0xb8;
	[tilespmem:$0x4400] =	vst v63  }
0x2d: {  	_ =	swait.ge [sflag:s8], $0x4000  }
0x2e: {  	[sflag:s8] =	ssyncset.done $0x0  }
0x2f: {  	s16 =	sadd.s32 $0x2EE00, s22;
	[sflag:s8] =	ssyncadd.s32 $0xFFFFC000  }
0x30: {  	[hbm4b:s16+s2] =	stream.linear.scatter [tilespmem:s7], [sflag:$0x2], $0x4000, $0x38;
	[tilespmem:$0x4400] =	vst v63  }
0x31: {  	_ =	swait.ge [sflag:s3], $0x4000  }
0x32: {  	[sflag:s3] =	ssyncset.done $0x0  }
0x33: {  	s17 =	simm.s32 $0x280;
	[sflag:s3] =	ssyncadd.s32 $0xFFFFC000  }
0x34: {  	[tilespmem:s7], [sflag:$0x1] =	stream.indirect.gather [hbm4b:s5+s6], $0x80, s17, s6, $0xb8;
	[tilespmem:$0x4400] =	vst v63  }
0x35: {  	_ =	swait.ge [sflag:s8], $0x4000  }
0x36: {  	[sflag:s8] =	ssyncset.done $0x0  }
0x37: {  	s18 =	sadd.s32 $0x2F600, s22;
	[sflag:s8] =	ssyncadd.s32 $0xFFFFC000  }
0x38: {  	[hbm4b:s18+s2] =	stream.linear.scatter [tilespmem:s7], [sflag:$0x2], $0x4000, $0x38;
	[tilespmem:$0x4400] =	vst v63  }
0x39: {  	_ =	swait.ge [sflag:s3], $0x4000  }
0x3a: {  	[sflag:s3] =	ssyncset.done $0x0  }
0x3b: {  	s19 =	simm.s32 $0x300;
	[sflag:s3] =	ssyncadd.s32 $0xFFFFC000  }
0x3c: {  	[tilespmem:s7], [sflag:$0x1] =	stream.indirect.gather [hbm4b:s5+s6], $0x80, s19, s6, $0xb8;
	[tilespmem:$0x4400] =	vst v63  }
0x3d: {  	_ =	swait.ge [sflag:s8], $0x4000  }
0x3e: {  	[sflag:s8] =	ssyncset.done $0x0  }
0x3f: {  	s23 =	ssub.s32 $0x2, s21;
	s20 =	sadd.s32 $0x2FE00, s22;
	[sflag:s8] =	ssyncadd.s32 $0xFFFFC000  }
0x40: {  	[hbm4b:s20+s2] =	stream.linear.scatter [tilespmem:s7], [sflag:$0x2], $0x4000, $0x38;
	[tilespmem:$0x4400] =	vst v63  }
0x41: {  	s24 =	sshrl.u32 s23, $0x1;
	_ =	swait.ge [sflag:s3], $0x4000  }
0x42: {  	s23 =	ssub.s32 s23, s24;
	[sflag:s3] =	ssyncset.done $0x0  }
0x43: {  	s21 =	simm.s32 $0x380;
	s23 =	smax.u32 s23, $0x1;
	[sflag:s3] =	ssyncadd.s32 $0xFFFFC000  }
0x44: {  	[tilespmem:s7], [sflag:$0x1] =	stream.indirect.gather [hbm4b:s5+s6], $0x80, s21, s6, $0xb8;
	[tilespmem:$0x4400] =	vst v63  }
0x45: {  	p0 =	sne.s32 s23, $0x1;
	_ =	swait.ge [sflag:s8], $0x4000  }
.Ltmp0:
0x46: {  	[sflag:s8] =	ssyncset.done $0x0;
	(pc) =	sbr.rel @!p0 .LBB2_2-.Ltmp0, $4  }
0x47: {  	s22 =	sadd.s32 $0x30600, s22;
	[sflag:s8] =	ssyncadd.s32 $0xFFFFC000  }
0x48: {  	[hbm4b:s22+s2] =	stream.linear.scatter [tilespmem:s7], [sflag:$0x2], $0x4000, $0x38;
	[tilespmem:$0x4400] =	vst v63  }
0x49: {  	_ =	swait.ge [sflag:s3], $0x4000  }
0x4a: {  	s23 =	sadd.s32 $0xFFFFFFFF, s23;
	[sflag:s3] =	ssyncset.done $0x0  }
.LBB2_1:
0x4b: {  	p0 =	sne.s32 s23, $0x1;
	s23 =	sadd.s32 $0xFFFFFFFF, s23;
	[sflag:s3] =	ssyncadd.s32 $0xFFFFC000  }
0x4c: {  	[tilespmem:s2], [sflag:$0x2] =	stream.linear.gather [hbm4b:s4+s2], $0x400, $0x38;
	[tilespmem:$0x4400] =	vst v63  }
0x4d: {  	_ =	swait.ge [sflag:s3], $0x400  }
0x4e: {  	[sflag:s3] =	ssyncset.done $0x0  }
0x4f: {  	[sflag:s3] =	ssyncadd.s32 $0xFFFFFC00  }
0x50: {  	[tilespmem:s7], [sflag:$0x1] =	stream.indirect.gather [hbm4b:s5+s6], $0x80, s2, s6, $0xb8;
	[tilespmem:$0x4400] =	vst v63  }
0x51: {  	_ =	swait.ge [sflag:s8], $0x4000  }
0x52: {  	[sflag:s8] =	ssyncset.done $0x0  }
0x53: {  	[sflag:s8] =	ssyncadd.s32 $0xFFFFC000  }
0x54: {  	[hbm4b:s9+s2] =	stream.linear.scatter [tilespmem:s7], [sflag:$0x2], $0x4000, $0x38;
	[tilespmem:$0x4400] =	vst v63  }
0x55: {  	_ =	swait.ge [sflag:s3], $0x4000  }
0x56: {  	[sflag:s3] =	ssyncset.done $0x0  }
0x57: {  	[sflag:s3] =	ssyncadd.s32 $0xFFFFC000  }
0x58: {  	[tilespmem:s7], [sflag:$0x1] =	stream.indirect.gather [hbm4b:s5+s6], $0x80, s6, s6, $0xb8;
	[tilespmem:$0x4400] =	vst v63  }
0x59: {  	_ =	swait.ge [sflag:s8], $0x4000  }
0x5a: {  	[sflag:s8] =	ssyncset.done $0x0  }
0x5b: {  	[sflag:s8] =	ssyncadd.s32 $0xFFFFC000  }
0x5c: {  	[hbm4b:s10+s2] =	stream.linear.scatter [tilespmem:s7], [sflag:$0x2], $0x4000, $0x38;
	[tilespmem:$0x4400] =	vst v63  }
0x5d: {  	_ =	swait.ge [sflag:s3], $0x4000  }
0x5e: {  	[sflag:s3] =	ssyncset.done $0x0  }
0x5f: {  	[sflag:s3] =	ssyncadd.s32 $0xFFFFC000  }
0x60: {  	[tilespmem:s7], [sflag:$0x1] =	stream.indirect.gather [hbm4b:s5+s6], $0x80, s11, s6, $0xb8;
	[tilespmem:$0x4400] =	vst v63  }
0x61: {  	_ =	swait.ge [sflag:s8], $0x4000  }
0x62: {  	[sflag:s8] =	ssyncset.done $0x0  }
0x63: {  	[sflag:s8] =	ssyncadd.s32 $0xFFFFC000  }
0x64: {  	[hbm4b:s12+s2] =	stream.linear.scatter [tilespmem:s7], [sflag:$0x2], $0x4000, $0x38;
	[tilespmem:$0x4400] =	vst v63  }
0x65: {  	_ =	swait.ge [sflag:s3], $0x4000  }
0x66: {  	[sflag:s3] =	ssyncset.done $0x0  }
0x67: {  	[sflag:s3] =	ssyncadd.s32 $0xFFFFC000  }
0x68: {  	[tilespmem:s7], [sflag:$0x1] =	stream.indirect.gather [hbm4b:s5+s6], $0x80, s13, s6, $0xb8;
	[tilespmem:$0x4400] =	vst v63  }
0x69: {  	_ =	swait.ge [sflag:s8], $0x4000  }
0x6a: {  	[sflag:s8] =	ssyncset.done $0x0  }
0x6b: {  	[sflag:s8] =	ssyncadd.s32 $0xFFFFC000  }
0x6c: {  	[hbm4b:s14+s2] =	stream.linear.scatter [tilespmem:s7], [sflag:$0x2], $0x4000, $0x38;
	[tilespmem:$0x4400] =	vst v63  }
0x6d: {  	_ =	swait.ge [sflag:s3], $0x4000  }
0x6e: {  	[sflag:s3] =	ssyncset.done $0x0  }
0x6f: {  	[sflag:s3] =	ssyncadd.s32 $0xFFFFC000  }
0x70: {  	[tilespmem:s7], [sflag:$0x1] =	stream.indirect.gather [hbm4b:s5+s6], $0x80, s15, s6, $0xb8;
	[tilespmem:$0x4400] =	vst v63  }
0x71: {  	_ =	swait.ge [sflag:s8], $0x4000  }
0x72: {  	[sflag:s8] =	ssyncset.done $0x0  }
0x73: {  	[sflag:s8] =	ssyncadd.s32 $0xFFFFC000  }
0x74: {  	[hbm4b:s16+s2] =	stream.linear.scatter [tilespmem:s7], [sflag:$0x2], $0x4000, $0x38;
	[tilespmem:$0x4400] =	vst v63  }
0x75: {  	_ =	swait.ge [sflag:s3], $0x4000  }
0x76: {  	[sflag:s3] =	ssyncset.done $0x0  }
0x77: {  	[sflag:s3] =	ssyncadd.s32 $0xFFFFC000  }
0x78: {  	[tilespmem:s7], [sflag:$0x1] =	stream.indirect.gather [hbm4b:s5+s6], $0x80, s17, s6, $0xb8;
	[tilespmem:$0x4400] =	vst v63  }
0x79: {  	_ =	swait.ge [sflag:s8], $0x4000  }
0x7a: {  	[sflag:s8] =	ssyncset.done $0x0  }
0x7b: {  	[sflag:s8] =	ssyncadd.s32 $0xFFFFC000  }
0x7c: {  	[hbm4b:s18+s2] =	stream.linear.scatter [tilespmem:s7], [sflag:$0x2], $0x4000, $0x38;
	[tilespmem:$0x4400] =	vst v63  }
0x7d: {  	_ =	swait.ge [sflag:s3], $0x4000  }
0x7e: {  	[sflag:s3] =	ssyncset.done $0x0  }
0x7f: {  	[sflag:s3] =	ssyncadd.s32 $0xFFFFC000  }
0x80: {  	[tilespmem:s7], [sflag:$0x1] =	stream.indirect.gather [hbm4b:s5+s6], $0x80, s19, s6, $0xb8;
	[tilespmem:$0x4400] =	vst v63  }
0x81: {  	_ =	swait.ge [sflag:s8], $0x4000  }
0x82: {  	[sflag:s8] =	ssyncset.done $0x0  }
0x83: {  	[sflag:s8] =	ssyncadd.s32 $0xFFFFC000  }
0x84: {  	[hbm4b:s20+s2] =	stream.linear.scatter [tilespmem:s7], [sflag:$0x2], $0x4000, $0x38;
	[tilespmem:$0x4400] =	vst v63  }
0x85: {  	_ =	swait.ge [sflag:s3], $0x4000  }
0x86: {  	[sflag:s3] =	ssyncset.done $0x0  }
0x87: {  	[sflag:s3] =	ssyncadd.s32 $0xFFFFC000  }
0x88: {  	[tilespmem:s7], [sflag:$0x1] =	stream.indirect.gather [hbm4b:s5+s6], $0x80, s21, s6, $0xb8;
	[tilespmem:$0x4400] =	vst v63  }
0x89: {  	_ =	swait.ge [sflag:s8], $0x4000  }
.Ltmp1:
0x8a: {  	[sflag:s8] =	ssyncset.done $0x0;
	(pc) =	sbr.rel @p0 .LBB2_1-.Ltmp1, $4  }
0x8b: {  	[sflag:s8] =	ssyncadd.s32 $0xFFFFC000  }
0x8c: {  	[hbm4b:s22+s2] =	stream.linear.scatter [tilespmem:s7], [sflag:$0x2], $0x4000, $0x38;
	[tilespmem:$0x4400] =	vst v63  }
0x8d: {  	_ =	swait.ge [sflag:s3], $0x4000  }
0x8e: {  	[sflag:s3] =	ssyncset.done $0x0  }
.LBB2_2:
0x8f: {  	[sflag:s3] =	ssyncadd.s32 $0xFFFFC000  }
0x90: {  	_ =	sfence.sel $0x180000  }
0x91: {  	[bflag:$0x0] =	sbarrier.arrive $0xFFFF  }
0x92: {  	p0 =	sne.s32 s0, $0x0;
	_ =	strace $0x90000053  }
0x93: {  	s0 =	sadd.s32 @!p0 $0x100000, s1;
	[bflag:$0x2] =	sbarrier.arrive $0xFFFF  }
0x94: {  	[sflag:s0] =	ssyncadd.tile.s32 @!p0 $0x1;
	_ =	shalt  }
.Lfunc_end2:
_tile_overlayer_lowered:
.L_overlay_start_2:
0x95: {  	(tag) =	ssettag $0x2  }
0x96: {  	s0 =	rddreg [dreg:$0x0];
	s2 =	stileid.u32  }
0x97: {  	s1 =	rddreg [dreg:$0x1];
	p0 =	sne.s32 s2, $0x0  }
0x98: {  	s3 =	rddreg [dreg:$0x2];
	[bflag:$0x3] =	sbarrier.arrive $0xFFFF;
	s2 =	simm.s32 @!p0 $0x1C02  }
0x99: {  	[timem:s3], [sflag:s2] =	dma.local @!p0 [hbm:s0], s1  }
0x9a: {  	s0 =	simm.s32 @!p0 $0x2  }
0x9b: {  	_ =	swait.ge @!p0 [sflag:s0], s1  }
0x9c: {  	s1 =	ssub.s32 @!p0 $0x0, s1;
	[sflag:s0] =	ssyncset.done @!p0 $0x0  }
0x9d: {  	[sflag:s0] =	ssyncadd.s32 @!p0 s1  }
0x9e: {  	[bflag:$0x3] =	sbarrier.arrive $0xFFFF  }
0x9f: {  	_ =	shalt  }

</sc_bundles>
